<compile_context>
chip_gen: v7x
topology: tpu7x:2x2x1
jax: 0.10.2.dev20260603
libtpu: 0.0.44.dev20260713+nightly
codegen_flags: <defaults>
</compile_context>

<pallas_src>
import functools

import jax
import jax.numpy as jnp
from jax import lax
from jax.experimental import pallas as pl
from jax.experimental.pallas import tpu as pltpu
from jax.experimental.pallas import tpu_sc as plsc

_N = 10000
_E = 320000
_D = 128
_F = 64
_NC = 2
_NS = 16
_K = 40
_EPT = _E // (_NC * _NS)
_NCH = _EPT // _K
_SB = 50
_NSB = _NCH // _SB
_NP = 10240
_RPS = _NP // _NS
_ROWBLK = 2000


def _lrelu_exp(t):
    return jnp.exp(jnp.maximum(t, 0.2 * t))



def _prep1_body(x_ref, w1_ref, as_ref, ad_ref, src_ref, dst_ref, init_ref):
    h = jnp.dot(x_ref[...], w1_ref[...], preferred_element_type=jnp.float32)
    ase = jnp.dot(h, as_ref[...], preferred_element_type=jnp.float32)
    ade = jnp.dot(h, ad_ref[...], preferred_element_type=jnp.float32)
    w_self = _lrelu_exp(ase + ade)
    src_ref[...] = jnp.concatenate([h, ase], axis=1)
    dst_ref[...] = jnp.concatenate([ade, ade], axis=1)
    init_ref[...] = jnp.concatenate([w_self * h, w_self], axis=1)


def _mid_body(part_ref, b1_ref, w2_ref, as_ref, ad_ref,
              src_ref, dst_ref, init_ref):
    p = part_ref[0] + part_ref[1]
    o = p[:, 0:_F] / (p[:, _F:2 * _F] + 1e-16) + b1_ref[0:1, :]
    o = jnp.where(o > 0.0, o, jnp.exp(jnp.minimum(o, 0.0)) - 1.0)
    h2 = jnp.dot(o, w2_ref[...], preferred_element_type=jnp.float32)
    ase = jnp.dot(h2, as_ref[...], preferred_element_type=jnp.float32)
    ade = jnp.dot(h2, ad_ref[...], preferred_element_type=jnp.float32)
    w_self = _lrelu_exp(ase + ade)
    src_ref[...] = jnp.concatenate([h2, ase], axis=1)
    dst_ref[...] = jnp.concatenate([ade, ade], axis=1)
    init_ref[...] = jnp.concatenate([w_self * h2, w_self], axis=1)


def _final_body(part_ref, b2_ref, out_ref):
    p = part_ref[0] + part_ref[1]
    out_ref[...] = p[:, 0:_F] / (p[:, _F:2 * _F] + 1e-16) + b2_ref[0:1, :]


def _row_call(body, extra_shapes, out_widths):
    n_blk = _N // _ROWBLK
    if len(extra_shapes[0]) == 3:
        in_specs = [pl.BlockSpec((2, _ROWBLK, _D), lambda i: (0, i, 0))]
    else:
        in_specs = [pl.BlockSpec((_ROWBLK, _D), lambda i: (i, 0))]
    in_specs += [pl.BlockSpec(s, lambda i, _r=len(s): (0,) * _r)
                 for s in extra_shapes[1:]]
    return pl.pallas_call(
        body,
        grid=(n_blk,),
        in_specs=in_specs,
        out_specs=[pl.BlockSpec((_ROWBLK, w), lambda i: (i, 0))
                   for w in out_widths],
        out_shape=[jax.ShapeDtypeStruct((_N, w), jnp.float32)
                   for w in out_widths],
    )



def _sc_body(src_idx, dst_idx, src_tab, dst_tab, init_tab, out,
             sidx_blk, didx_blk,
             srows_a, drows_a, mw_a, srows_b, drows_b, mw_b, acc_sh,
             g1a, g2a, sa, g1b, g2b, sb_sem):
    c = lax.axis_index("c")
    s = lax.axis_index("s")
    wid = s * _NC + c
    pltpu.sync_copy(init_tab.at[c, pl.ds(s * _RPS, _RPS), :],
                    acc_sh.at[pl.ds(s * _RPS, _RPS), :])
    plsc.subcore_barrier()

    def issue_gather(li, srows_v, drows_v, g1, g2):
        pltpu.async_copy(src_tab.at[sidx_blk.at[li]], srows_v, g1)
        pltpu.async_copy(dst_tab.at[didx_blk.at[li]], drows_v, g2)

    def wait_gather(srows_v, drows_v, g1, g2):
        pltpu.make_async_copy(src_tab.at[pl.ds(0, _K), :], srows_v, g1).wait()
        pltpu.make_async_copy(dst_tab.at[pl.ds(0, _K), :], drows_v, g2).wait()

    def prime_scatter(mw_v, ssem):
        pltpu.async_copy(init_tab.at[0, pl.ds(0, _K), :], mw_v, ssem)

    def wait_scatter(mw_v, ssem):
        pltpu.make_async_copy(init_tab.at[0, pl.ds(0, _K), :], mw_v,
                              ssem).wait()

    def compute(srows_v, drows_v, mw_v):
        def edge(k, carry2):
            for j in range(_F // 16):
                sl = pl.ds(16 * j, 16)
                sl_hi = pl.ds(_F + 16 * j, 16)
                w = _lrelu_exp(srows_v[k, sl_hi] + drows_v[k, sl])
                mw_v[k, sl] = srows_v[k, sl] * w
                mw_v[k, sl_hi] = w
            return carry2

        lax.fori_loop(0, _K, edge, 0)

    prime_scatter(mw_a, sa)
    prime_scatter(mw_b, sb_sem)

    def superblock(sbi, carry):
        wait_scatter(mw_a, sa)
        wait_scatter(mw_b, sb_sem)
        pltpu.sync_copy(src_idx.at[wid, sbi], sidx_blk)
        pltpu.sync_copy(dst_idx.at[wid, sbi], didx_blk)
        prime_scatter(mw_a, sa)
        prime_scatter(mw_b, sb_sem)
        issue_gather(0, srows_a, drows_a, g1a, g2a)
        issue_gather(1, srows_b, drows_b, g1b, g2b)

        def body(i2, carry2):
            l0 = 2 * i2
            l1 = l0 + 1
            wait_gather(srows_a, drows_a, g1a, g2a)
            wait_scatter(mw_a, sa)
            compute(srows_a, drows_a, mw_a)
            pltpu.async_copy(mw_a, acc_sh.at[didx_blk.at[l0]], sa, add=True)
            issue_gather(l0 + 2, srows_a, drows_a, g1a, g2a)
            wait_gather(srows_b, drows_b, g1b, g2b)
            wait_scatter(mw_b, sb_sem)
            compute(srows_b, drows_b, mw_b)
            pltpu.async_copy(mw_b, acc_sh.at[didx_blk.at[l1]], sb_sem,
                             add=True)
            issue_gather(l1 + 2, srows_b, drows_b, g1b, g2b)
            return carry2

        lax.fori_loop(0, _SB // 2 - 1, body, 0)

        wait_gather(srows_a, drows_a, g1a, g2a)
        wait_scatter(mw_a, sa)
        compute(srows_a, drows_a, mw_a)
        pltpu.async_copy(mw_a, acc_sh.at[didx_blk.at[_SB - 2]], sa, add=True)
        wait_gather(srows_b, drows_b, g1b, g2b)
        wait_scatter(mw_b, sb_sem)
        compute(srows_b, drows_b, mw_b)
        pltpu.async_copy(mw_b, acc_sh.at[didx_blk.at[_SB - 1]], sb_sem,
                         add=True)
        return carry

    lax.fori_loop(0, _NSB, superblock, 0)
    wait_scatter(mw_a, sa)
    wait_scatter(mw_b, sb_sem)

    plsc.subcore_barrier()
    pltpu.sync_copy(acc_sh.at[pl.ds(s * _RPS, _RPS), :],
                    out.at[c, pl.ds(s * _RPS, _RPS), :])


@functools.lru_cache(maxsize=1)
def _get_sc_edge_pass():
    mesh = plsc.VectorSubcoreMesh(core_axis_name="c", subcore_axis_name="s")
    return pl.kernel(
        _sc_body,
        out_type=jax.ShapeDtypeStruct((_NC, _NP, _D), jnp.float32),
        mesh=mesh,
        scratch_types=[
            pltpu.VMEM((_SB, _K), jnp.int32),
            pltpu.VMEM((_SB, _K), jnp.int32),
            pltpu.VMEM((_K, _D), jnp.float32),
            pltpu.VMEM((_K, _D), jnp.float32),
            pltpu.VMEM((_K, _D), jnp.float32),
            pltpu.VMEM((_K, _D), jnp.float32),
            pltpu.VMEM((_K, _D), jnp.float32),
            pltpu.VMEM((_K, _D), jnp.float32),
            pltpu.VMEM_SHARED((_NP, _D), jnp.float32),
            pltpu.SemaphoreType.DMA,
            pltpu.SemaphoreType.DMA,
            pltpu.SemaphoreType.DMA,
            pltpu.SemaphoreType.DMA,
            pltpu.SemaphoreType.DMA,
            pltpu.SemaphoreType.DMA,
        ],
    )


def _sc_edge_pass(src_ids, dst_ids, src_tab, dst_tab, init_full):
    pad = jnp.zeros((_NC, _NP - _N, _D), jnp.float32)
    init_pad = jnp.concatenate([init_full, pad], axis=1)
    nw = _NC * _NS
    part = _get_sc_edge_pass()(src_ids.reshape(nw, _NSB, _SB, _K),
                               dst_ids.reshape(nw, _NSB, _SB, _K),
                               src_tab, dst_tab, init_pad)
    return part[:, :_N, :]



def _expand_coeff1(a):
    eye8 = jnp.eye(8, dtype=jnp.float32)
    full = a[:, :, None, None] * eye8[:, None, :, None]
    return jnp.broadcast_to(full, (8, 8, 8, 8)).reshape(64, 64)


def _expand_coeff2(a):
    return jnp.broadcast_to(a.reshape(_F, 1), (_F, _F))


def kernel(x, edge_index, W1, a_src1, a_dst1, b1, W2, a_src2, a_dst2, b2):
    src_ids = edge_index[0]
    dst_ids = edge_index[1]

    prep1 = _row_call(_prep1_body,
                      [(_ROWBLK, _D), (_D, _F), (_F, _F), (_F, _F)],
                      [_D, _D, _D])
    src1, dst1, init1 = prep1(x, W1, _expand_coeff1(a_src1),
                              _expand_coeff1(a_dst1))
    init1_full = jnp.stack([init1, jnp.zeros_like(init1)])
    part1 = _sc_edge_pass(src_ids, dst_ids, src1, dst1, init1_full)

    b1_pad = jnp.broadcast_to(b1.reshape(1, _F), (8, _F))
    b2_pad = jnp.broadcast_to(b2.reshape(1, _F), (8, _F))

    mid = _row_call(_mid_body,
                    [(2, _ROWBLK, _D), (8, _F), (_F, _F), (_F, _F), (_F, _F)],
                    [_D, _D, _D])
    src2, dst2, init2 = mid(part1, b1_pad, W2,
                            _expand_coeff2(a_src2), _expand_coeff2(a_dst2))
    init2_full = jnp.stack([init2, jnp.zeros_like(init2)])
    part2 = _sc_edge_pass(src_ids, dst_ids, src2, dst2, init2_full)

    final = _row_call(_final_body, [(2, _ROWBLK, _D), (8, _F)], [_F])
    (out,) = final(part2, b2_pad)
    return out

# --- scband reference (transcript-rebuilt; emitter-appended) ---
"""Pipeline reference for scband-gatencoder-35605278883997 (READ-ONLY COPY).

The authoritative reference and input builder live on the scoring server;
editing this copy changes nothing except your own understanding.
"""

import jax, jax.numpy as jnp
import numpy as np

N = 10000
E = 320000
D_IN = 128
H1, C1 = 8, 8
H2, C2 = 1, 64


def setup_inputs(seed: int = 0) -> dict:
    key = jax.random.key(seed)
    ks = jax.random.split(key, 10)
    x = jax.random.normal(ks[0], (N, D_IN), dtype=jnp.float32)
    edge_index = jax.random.randint(ks[1], (2, E), 0, N, dtype=jnp.int32)
    W1 = jax.random.normal(ks[2], (D_IN, H1 * C1), dtype=jnp.float32) * (1.0 / np.sqrt(D_IN))
    a_src1 = jax.random.normal(ks[3], (H1, C1), dtype=jnp.float32) * 0.1
    a_dst1 = jax.random.normal(ks[4], (H1, C1), dtype=jnp.float32) * 0.1
    b1 = jnp.zeros((H1 * C1,), dtype=jnp.float32)
    W2 = jax.random.normal(ks[5], (H1 * C1, H2 * C2), dtype=jnp.float32) * (1.0 / np.sqrt(H1 * C1))
    a_src2 = jax.random.normal(ks[6], (H2, C2), dtype=jnp.float32) * 0.1
    a_dst2 = jax.random.normal(ks[7], (H2, C2), dtype=jnp.float32) * 0.1
    b2 = jnp.zeros((C2,), dtype=jnp.float32)
    return {"x": x, "edge_index": edge_index, "W1": W1, "a_src1": a_src1, "a_dst1": a_dst1, "b1": b1,
            "W2": W2, "a_src2": a_src2, "a_dst2": a_dst2, "b2": b2}


def _gat_layer(x, src, dst, W, a_src, a_dst, b, heads, ch, concat, n_nodes):
    # Linear projection per head (PyG GATConv: lin has no bias)
    h = (x @ W).reshape(n_nodes, heads, ch)
    alpha_src = (h * a_src[None, :, :]).sum(axis=-1)  # [N, H]
    alpha_dst = (h * a_dst[None, :, :]).sum(axis=-1)  # [N, H]
    alpha = jax.nn.leaky_relu(alpha_src[src] + alpha_dst[dst], negative_slope=0.2)  # [E, H]
    # segment softmax over incoming edges of each dst node (stable via stop-grad max)
    amax = jax.lax.stop_gradient(jax.ops.segment_max(alpha, dst, num_segments=n_nodes))
    ex = jnp.exp(alpha - amax[dst])
    den = jax.ops.segment_sum(ex, dst, num_segments=n_nodes)
    coef = ex / (den[dst] + 1e-16)
    out = jax.ops.segment_sum(h[src] * coef[:, :, None], dst, num_segments=n_nodes)  # [N, H, C]
    if concat:
        out = out.reshape(n_nodes, heads * ch)
    else:
        out = out.mean(axis=1)
    return out + b


def reference(x, edge_index, W1, a_src1, a_dst1, b1, W2, a_src2, a_dst2, b2):
    n_nodes = x.shape[0]
    # PyG GATConv default add_self_loops=True
    loops = jnp.arange(n_nodes, dtype=edge_index.dtype)
    src = jnp.concatenate([edge_index[0], loops])
    dst = jnp.concatenate([edge_index[1], loops])
    h = jax.nn.elu(_gat_layer(x, src, dst, W1, a_src1, a_dst1, b1, H1, C1, True, n_nodes))
    out = _gat_layer(h, src, dst, W2, a_src2, a_dst2, b2, H2, C2, False, n_nodes)
    return out

if __name__ == "__main__":
    import jax
    _d = setup_inputs()
    print(jax.jit(kernel)(*tuple(_d.values())))

</pallas_src>

<mosaic_0001>
#map = affine_map<(d0, d1) -> (0, 0, 0, 0)>
#map1 = affine_map<(d0, d1) -> (0, 0)>
#map2 = affine_map<(d0, d1) -> (0, 0, 0)>
module attributes {stable_mosaic.version = 14 : i64} {
  func.func @_sc_body(%arg0: i32, %arg1: i32, %arg2: memref<32x5x50x40xi32, #tpu.memory_space<hbm>>, %arg3: memref<32x5x50x40xi32, #tpu.memory_space<hbm>>, %arg4: memref<10000x128xf32, #tpu.memory_space<hbm>>, %arg5: memref<10000x128xf32, #tpu.memory_space<hbm>>, %arg6: memref<2x10240x128xf32, #tpu.memory_space<hbm>>, %arg7: memref<2x10240x128xf32, #tpu.memory_space<hbm>>, %arg8: memref<50x40xi32, #tpu.memory_space<vmem>>, %arg9: memref<50x40xi32, #tpu.memory_space<vmem>>, %arg10: memref<40x128xf32, #tpu.memory_space<vmem>>, %arg11: memref<40x128xf32, #tpu.memory_space<vmem>>, %arg12: memref<40x128xf32, #tpu.memory_space<vmem>>, %arg13: memref<40x128xf32, #tpu.memory_space<vmem>>, %arg14: memref<40x128xf32, #tpu.memory_space<vmem>>, %arg15: memref<40x128xf32, #tpu.memory_space<vmem>>, %arg16: memref<10240x128xf32, #tpu.memory_space<vmem_shared>>, %arg17: memref<!tpu.dma_semaphore, #tpu.memory_space<semaphore_mem>>, %arg18: memref<!tpu.dma_semaphore, #tpu.memory_space<semaphore_mem>>, %arg19: memref<!tpu.dma_semaphore, #tpu.memory_space<semaphore_mem>>, %arg20: memref<!tpu.dma_semaphore, #tpu.memory_space<semaphore_mem>>, %arg21: memref<!tpu.dma_semaphore, #tpu.memory_space<semaphore_mem>>, %arg22: memref<!tpu.dma_semaphore, #tpu.memory_space<semaphore_mem>>) attributes {dimension_semantics = [#tpu.dimension_semantics<core_parallel>, #tpu.dimension_semantics<subcore_parallel>], iteration_bounds = array<i64: 2, 16>, scalar_prefetch = 0 : i64, scratch_operands = 15 : i64, tpu.core_type = #tpu.core_type<sc_vector_subcore>, window_params = [{transform_indices = #map}, {transform_indices = #map}, {transform_indices = #map1}, {transform_indices = #map1}, {transform_indices = #map2}, {transform_indices = #map2}]} {
    %mul3A = arith.constant 2 : i32
    %mul3A_0 = arith.muli %arg1, %mul3A : i32
    %add3A = arith.addi %mul3A_0, %arg0 : i32
    %mul3A_1 = arith.constant 640 : i32
    %mul3A_2 = arith.muli %arg1, %mul3A_1 : i32
    %mul3A_3 = arith.constant 640 : i32
    %mul3A_4 = arith.muli %arg1, %mul3A_3 : i32
    "tpu.region"() ({
      %run_scoped3A = tpu.sem_alloc : memref<!tpu.dma_semaphore, #tpu.memory_space<semaphore_mem>>
      %dma_start3A_49 = arith.constant 0 : i32
      %dma_start3A_50 = tpu.memref_slice %arg16[%mul3A_4, %dma_start3A_49] : memref<10240x128xf32, #tpu.memory_space<vmem_shared>> -> memref<640x128xf32, #tpu.memory_space<vmem_shared>>
      %dma_start3A_51 = arith.constant 0 : i32
      %dma_start3A_52 = tpu.memref_slice %arg6[%arg0, %mul3A_2, %dma_start3A_51] : memref<2x10240x128xf32, #tpu.memory_space<hbm>> -> memref<1x640x128xf32, #tpu.memory_space<hbm>>
      %dma_start3A_53 = tpu.memref_squeeze %dma_start3A_52 : memref<1x640x128xf32, #tpu.memory_space<hbm>> -> memref<640x128xf32, #tpu.memory_space<hbm>>
      tpu.enqueue_dma source(%dma_start3A_53 : memref<640x128xf32, #tpu.memory_space<hbm>>) target(%dma_start3A_50 : memref<640x128xf32, #tpu.memory_space<vmem_shared>>) target_semaphore(%run_scoped3A : memref<!tpu.dma_semaphore, #tpu.memory_space<semaphore_mem>>)
      %dma_wait3A_54 = arith.constant 0 : i32
      %dma_wait3A_55 = tpu.memref_slice %arg16[%mul3A_4, %dma_wait3A_54] : memref<10240x128xf32, #tpu.memory_space<vmem_shared>> -> memref<640x128xf32, #tpu.memory_space<vmem_shared>>
      %dma_wait3A_56 = arith.constant 0 : i32
      %dma_wait3A_57 = tpu.memref_slice %arg6[%arg0, %mul3A_2, %dma_wait3A_56] : memref<2x10240x128xf32, #tpu.memory_space<hbm>> -> memref<1x640x128xf32, #tpu.memory_space<hbm>>
      %dma_wait3A_58 = tpu.memref_squeeze %dma_wait3A_57 : memref<1x640x128xf32, #tpu.memory_space<hbm>> -> memref<640x128xf32, #tpu.memory_space<hbm>>
      tpu.wait_dma2 semaphore(%run_scoped3A : memref<!tpu.dma_semaphore, #tpu.memory_space<semaphore_mem>>) src(%dma_wait3A_58 : memref<640x128xf32, #tpu.memory_space<hbm>>) dst(%dma_wait3A_55 : memref<640x128xf32, #tpu.memory_space<vmem_shared>>)
      tpu.yield
    }) : () -> ()
    %barrier3A = arith.constant 0 : index
    tpu.barrier barrier_id(%barrier3A)
    %dma_start3A = arith.constant 0 : i32
    %dma_start3A_5 = arith.constant 0 : i32
    %dma_start3A_6 = arith.constant 0 : i32
    %dma_start3A_7 = tpu.memref_slice %arg6[%dma_start3A, %dma_start3A_5, %dma_start3A_6] : memref<2x10240x128xf32, #tpu.memory_space<hbm>> -> memref<1x40x128xf32, #tpu.memory_space<hbm>>
    %dma_start3A_8 = tpu.memref_squeeze %dma_start3A_7 : memref<1x40x128xf32, #tpu.memory_space<hbm>> -> memref<40x128xf32, #tpu.memory_space<hbm>>
    %dma_start3A_9 = arith.constant 0 : i32
    %dma_start3A_10 = arith.constant 0 : i32
    %dma_start3A_11 = tpu.memref_slice %arg6[%dma_start3A, %dma_start3A_9, %dma_start3A_10] : memref<2x10240x128xf32, #tpu.memory_space<hbm>> -> memref<1x40x128xf32, #tpu.memory_space<hbm>>
    %dma_start3A_12 = tpu.memref_squeeze %dma_start3A_11 : memref<1x40x128xf32, #tpu.memory_space<hbm>> -> memref<40x128xf32, #tpu.memory_space<hbm>>
    tpu.enqueue_dma source(%dma_start3A_12 : memref<40x128xf32, #tpu.memory_space<hbm>>) target(%arg12 : memref<40x128xf32, #tpu.memory_space<vmem>>) target_semaphore(%arg19 : memref<!tpu.dma_semaphore, #tpu.memory_space<semaphore_mem>>)
    %dma_start3A_13 = arith.constant 0 : i32
    %dma_start3A_14 = arith.constant 0 : i32
    %dma_start3A_15 = arith.constant 0 : i32
    %dma_start3A_16 = tpu.memref_slice %arg6[%dma_start3A_13, %dma_start3A_14, %dma_start3A_15] : memref<2x10240x128xf32, #tpu.memory_space<hbm>> -> memref<1x40x128xf32, #tpu.memory_space<hbm>>
    %dma_start3A_17 = tpu.memref_squeeze %dma_start3A_16 : memref<1x40x128xf32, #tpu.memory_space<hbm>> -> memref<40x128xf32, #tpu.memory_space<hbm>>
    %dma_start3A_18 = arith.constant 0 : i32
    %dma_start3A_19 = arith.constant 0 : i32
    %dma_start3A_20 = tpu.memref_slice %arg6[%dma_start3A_13, %dma_start3A_18, %dma_start3A_19] : memref<2x10240x128xf32, #tpu.memory_space<hbm>> -> memref<1x40x128xf32, #tpu.memory_space<hbm>>
    %dma_start3A_21 = tpu.memref_squeeze %dma_start3A_20 : memref<1x40x128xf32, #tpu.memory_space<hbm>> -> memref<40x128xf32, #tpu.memory_space<hbm>>
    tpu.enqueue_dma source(%dma_start3A_21 : memref<40x128xf32, #tpu.memory_space<hbm>>) target(%arg15 : memref<40x128xf32, #tpu.memory_space<vmem>>) target_semaphore(%arg22 : memref<!tpu.dma_semaphore, #tpu.memory_space<semaphore_mem>>)
    %scan3A = arith.constant 0 : i32
    %scan3A_22 = arith.constant 0 : i32
    %scan3A_23 = arith.constant 5 : i32
    %scan3A_24 = arith.addi %scan3A_22, %scan3A_23 : i32
    %scan3A_25 = arith.constant 1 : i32
    scf.for %scan3A_49 = %scan3A_22 to %scan3A_24 step %scan3A_25  : i32 {
      %dma_wait3A_50 = arith.constant 0 : i32
      %dma_wait3A_51 = arith.constant 0 : i32
      %dma_wait3A_52 = arith.constant 0 : i32
      %dma_wait3A_53 = tpu.memref_slice %arg6[%dma_wait3A_50, %dma_wait3A_51, %dma_wait3A_52] : memref<2x10240x128xf32, #tpu.memory_space<hbm>> -> memref<1x40x128xf32, #tpu.memory_space<hbm>>
      %dma_wait3A_54 = tpu.memref_squeeze %dma_wait3A_53 : memref<1x40x128xf32, #tpu.memory_space<hbm>> -> memref<40x128xf32, #tpu.memory_space<hbm>>
      %dma_wait3A_55 = arith.constant 0 : i32
      %dma_wait3A_56 = arith.constant 0 : i32
      %dma_wait3A_57 = tpu.memref_slice %arg6[%dma_wait3A_50, %dma_wait3A_55, %dma_wait3A_56] : memref<2x10240x128xf32, #tpu.memory_space<hbm>> -> memref<1x40x128xf32, #tpu.memory_space<hbm>>
      %dma_wait3A_58 = tpu.memref_squeeze %dma_wait3A_57 : memref<1x40x128xf32, #tpu.memory_space<hbm>> -> memref<40x128xf32, #tpu.memory_space<hbm>>
      tpu.wait_dma2 semaphore(%arg19 : memref<!tpu.dma_semaphore, #tpu.memory_space<semaphore_mem>>) src(%dma_wait3A_58 : memref<40x128xf32, #tpu.memory_space<hbm>>) dst(%arg12 : memref<40x128xf32, #tpu.memory_space<vmem>>)
      %dma_wait3A_59 = arith.constant 0 : i32
      %dma_wait3A_60 = arith.constant 0 : i32
      %dma_wait3A_61 = arith.constant 0 : i32
      %dma_wait3A_62 = tpu.memref_slice %arg6[%dma_wait3A_59, %dma_wait3A_60, %dma_wait3A_61] : memref<2x10240x128xf32, #tpu.memory_space<hbm>> -> memref<1x40x128xf32, #tpu.memory_space<hbm>>
      %dma_wait3A_63 = tpu.memref_squeeze %dma_wait3A_62 : memref<1x40x128xf32, #tpu.memory_space<hbm>> -> memref<40x128xf32, #tpu.memory_space<hbm>>
      %dma_wait3A_64 = arith.constant 0 : i32
      %dma_wait3A_65 = arith.constant 0 : i32
      %dma_wait3A_66 = tpu.memref_slice %arg6[%dma_wait3A_59, %dma_wait3A_64, %dma_wait3A_65] : memref<2x10240x128xf32, #tpu.memory_space<hbm>> -> memref<1x40x128xf32, #tpu.memory_space<hbm>>
      %dma_wait3A_67 = tpu.memref_squeeze %dma_wait3A_66 : memref<1x40x128xf32, #tpu.memory_space<hbm>> -> memref<40x128xf32, #tpu.memory_space<hbm>>
      tpu.wait_dma2 semaphore(%arg22 : memref<!tpu.dma_semaphore, #tpu.memory_space<semaphore_mem>>) src(%dma_wait3A_67 : memref<40x128xf32, #tpu.memory_space<hbm>>) dst(%arg15 : memref<40x128xf32, #tpu.memory_space<vmem>>)
      "tpu.region"() ({
        %run_scoped3A = tpu.sem_alloc : memref<!tpu.dma_semaphore, #tpu.memory_space<semaphore_mem>>
        %dma_start3A_188 = arith.constant 0 : i32
        %dma_start3A_189 = arith.constant 0 : i32
        %dma_start3A_190 = tpu.memref_slice %arg2[%add3A, %scan3A_49, %dma_start3A_188, %dma_start3A_189] : memref<32x5x50x40xi32, #tpu.memory_space<hbm>> -> memref<1x1x50x40xi32, #tpu.memory_space<hbm>>
        %dma_start3A_191 = tpu.memref_squeeze %dma_start3A_190 : memref<1x1x50x40xi32, #tpu.memory_space<hbm>> -> memref<50x40xi32, #tpu.memory_space<hbm>>
        %dma_start3A_192 = arith.constant 0 : i32
        %dma_start3A_193 = arith.constant 0 : i32
        %dma_start3A_194 = tpu.memref_slice %arg2[%add3A, %scan3A_49, %dma_start3A_192, %dma_start3A_193] : memref<32x5x50x40xi32, #tpu.memory_space<hbm>> -> memref<1x1x50x40xi32, #tpu.memory_space<hbm>>
        %dma_start3A_195 = tpu.memref_squeeze %dma_start3A_194 : memref<1x1x50x40xi32, #tpu.memory_space<hbm>> -> memref<50x40xi32, #tpu.memory_space<hbm>>
        tpu.enqueue_dma source(%dma_start3A_195 : memref<50x40xi32, #tpu.memory_space<hbm>>) target(%arg8 : memref<50x40xi32, #tpu.memory_space<vmem>>) target_semaphore(%run_scoped3A : memref<!tpu.dma_semaphore, #tpu.memory_space<semaphore_mem>>)
        %dma_wait3A_196 = arith.constant 0 : i32
        %dma_wait3A_197 = arith.constant 0 : i32
        %dma_wait3A_198 = tpu.memref_slice %arg2[%add3A, %scan3A_49, %dma_wait3A_196, %dma_wait3A_197] : memref<32x5x50x40xi32, #tpu.memory_space<hbm>> -> memref<1x1x50x40xi32, #tpu.memory_space<hbm>>
        %dma_wait3A_199 = tpu.memref_squeeze %dma_wait3A_198 : memref<1x1x50x40xi32, #tpu.memory_space<hbm>> -> memref<50x40xi32, #tpu.memory_space<hbm>>
        %dma_wait3A_200 = arith.constant 0 : i32
        %dma_wait3A_201 = arith.constant 0 : i32
        %dma_wait3A_202 = tpu.memref_slice %arg2[%add3A, %scan3A_49, %dma_wait3A_200, %dma_wait3A_201] : memref<32x5x50x40xi32, #tpu.memory_space<hbm>> -> memref<1x1x50x40xi32, #tpu.memory_space<hbm>>
        %dma_wait3A_203 = tpu.memref_squeeze %dma_wait3A_202 : memref<1x1x50x40xi32, #tpu.memory_space<hbm>> -> memref<50x40xi32, #tpu.memory_space<hbm>>
        tpu.wait_dma2 semaphore(%run_scoped3A : memref<!tpu.dma_semaphore, #tpu.memory_space<semaphore_mem>>) src(%dma_wait3A_203 : memref<50x40xi32, #tpu.memory_space<hbm>>) dst(%arg8 : memref<50x40xi32, #tpu.memory_space<vmem>>)
        tpu.yield
      }) : () -> ()
      "tpu.region"() ({
        %run_scoped3A = tpu.sem_alloc : memref<!tpu.dma_semaphore, #tpu.memory_space<semaphore_mem>>
        %dma_start3A_188 = arith.constant 0 : i32
        %dma_start3A_189 = arith.constant 0 : i32
        %dma_start3A_190 = tpu.memref_slice %arg3[%add3A, %scan3A_49, %dma_start3A_188, %dma_start3A_189] : memref<32x5x50x40xi32, #tpu.memory_space<hbm>> -> memref<1x1x50x40xi32, #tpu.memory_space<hbm>>
        %dma_start3A_191 = tpu.memref_squeeze %dma_start3A_190 : memref<1x1x50x40xi32, #tpu.memory_space<hbm>> -> memref<50x40xi32, #tpu.memory_space<hbm>>
        %dma_start3A_192 = arith.constant 0 : i32
        %dma_start3A_193 = arith.constant 0 : i32
        %dma_start3A_194 = tpu.memref_slice %arg3[%add3A, %scan3A_49, %dma_start3A_192, %dma_start3A_193] : memref<32x5x50x40xi32, #tpu.memory_space<hbm>> -> memref<1x1x50x40xi32, #tpu.memory_space<hbm>>
        %dma_start3A_195 = tpu.memref_squeeze %dma_start3A_194 : memref<1x1x50x40xi32, #tpu.memory_space<hbm>> -> memref<50x40xi32, #tpu.memory_space<hbm>>
        tpu.enqueue_dma source(%dma_start3A_195 : memref<50x40xi32, #tpu.memory_space<hbm>>) target(%arg9 : memref<50x40xi32, #tpu.memory_space<vmem>>) target_semaphore(%run_scoped3A : memref<!tpu.dma_semaphore, #tpu.memory_space<semaphore_mem>>)
        %dma_wait3A_196 = arith.constant 0 : i32
        %dma_wait3A_197 = arith.constant 0 : i32
        %dma_wait3A_198 = tpu.memref_slice %arg3[%add3A, %scan3A_49, %dma_wait3A_196, %dma_wait3A_197] : memref<32x5x50x40xi32, #tpu.memory_space<hbm>> -> memref<1x1x50x40xi32, #tpu.memory_space<hbm>>
        %dma_wait3A_199 = tpu.memref_squeeze %dma_wait3A_198 : memref<1x1x50x40xi32, #tpu.memory_space<hbm>> -> memref<50x40xi32, #tpu.memory_space<hbm>>
        %dma_wait3A_200 = arith.constant 0 : i32
        %dma_wait3A_201 = arith.constant 0 : i32
        %dma_wait3A_202 = tpu.memref_slice %arg3[%add3A, %scan3A_49, %dma_wait3A_200, %dma_wait3A_201] : memref<32x5x50x40xi32, #tpu.memory_space<hbm>> -> memref<1x1x50x40xi32, #tpu.memory_space<hbm>>
        %dma_wait3A_203 = tpu.memref_squeeze %dma_wait3A_202 : memref<1x1x50x40xi32, #tpu.memory_space<hbm>> -> memref<50x40xi32, #tpu.memory_space<hbm>>
        tpu.wait_dma2 semaphore(%run_scoped3A : memref<!tpu.dma_semaphore, #tpu.memory_space<semaphore_mem>>) src(%dma_wait3A_203 : memref<50x40xi32, #tpu.memory_space<hbm>>) dst(%arg9 : memref<50x40xi32, #tpu.memory_space<vmem>>)
        tpu.yield
      }) : () -> ()
      %dma_start3A_68 = arith.constant 0 : i32
      %dma_start3A_69 = arith.constant 0 : i32
      %dma_start3A_70 = arith.constant 0 : i32
      %dma_start3A_71 = tpu.memref_slice %arg6[%dma_start3A_68, %dma_start3A_69, %dma_start3A_70] : memref<2x10240x128xf32, #tpu.memory_space<hbm>> -> memref<1x40x128xf32, #tpu.memory_space<hbm>>
      %dma_start3A_72 = tpu.memref_squeeze %dma_start3A_71 : memref<1x40x128xf32, #tpu.memory_space<hbm>> -> memref<40x128xf32, #tpu.memory_space<hbm>>
      %dma_start3A_73 = arith.constant 0 : i32
      %dma_start3A_74 = arith.constant 0 : i32
      %dma_start3A_75 = tpu.memref_slice %arg6[%dma_start3A_68, %dma_start3A_73, %dma_start3A_74] : memref<2x10240x128xf32, #tpu.memory_space<hbm>> -> memref<1x40x128xf32, #tpu.memory_space<hbm>>
      %dma_start3A_76 = tpu.memref_squeeze %dma_start3A_75 : memref<1x40x128xf32, #tpu.memory_space<hbm>> -> memref<40x128xf32, #tpu.memory_space<hbm>>
      tpu.enqueue_dma source(%dma_start3A_76 : memref<40x128xf32, #tpu.memory_space<hbm>>) target(%arg12 : memref<40x128xf32, #tpu.memory_space<vmem>>) target_semaphore(%arg19 : memref<!tpu.dma_semaphore, #tpu.memory_space<semaphore_mem>>)
      %dma_start3A_77 = arith.constant 0 : i32
      %dma_start3A_78 = arith.constant 0 : i32
      %dma_start3A_79 = arith.constant 0 : i32
      %dma_start3A_80 = tpu.memref_slice %arg6[%dma_start3A_77, %dma_start3A_78, %dma_start3A_79] : memref<2x10240x128xf32, #tpu.memory_space<hbm>> -> memref<1x40x128xf32, #tpu.memory_space<hbm>>
      %dma_start3A_81 = tpu.memref_squeeze %dma_start3A_80 : memref<1x40x128xf32, #tpu.memory_space<hbm>> -> memref<40x128xf32, #tpu.memory_space<hbm>>
      %dma_start3A_82 = arith.constant 0 : i32
      %dma_start3A_83 = arith.constant 0 : i32
      %dma_start3A_84 = tpu.memref_slice %arg6[%dma_start3A_77, %dma_start3A_82, %dma_start3A_83] : memref<2x10240x128xf32, #tpu.memory_space<hbm>> -> memref<1x40x128xf32, #tpu.memory_space<hbm>>
      %dma_start3A_85 = tpu.memref_squeeze %dma_start3A_84 : memref<1x40x128xf32, #tpu.memory_space<hbm>> -> memref<40x128xf32, #tpu.memory_space<hbm>>
      tpu.enqueue_dma source(%dma_start3A_85 : memref<40x128xf32, #tpu.memory_space<hbm>>) target(%arg15 : memref<40x128xf32, #tpu.memory_space<vmem>>) target_semaphore(%arg22 : memref<!tpu.dma_semaphore, #tpu.memory_space<semaphore_mem>>)
      %dma_start3A_86 = arith.constant 0 : i32
      %dma_start3A_87 = arith.constant 0 : i32
      %dma_start3A_88 = tpu.memref_slice %arg8[%dma_start3A_86, %dma_start3A_87] : memref<50x40xi32, #tpu.memory_space<vmem>> -> memref<1x40xi32, #tpu.memory_space<vmem>>
      %dma_start3A_89 = tpu.memref_squeeze %dma_start3A_88 : memref<1x40xi32, #tpu.memory_space<vmem>> -> memref<40xi32, #tpu.memory_space<vmem>>
      %dma_start3A_90 = arith.constant 0 : i32
      %dma_start3A_91 = arith.constant 0 : i32
      %dma_start3A_92 = tpu.memref_slice %arg4[%dma_start3A_90, %dma_start3A_91] : memref<10000x128xf32, #tpu.memory_space<hbm>> -> memref<10000x128xf32, #tpu.memory_space<hbm>>
      tpu.enqueue_indirect_dma source(%dma_start3A_92 : memref<10000x128xf32, #tpu.memory_space<hbm>>) target(%arg10 : memref<40x128xf32, #tpu.memory_space<vmem>>) offsets(%dma_start3A_89 : memref<40xi32, #tpu.memory_space<vmem>>) semaphore(%arg17 : memref<!tpu.dma_semaphore, #tpu.memory_space<semaphore_mem>>)
      %dma_start3A_93 = arith.constant 0 : i32
      %dma_start3A_94 = arith.constant 0 : i32
      %dma_start3A_95 = tpu.memref_slice %arg9[%dma_start3A_93, %dma_start3A_94] : memref<50x40xi32, #tpu.memory_space<vmem>> -> memref<1x40xi32, #tpu.memory_space<vmem>>
      %dma_start3A_96 = tpu.memref_squeeze %dma_start3A_95 : memref<1x40xi32, #tpu.memory_space<vmem>> -> memref<40xi32, #tpu.memory_space<vmem>>
      %dma_start3A_97 = arith.constant 0 : i32
      %dma_start3A_98 = arith.constant 0 : i32
      %dma_start3A_99 = tpu.memref_slice %arg5[%dma_start3A_97, %dma_start3A_98] : memref<10000x128xf32, #tpu.memory_space<hbm>> -> memref<10000x128xf32, #tpu.memory_space<hbm>>
      tpu.enqueue_indirect_dma source(%dma_start3A_99 : memref<10000x128xf32, #tpu.memory_space<hbm>>) target(%arg11 : memref<40x128xf32, #tpu.memory_space<vmem>>) offsets(%dma_start3A_96 : memref<40xi32, #tpu.memory_space<vmem>>) semaphore(%arg18 : memref<!tpu.dma_semaphore, #tpu.memory_space<semaphore_mem>>)
      %dma_start3A_100 = arith.constant 1 : i32
      %dma_start3A_101 = arith.constant 0 : i32
      %dma_start3A_102 = tpu.memref_slice %arg8[%dma_start3A_100, %dma_start3A_101] : memref<50x40xi32, #tpu.memory_space<vmem>> -> memref<1x40xi32, #tpu.memory_space<vmem>>
      %dma_start3A_103 = tpu.memref_squeeze %dma_start3A_102 : memref<1x40xi32, #tpu.memory_space<vmem>> -> memref<40xi32, #tpu.memory_space<vmem>>
      %dma_start3A_104 = arith.constant 0 : i32
      %dma_start3A_105 = arith.constant 0 : i32
      %dma_start3A_106 = tpu.memref_slice %arg4[%dma_start3A_104, %dma_start3A_105] : memref<10000x128xf32, #tpu.memory_space<hbm>> -> memref<10000x128xf32, #tpu.memory_space<hbm>>
      tpu.enqueue_indirect_dma source(%dma_start3A_106 : memref<10000x128xf32, #tpu.memory_space<hbm>>) target(%arg13 : memref<40x128xf32, #tpu.memory_space<vmem>>) offsets(%dma_start3A_103 : memref<40xi32, #tpu.memory_space<vmem>>) semaphore(%arg20 : memref<!tpu.dma_semaphore, #tpu.memory_space<semaphore_mem>>)
      %dma_start3A_107 = arith.constant 1 : i32
      %dma_start3A_108 = arith.constant 0 : i32
      %dma_start3A_109 = tpu.memref_slice %arg9[%dma_start3A_107, %dma_start3A_108] : memref<50x40xi32, #tpu.memory_space<vmem>> -> memref<1x40xi32, #tpu.memory_space<vmem>>
      %dma_start3A_110 = tpu.memref_squeeze %dma_start3A_109 : memref<1x40xi32, #tpu.memory_space<vmem>> -> memref<40xi32, #tpu.memory_space<vmem>>
      %dma_start3A_111 = arith.constant 0 : i32
      %dma_start3A_112 = arith.constant 0 : i32
      %dma_start3A_113 = tpu.memref_slice %arg5[%dma_start3A_111, %dma_start3A_112] : memref<10000x128xf32, #tpu.memory_space<hbm>> -> memref<10000x128xf32, #tpu.memory_space<hbm>>
      tpu.enqueue_indirect_dma source(%dma_start3A_113 : memref<10000x128xf32, #tpu.memory_space<hbm>>) target(%arg14 : memref<40x128xf32, #tpu.memory_space<vmem>>) offsets(%dma_start3A_110 : memref<40xi32, #tpu.memory_space<vmem>>) semaphore(%arg21 : memref<!tpu.dma_semaphore, #tpu.memory_space<semaphore_mem>>)
      %scan3A_114 = arith.constant 0 : i32
      %scan3A_115 = arith.constant 0 : i32
      %scan3A_116 = arith.constant 24 : i32
      %scan3A_117 = arith.addi %scan3A_115, %scan3A_116 : i32
      %scan3A_118 = arith.constant 1 : i32
      scf.for %scan3A_188 = %scan3A_115 to %scan3A_117 step %scan3A_118  : i32 {
        %mul3A_189 = arith.constant 2 : i32
        %mul3A_190 = arith.muli %mul3A_189, %scan3A_188 : i32
        %add3A_191 = arith.constant 1 : i32
        %add3A_192 = arith.addi %mul3A_190, %add3A_191 : i32
        %dma_wait3A_193 = arith.constant 0 : i32
        %dma_wait3A_194 = arith.constant 0 : i32
        %dma_wait3A_195 = tpu.memref_slice %arg4[%dma_wait3A_193, %dma_wait3A_194] : memref<10000x128xf32, #tpu.memory_space<hbm>> -> memref<40x128xf32, #tpu.memory_space<hbm>>
        %dma_wait3A_196 = arith.constant 0 : i32
        %dma_wait3A_197 = arith.constant 0 : i32
        %dma_wait3A_198 = tpu.memref_slice %arg4[%dma_wait3A_196, %dma_wait3A_197] : memref<10000x128xf32, #tpu.memory_space<hbm>> -> memref<40x128xf32, #tpu.memory_space<hbm>>
        tpu.wait_dma2 semaphore(%arg17 : memref<!tpu.dma_semaphore, #tpu.memory_space<semaphore_mem>>) src(%dma_wait3A_198 : memref<40x128xf32, #tpu.memory_space<hbm>>) dst(%arg10 : memref<40x128xf32, #tpu.memory_space<vmem>>)
        %dma_wait3A_199 = arith.constant 0 : i32
        %dma_wait3A_200 = arith.constant 0 : i32
        %dma_wait3A_201 = tpu.memref_slice %arg5[%dma_wait3A_199, %dma_wait3A_200] : memref<10000x128xf32, #tpu.memory_space<hbm>> -> memref<40x128xf32, #tpu.memory_space<hbm>>
        %dma_wait3A_202 = arith.constant 0 : i32
        %dma_wait3A_203 = arith.constant 0 : i32
        %dma_wait3A_204 = tpu.memref_slice %arg5[%dma_wait3A_202, %dma_wait3A_203] : memref<10000x128xf32, #tpu.memory_space<hbm>> -> memref<40x128xf32, #tpu.memory_space<hbm>>
        tpu.wait_dma2 semaphore(%arg18 : memref<!tpu.dma_semaphore, #tpu.memory_space<semaphore_mem>>) src(%dma_wait3A_204 : memref<40x128xf32, #tpu.memory_space<hbm>>) dst(%arg11 : memref<40x128xf32, #tpu.memory_space<vmem>>)
        %dma_wait3A_205 = arith.constant 0 : i32
        %dma_wait3A_206 = arith.constant 0 : i32
        %dma_wait3A_207 = arith.constant 0 : i32
        %dma_wait3A_208 = tpu.memref_slice %arg6[%dma_wait3A_205, %dma_wait3A_206, %dma_wait3A_207] : memref<2x10240x128xf32, #tpu.memory_space<hbm>> -> memref<1x40x128xf32, #tpu.memory_space<hbm>>
        %dma_wait3A_209 = tpu.memref_squeeze %dma_wait3A_208 : memref<1x40x128xf32, #tpu.memory_space<hbm>> -> memref<40x128xf32, #tpu.memory_space<hbm>>
        %dma_wait3A_210 = arith.constant 0 : i32
        %dma_wait3A_211 = arith.constant 0 : i32
        %dma_wait3A_212 = tpu.memref_slice %arg6[%dma_wait3A_205, %dma_wait3A_210, %dma_wait3A_211] : memref<2x10240x128xf32, #tpu.memory_space<hbm>> -> memref<1x40x128xf32, #tpu.memory_space<hbm>>
        %dma_wait3A_213 = tpu.memref_squeeze %dma_wait3A_212 : memref<1x40x128xf32, #tpu.memory_space<hbm>> -> memref<40x128xf32, #tpu.memory_space<hbm>>
        tpu.wait_dma2 semaphore(%arg19 : memref<!tpu.dma_semaphore, #tpu.memory_space<semaphore_mem>>) src(%dma_wait3A_213 : memref<40x128xf32, #tpu.memory_space<hbm>>) dst(%arg12 : memref<40x128xf32, #tpu.memory_space<vmem>>)
        %scan3A_214 = arith.constant 0 : i32
        %scan3A_215 = arith.constant 0 : i32
        %scan3A_216 = arith.constant 40 : i32
        %scan3A_217 = arith.addi %scan3A_215, %scan3A_216 : i32
        %scan3A_218 = arith.constant 1 : i32
        scf.for %scan3A_287 = %scan3A_215 to %scan3A_217 step %scan3A_218  : i32 {
          %get3A = arith.index_cast %scan3A_287 : i32 to index
          %get3A_288 = arith.constant 64 : index
          %get3A_289 = tpu.vector_load %arg10[%get3A, %get3A_288] {strides = array<i32>} : memref<40x128xf32, #tpu.memory_space<vmem>>, vector<1x16xf32>,
          %get3A_290 = vector.shape_cast %get3A_289 : vector<1x16xf32> to vector<16xf32>
          %get3A_291 = arith.index_cast %scan3A_287 : i32 to index
          %get3A_292 = arith.constant 0 : index
          %get3A_293 = tpu.vector_load %arg11[%get3A_291, %get3A_292] {strides = array<i32>} : memref<40x128xf32, #tpu.memory_space<vmem>>, vector<1x16xf32>,
          %get3A_294 = vector.shape_cast %get3A_293 : vector<1x16xf32> to vector<16xf32>
          %add3A_295 = arith.addf %get3A_290, %get3A_294 : vector<16xf32>
          %mul3A_296 = arith.constant 2.000000e-01 : f32
          %mul3A_297 = vector.broadcast %mul3A_296 : f32 to vector<16xf32>
          %mul3A_298 = arith.mulf %mul3A_297, %add3A_295 : vector<16xf32>
          %max3A = arith.maximumf %add3A_295, %mul3A_298 : vector<16xf32>
          %exp3A = math.exp %max3A : vector<16xf32>
          %get3A_299 = arith.index_cast %scan3A_287 : i32 to index
          %get3A_300 = arith.constant 0 : index
          %get3A_301 = tpu.vector_load %arg10[%get3A_299, %get3A_300] {strides = array<i32>} : memref<40x128xf32, #tpu.memory_space<vmem>>, vector<1x16xf32>,
          %get3A_302 = vector.shape_cast %get3A_301 : vector<1x16xf32> to vector<16xf32>
          %mul3A_303 = arith.mulf %get3A_302, %exp3A : vector<16xf32>
          %swap3A = arith.index_cast %scan3A_287 : i32 to index
          %swap3A_304 = arith.constant 0 : index
          %swap3A_305 = tpu.vector_load %arg12[%swap3A, %swap3A_304] {strides = array<i32>} : memref<40x128xf32, #tpu.memory_space<vmem>>, vector<1x16xf32>,
          %swap3A_306 = vector.shape_cast %swap3A_305 : vector<1x16xf32> to vector<16xf32>
          %swap3A_307 = vector.shape_cast %mul3A_303 : vector<16xf32> to vector<1x16xf32>
          tpu.vector_store %arg12[%swap3A, %swap3A_304], %swap3A_307 {strides = array<i32>} : memref<40x128xf32, #tpu.memory_space<vmem>>, vector<1x16xf32>,
          %swap3A_308 = arith.index_cast %scan3A_287 : i32 to index
          %swap3A_309 = arith.constant 64 : index
          %swap3A_310 = tpu.vector_load %arg12[%swap3A_308, %swap3A_309] {strides = array<i32>} : memref<40x128xf32, #tpu.memory_space<vmem>>, vector<1x16xf32>,
          %swap3A_311 = vector.shape_cast %swap3A_310 : vector<1x16xf32> to vector<16xf32>
          %swap3A_312 = vector.shape_cast %exp3A : vector<16xf32> to vector<1x16xf32>
          tpu.vector_store %arg12[%swap3A_308, %swap3A_309], %swap3A_312 {strides = array<i32>} : memref<40x128xf32, #tpu.memory_space<vmem>>, vector<1x16xf32>,
          %get3A_313 = arith.index_cast %scan3A_287 : i32 to index
          %get3A_314 = arith.constant 80 : index
          %get3A_315 = tpu.vector_load %arg10[%get3A_313, %get3A_314] {strides = array<i32>} : memref<40x128xf32, #tpu.memory_space<vmem>>, vector<1x16xf32>,
          %get3A_316 = vector.shape_cast %get3A_315 : vector<1x16xf32> to vector<16xf32>
          %get3A_317 = arith.index_cast %scan3A_287 : i32 to index
          %get3A_318 = arith.constant 16 : index
          %get3A_319 = tpu.vector_load %arg11[%get3A_317, %get3A_318] {strides = array<i32>} : memref<40x128xf32, #tpu.memory_space<vmem>>, vector<1x16xf32>,
          %get3A_320 = vector.shape_cast %get3A_319 : vector<1x16xf32> to vector<16xf32>
          %add3A_321 = arith.addf %get3A_316, %get3A_320 : vector<16xf32>
          %mul3A_322 = arith.constant 2.000000e-01 : f32
          %mul3A_323 = vector.broadcast %mul3A_322 : f32 to vector<16xf32>
          %mul3A_324 = arith.mulf %mul3A_323, %add3A_321 : vector<16xf32>
          %max3A_325 = arith.maximumf %add3A_321, %mul3A_324 : vector<16xf32>
          %exp3A_326 = math.exp %max3A_325 : vector<16xf32>
          %get3A_327 = arith.index_cast %scan3A_287 : i32 to index
          %get3A_328 = arith.constant 16 : index
          %get3A_329 = tpu.vector_load %arg10[%get3A_327, %get3A_328] {strides = array<i32>} : memref<40x128xf32, #tpu.memory_space<vmem>>, vector<1x16xf32>,
          %get3A_330 = vector.shape_cast %get3A_329 : vector<1x16xf32> to vector<16xf32>
          %mul3A_331 = arith.mulf %get3A_330, %exp3A_326 : vector<16xf32>
          %swap3A_332 = arith.index_cast %scan3A_287 : i32 to index
          %swap3A_333 = arith.constant 16 : index
          %swap3A_334 = tpu.vector_load %arg12[%swap3A_332, %swap3A_333] {strides = array<i32>} : memref<40x128xf32, #tpu.memory_space<vmem>>, vector<1x16xf32>,
          %swap3A_335 = vector.shape_cast %swap3A_334 : vector<1x16xf32> to vector<16xf32>
          %swap3A_336 = vector.shape_cast %mul3A_331 : vector<16xf32> to vector<1x16xf32>
          tpu.vector_store %arg12[%swap3A_332, %swap3A_333], %swap3A_336 {strides = array<i32>} : memref<40x128xf32, #tpu.memory_space<vmem>>, vector<1x16xf32>,
          %swap3A_337 = arith.index_cast %scan3A_287 : i32 to index
          %swap3A_338 = arith.constant 80 : index
          %swap3A_339 = tpu.vector_load %arg12[%swap3A_337, %swap3A_338] {strides = array<i32>} : memref<40x128xf32, #tpu.memory_space<vmem>>, vector<1x16xf32>,
          %swap3A_340 = vector.shape_cast %swap3A_339 : vector<1x16xf32> to vector<16xf32>
          %swap3A_341 = vector.shape_cast %exp3A_326 : vector<16xf32> to vector<1x16xf32>
          tpu.vector_store %arg12[%swap3A_337, %swap3A_338], %swap3A_341 {strides = array<i32>} : memref<40x128xf32, #tpu.memory_space<vmem>>, vector<1x16xf32>,
          %get3A_342 = arith.index_cast %scan3A_287 : i32 to index
          %get3A_343 = arith.constant 96 : index
          %get3A_344 = tpu.vector_load %arg10[%get3A_342, %get3A_343] {strides = array<i32>} : memref<40x128xf32, #tpu.memory_space<vmem>>, vector<1x16xf32>,
          %get3A_345 = vector.shape_cast %get3A_344 : vector<1x16xf32> to vector<16xf32>
          %get3A_346 = arith.index_cast %scan3A_287 : i32 to index
          %get3A_347 = arith.constant 32 : index
          %get3A_348 = tpu.vector_load %arg11[%get3A_346, %get3A_347] {strides = array<i32>} : memref<40x128xf32, #tpu.memory_space<vmem>>, vector<1x16xf32>,
          %get3A_349 = vector.shape_cast %get3A_348 : vector<1x16xf32> to vector<16xf32>
          %add3A_350 = arith.addf %get3A_345, %get3A_349 : vector<16xf32>
          %mul3A_351 = arith.constant 2.000000e-01 : f32
          %mul3A_352 = vector.broadcast %mul3A_351 : f32 to vector<16xf32>
          %mul3A_353 = arith.mulf %mul3A_352, %add3A_350 : vector<16xf32>
          %max3A_354 = arith.maximumf %add3A_350, %mul3A_353 : vector<16xf32>
          %exp3A_355 = math.exp %max3A_354 : vector<16xf32>
          %get3A_356 = arith.index_cast %scan3A_287 : i32 to index
          %get3A_357 = arith.constant 32 : index
          %get3A_358 = tpu.vector_load %arg10[%get3A_356, %get3A_357] {strides = array<i32>} : memref<40x128xf32, #tpu.memory_space<vmem>>, vector<1x16xf32>,
          %get3A_359 = vector.shape_cast %get3A_358 : vector<1x16xf32> to vector<16xf32>
          %mul3A_360 = arith.mulf %get3A_359, %exp3A_355 : vector<16xf32>
          %swap3A_361 = arith.index_cast %scan3A_287 : i32 to index
          %swap3A_362 = arith.constant 32 : index
          %swap3A_363 = tpu.vector_load %arg12[%swap3A_361, %swap3A_362] {strides = array<i32>} : memref<40x128xf32, #tpu.memory_space<vmem>>, vector<1x16xf32>,
          %swap3A_364 = vector.shape_cast %swap3A_363 : vector<1x16xf32> to vector<16xf32>
          %swap3A_365 = vector.shape_cast %mul3A_360 : vector<16xf32> to vector<1x16xf32>
          tpu.vector_store %arg12[%swap3A_361, %swap3A_362], %swap3A_365 {strides = array<i32>} : memref<40x128xf32, #tpu.memory_space<vmem>>, vector<1x16xf32>,
          %swap3A_366 = arith.index_cast %scan3A_287 : i32 to index
          %swap3A_367 = arith.constant 96 : index
          %swap3A_368 = tpu.vector_load %arg12[%swap3A_366, %swap3A_367] {strides = array<i32>} : memref<40x128xf32, #tpu.memory_space<vmem>>, vector<1x16xf32>,
          %swap3A_369 = vector.shape_cast %swap3A_368 : vector<1x16xf32> to vector<16xf32>
          %swap3A_370 = vector.shape_cast %exp3A_355 : vector<16xf32> to vector<1x16xf32>
          tpu.vector_store %arg12[%swap3A_366, %swap3A_367], %swap3A_370 {strides = array<i32>} : memref<40x128xf32, #tpu.memory_space<vmem>>, vector<1x16xf32>,
          %get3A_371 = arith.index_cast %scan3A_287 : i32 to index
          %get3A_372 = arith.constant 112 : index
          %get3A_373 = tpu.vector_load %arg10[%get3A_371, %get3A_372] {strides = array<i32>} : memref<40x128xf32, #tpu.memory_space<vmem>>, vector<1x16xf32>,
          %get3A_374 = vector.shape_cast %get3A_373 : vector<1x16xf32> to vector<16xf32>
          %get3A_375 = arith.index_cast %scan3A_287 : i32 to index
          %get3A_376 = arith.constant 48 : index
          %get3A_377 = tpu.vector_load %arg11[%get3A_375, %get3A_376] {strides = array<i32>} : memref<40x128xf32, #tpu.memory_space<vmem>>, vector<1x16xf32>,
          %get3A_378 = vector.shape_cast %get3A_377 : vector<1x16xf32> to vector<16xf32>
          %add3A_379 = arith.addf %get3A_374, %get3A_378 : vector<16xf32>
          %mul3A_380 = arith.constant 2.000000e-01 : f32
          %mul3A_381 = vector.broadcast %mul3A_380 : f32 to vector<16xf32>
          %mul3A_382 = arith.mulf %mul3A_381, %add3A_379 : vector<16xf32>
          %max3A_383 = arith.maximumf %add3A_379, %mul3A_382 : vector<16xf32>
          %exp3A_384 = math.exp %max3A_383 : vector<16xf32>
          %get3A_385 = arith.index_cast %scan3A_287 : i32 to index
          %get3A_386 = arith.constant 48 : index
          %get3A_387 = tpu.vector_load %arg10[%get3A_385, %get3A_386] {strides = array<i32>} : memref<40x128xf32, #tpu.memory_space<vmem>>, vector<1x16xf32>,
          %get3A_388 = vector.shape_cast %get3A_387 : vector<1x16xf32> to vector<16xf32>
          %mul3A_389 = arith.mulf %get3A_388, %exp3A_384 : vector<16xf32>
          %swap3A_390 = arith.index_cast %scan3A_287 : i32 to index
          %swap3A_391 = arith.constant 48 : index
          %swap3A_392 = tpu.vector_load %arg12[%swap3A_390, %swap3A_391] {strides = array<i32>} : memref<40x128xf32, #tpu.memory_space<vmem>>, vector<1x16xf32>,
          %swap3A_393 = vector.shape_cast %swap3A_392 : vector<1x16xf32> to vector<16xf32>
          %swap3A_394 = vector.shape_cast %mul3A_389 : vector<16xf32> to vector<1x16xf32>
          tpu.vector_store %arg12[%swap3A_390, %swap3A_391], %swap3A_394 {strides = array<i32>} : memref<40x128xf32, #tpu.memory_space<vmem>>, vector<1x16xf32>,
          %swap3A_395 = arith.index_cast %scan3A_287 : i32 to index
          %swap3A_396 = arith.constant 112 : index
          %swap3A_397 = tpu.vector_load %arg12[%swap3A_395, %swap3A_396] {strides = array<i32>} : memref<40x128xf32, #tpu.memory_space<vmem>>, vector<1x16xf32>,
          %swap3A_398 = vector.shape_cast %swap3A_397 : vector<1x16xf32> to vector<16xf32>
          %swap3A_399 = vector.shape_cast %exp3A_384 : vector<16xf32> to vector<1x16xf32>
          tpu.vector_store %arg12[%swap3A_395, %swap3A_396], %swap3A_399 {strides = array<i32>} : memref<40x128xf32, #tpu.memory_space<vmem>>, vector<1x16xf32>,
        }
        %scan3A_219 = arith.constant 40 : i32
        %dma_start3A_220 = arith.constant 0 : i32
        %dma_start3A_221 = tpu.memref_slice %arg9[%mul3A_190, %dma_start3A_220] : memref<50x40xi32, #tpu.memory_space<vmem>> -> memref<1x40xi32, #tpu.memory_space<vmem>>
        %dma_start3A_222 = tpu.memref_squeeze %dma_start3A_221 : memref<1x40xi32, #tpu.memory_space<vmem>> -> memref<40xi32, #tpu.memory_space<vmem>>
        %dma_start3A_223 = arith.constant 0 : i32
        %dma_start3A_224 = arith.constant 0 : i32
        %dma_start3A_225 = tpu.memref_slice %arg16[%dma_start3A_223, %dma_start3A_224] : memref<10240x128xf32, #tpu.memory_space<vmem_shared>> -> memref<10240x128xf32, #tpu.memory_space<vmem_shared>>
        tpu.enqueue_indirect_dma source(%arg12 : memref<40x128xf32, #tpu.memory_space<vmem>>) target(%dma_start3A_225 : memref<10240x128xf32, #tpu.memory_space<vmem_shared>>) offsets(%dma_start3A_222 : memref<40xi32, #tpu.memory_space<vmem>>) semaphore(%arg19 : memref<!tpu.dma_semaphore, #tpu.memory_space<semaphore_mem>>) {add = true}
        %add3A_226 = arith.constant 2 : i32
        %add3A_227 = arith.addi %mul3A_190, %add3A_226 : i32
        %dma_start3A_228 = arith.constant 0 : i32
        %dma_start3A_229 = tpu.memref_slice %arg8[%add3A_227, %dma_start3A_228] : memref<50x40xi32, #tpu.memory_space<vmem>> -> memref<1x40xi32, #tpu.memory_space<vmem>>
        %dma_start3A_230 = tpu.memref_squeeze %dma_start3A_229 : memref<1x40xi32, #tpu.memory_space<vmem>> -> memref<40xi32, #tpu.memory_space<vmem>>
        %dma_start3A_231 = arith.constant 0 : i32
        %dma_start3A_232 = arith.constant 0 : i32
        %dma_start3A_233 = tpu.memref_slice %arg4[%dma_start3A_231, %dma_start3A_232] : memref<10000x128xf32, #tpu.memory_space<hbm>> -> memref<10000x128xf32, #tpu.memory_space<hbm>>
        tpu.enqueue_indirect_dma source(%dma_start3A_233 : memref<10000x128xf32, #tpu.memory_space<hbm>>) target(%arg10 : memref<40x128xf32, #tpu.memory_space<vmem>>) offsets(%dma_start3A_230 : memref<40xi32, #tpu.memory_space<vmem>>) semaphore(%arg17 : memref<!tpu.dma_semaphore, #tpu.memory_space<semaphore_mem>>)
        %dma_start3A_234 = arith.constant 0 : i32
        %dma_start3A_235 = tpu.memref_slice %arg9[%add3A_227, %dma_start3A_234] : memref<50x40xi32, #tpu.memory_space<vmem>> -> memref<1x40xi32, #tpu.memory_space<vmem>>
        %dma_start3A_236 = tpu.memref_squeeze %dma_start3A_235 : memref<1x40xi32, #tpu.memory_space<vmem>> -> memref<40xi32, #tpu.memory_space<vmem>>
        %dma_start3A_237 = arith.constant 0 : i32
        %dma_start3A_238 = arith.constant 0 : i32
        %dma_start3A_239 = tpu.memref_slice %arg5[%dma_start3A_237, %dma_start3A_238] : memref<10000x128xf32, #tpu.memory_space<hbm>> -> memref<10000x128xf32, #tpu.memory_space<hbm>>
        tpu.enqueue_indirect_dma source(%dma_start3A_239 : memref<10000x128xf32, #tpu.memory_space<hbm>>) target(%arg11 : memref<40x128xf32, #tpu.memory_space<vmem>>) offsets(%dma_start3A_236 : memref<40xi32, #tpu.memory_space<vmem>>) semaphore(%arg18 : memref<!tpu.dma_semaphore, #tpu.memory_space<semaphore_mem>>)
        %dma_wait3A_240 = arith.constant 0 : i32
        %dma_wait3A_241 = arith.constant 0 : i32
        %dma_wait3A_242 = tpu.memref_slice %arg4[%dma_wait3A_240, %dma_wait3A_241] : memref<10000x128xf32, #tpu.memory_space<hbm>> -> memref<40x128xf32, #tpu.memory_space<hbm>>
        %dma_wait3A_243 = arith.constant 0 : i32
        %dma_wait3A_244 = arith.constant 0 : i32
        %dma_wait3A_245 = tpu.memref_slice %arg4[%dma_wait3A_243, %dma_wait3A_244] : memref<10000x128xf32, #tpu.memory_space<hbm>> -> memref<40x128xf32, #tpu.memory_space<hbm>>
        tpu.wait_dma2 semaphore(%arg20 : memref<!tpu.dma_semaphore, #tpu.memory_space<semaphore_mem>>) src(%dma_wait3A_245 : memref<40x128xf32, #tpu.memory_space<hbm>>) dst(%arg13 : memref<40x128xf32, #tpu.memory_space<vmem>>)
        %dma_wait3A_246 = arith.constant 0 : i32
        %dma_wait3A_247 = arith.constant 0 : i32
        %dma_wait3A_248 = tpu.memref_slice %arg5[%dma_wait3A_246, %dma_wait3A_247] : memref<10000x128xf32, #tpu.memory_space<hbm>> -> memref<40x128xf32, #tpu.memory_space<hbm>>
        %dma_wait3A_249 = arith.constant 0 : i32
        %dma_wait3A_250 = arith.constant 0 : i32
        %dma_wait3A_251 = tpu.memref_slice %arg5[%dma_wait3A_249, %dma_wait3A_250] : memref<10000x128xf32, #tpu.memory_space<hbm>> -> memref<40x128xf32, #tpu.memory_space<hbm>>
        tpu.wait_dma2 semaphore(%arg21 : memref<!tpu.dma_semaphore, #tpu.memory_space<semaphore_mem>>) src(%dma_wait3A_251 : memref<40x128xf32, #tpu.memory_space<hbm>>) dst(%arg14 : memref<40x128xf32, #tpu.memory_space<vmem>>)
        %dma_wait3A_252 = arith.constant 0 : i32
        %dma_wait3A_253 = arith.constant 0 : i32
        %dma_wait3A_254 = arith.constant 0 : i32
        %dma_wait3A_255 = tpu.memref_slice %arg6[%dma_wait3A_252, %dma_wait3A_253, %dma_wait3A_254] : memref<2x10240x128xf32, #tpu.memory_space<hbm>> -> memref<1x40x128xf32, #tpu.memory_space<hbm>>
        %dma_wait3A_256 = tpu.memref_squeeze %dma_wait3A_255 : memref<1x40x128xf32, #tpu.memory_space<hbm>> -> memref<40x128xf32, #tpu.memory_space<hbm>>
        %dma_wait3A_257 = arith.constant 0 : i32
        %dma_wait3A_258 = arith.constant 0 : i32
        %dma_wait3A_259 = tpu.memref_slice %arg6[%dma_wait3A_252, %dma_wait3A_257, %dma_wait3A_258] : memref<2x10240x128xf32, #tpu.memory_space<hbm>> -> memref<1x40x128xf32, #tpu.memory_space<hbm>>
        %dma_wait3A_260 = tpu.memref_squeeze %dma_wait3A_259 : memref<1x40x128xf32, #tpu.memory_space<hbm>> -> memref<40x128xf32, #tpu.memory_space<hbm>>
        tpu.wait_dma2 semaphore(%arg22 : memref<!tpu.dma_semaphore, #tpu.memory_space<semaphore_mem>>) src(%dma_wait3A_260 : memref<40x128xf32, #tpu.memory_space<hbm>>) dst(%arg15 : memref<40x128xf32, #tpu.memory_space<vmem>>)
        %scan3A_261 = arith.constant 0 : i32
        %scan3A_262 = arith.constant 0 : i32
        %scan3A_263 = arith.constant 40 : i32
        %scan3A_264 = arith.addi %scan3A_262, %scan3A_263 : i32
        %scan3A_265 = arith.constant 1 : i32
        scf.for %scan3A_287 = %scan3A_262 to %scan3A_264 step %scan3A_265  : i32 {
          %get3A = arith.index_cast %scan3A_287 : i32 to index
          %get3A_288 = arith.constant 64 : index
          %get3A_289 = tpu.vector_load %arg13[%get3A, %get3A_288] {strides = array<i32>} : memref<40x128xf32, #tpu.memory_space<vmem>>, vector<1x16xf32>,
          %get3A_290 = vector.shape_cast %get3A_289 : vector<1x16xf32> to vector<16xf32>
          %get3A_291 = arith.index_cast %scan3A_287 : i32 to index
          %get3A_292 = arith.constant 0 : index
          %get3A_293 = tpu.vector_load %arg14[%get3A_291, %get3A_292] {strides = array<i32>} : memref<40x128xf32, #tpu.memory_space<vmem>>, vector<1x16xf32>,
          %get3A_294 = vector.shape_cast %get3A_293 : vector<1x16xf32> to vector<16xf32>
          %add3A_295 = arith.addf %get3A_290, %get3A_294 : vector<16xf32>
          %mul3A_296 = arith.constant 2.000000e-01 : f32
          %mul3A_297 = vector.broadcast %mul3A_296 : f32 to vector<16xf32>
          %mul3A_298 = arith.mulf %mul3A_297, %add3A_295 : vector<16xf32>
          %max3A = arith.maximumf %add3A_295, %mul3A_298 : vector<16xf32>
          %exp3A = math.exp %max3A : vector<16xf32>
          %get3A_299 = arith.index_cast %scan3A_287 : i32 to index
          %get3A_300 = arith.constant 0 : index
          %get3A_301 = tpu.vector_load %arg13[%get3A_299, %get3A_300] {strides = array<i32>} : memref<40x128xf32, #tpu.memory_space<vmem>>, vector<1x16xf32>,
          %get3A_302 = vector.shape_cast %get3A_301 : vector<1x16xf32> to vector<16xf32>
          %mul3A_303 = arith.mulf %get3A_302, %exp3A : vector<16xf32>
          %swap3A = arith.index_cast %scan3A_287 : i32 to index
          %swap3A_304 = arith.constant 0 : index
          %swap3A_305 = tpu.vector_load %arg15[%swap3A, %swap3A_304] {strides = array<i32>} : memref<40x128xf32, #tpu.memory_space<vmem>>, vector<1x16xf32>,
          %swap3A_306 = vector.shape_cast %swap3A_305 : vector<1x16xf32> to vector<16xf32>
          %swap3A_307 = vector.shape_cast %mul3A_303 : vector<16xf32> to vector<1x16xf32>
          tpu.vector_store %arg15[%swap3A, %swap3A_304], %swap3A_307 {strides = array<i32>} : memref<40x128xf32, #tpu.memory_space<vmem>>, vector<1x16xf32>,
          %swap3A_308 = arith.index_cast %scan3A_287 : i32 to index
          %swap3A_309 = arith.constant 64 : index
          %swap3A_310 = tpu.vector_load %arg15[%swap3A_308, %swap3A_309] {strides = array<i32>} : memref<40x128xf32, #tpu.memory_space<vmem>>, vector<1x16xf32>,
          %swap3A_311 = vector.shape_cast %swap3A_310 : vector<1x16xf32> to vector<16xf32>
          %swap3A_312 = vector.shape_cast %exp3A : vector<16xf32> to vector<1x16xf32>
          tpu.vector_store %arg15[%swap3A_308, %swap3A_309], %swap3A_312 {strides = array<i32>} : memref<40x128xf32, #tpu.memory_space<vmem>>, vector<1x16xf32>,
          %get3A_313 = arith.index_cast %scan3A_287 : i32 to index
          %get3A_314 = arith.constant 80 : index
          %get3A_315 = tpu.vector_load %arg13[%get3A_313, %get3A_314] {strides = array<i32>} : memref<40x128xf32, #tpu.memory_space<vmem>>, vector<1x16xf32>,
          %get3A_316 = vector.shape_cast %get3A_315 : vector<1x16xf32> to vector<16xf32>
          %get3A_317 = arith.index_cast %scan3A_287 : i32 to index
          %get3A_318 = arith.constant 16 : index
          %get3A_319 = tpu.vector_load %arg14[%get3A_317, %get3A_318] {strides = array<i32>} : memref<40x128xf32, #tpu.memory_space<vmem>>, vector<1x16xf32>,
          %get3A_320 = vector.shape_cast %get3A_319 : vector<1x16xf32> to vector<16xf32>
          %add3A_321 = arith.addf %get3A_316, %get3A_320 : vector<16xf32>
          %mul3A_322 = arith.constant 2.000000e-01 : f32
          %mul3A_323 = vector.broadcast %mul3A_322 : f32 to vector<16xf32>
          %mul3A_324 = arith.mulf %mul3A_323, %add3A_321 : vector<16xf32>
          %max3A_325 = arith.maximumf %add3A_321, %mul3A_324 : vector<16xf32>
          %exp3A_326 = math.exp %max3A_325 : vector<16xf32>
          %get3A_327 = arith.index_cast %scan3A_287 : i32 to index
          %get3A_328 = arith.constant 16 : index
          %get3A_329 = tpu.vector_load %arg13[%get3A_327, %get3A_328] {strides = array<i32>} : memref<40x128xf32, #tpu.memory_space<vmem>>, vector<1x16xf32>,
          %get3A_330 = vector.shape_cast %get3A_329 : vector<1x16xf32> to vector<16xf32>
          %mul3A_331 = arith.mulf %get3A_330, %exp3A_326 : vector<16xf32>
          %swap3A_332 = arith.index_cast %scan3A_287 : i32 to index
          %swap3A_333 = arith.constant 16 : index
          %swap3A_334 = tpu.vector_load %arg15[%swap3A_332, %swap3A_333] {strides = array<i32>} : memref<40x128xf32, #tpu.memory_space<vmem>>, vector<1x16xf32>,
          %swap3A_335 = vector.shape_cast %swap3A_334 : vector<1x16xf32> to vector<16xf32>
          %swap3A_336 = vector.shape_cast %mul3A_331 : vector<16xf32> to vector<1x16xf32>
          tpu.vector_store %arg15[%swap3A_332, %swap3A_333], %swap3A_336 {strides = array<i32>} : memref<40x128xf32, #tpu.memory_space<vmem>>, vector<1x16xf32>,
          %swap3A_337 = arith.index_cast %scan3A_287 : i32 to index
          %swap3A_338 = arith.constant 80 : index
          %swap3A_339 = tpu.vector_load %arg15[%swap3A_337, %swap3A_338] {strides = array<i32>} : memref<40x128xf32, #tpu.memory_space<vmem>>, vector<1x16xf32>,
          %swap3A_340 = vector.shape_cast %swap3A_339 : vector<1x16xf32> to vector<16xf32>
          %swap3A_341 = vector.shape_cast %exp3A_326 : vector<16xf32> to vector<1x16xf32>
          tpu.vector_store %arg15[%swap3A_337, %swap3A_338], %swap3A_341 {strides = array<i32>} : memref<40x128xf32, #tpu.memory_space<vmem>>, vector<1x16xf32>,
          %get3A_342 = arith.index_cast %scan3A_287 : i32 to index
          %get3A_343 = arith.constant 96 : index
          %get3A_344 = tpu.vector_load %arg13[%get3A_342, %get3A_343] {strides = array<i32>} : memref<40x128xf32, #tpu.memory_space<vmem>>, vector<1x16xf32>,
          %get3A_345 = vector.shape_cast %get3A_344 : vector<1x16xf32> to vector<16xf32>
          %get3A_346 = arith.index_cast %scan3A_287 : i32 to index
          %get3A_347 = arith.constant 32 : index
          %get3A_348 = tpu.vector_load %arg14[%get3A_346, %get3A_347] {strides = array<i32>} : memref<40x128xf32, #tpu.memory_space<vmem>>, vector<1x16xf32>,
          %get3A_349 = vector.shape_cast %get3A_348 : vector<1x16xf32> to vector<16xf32>
          %add3A_350 = arith.addf %get3A_345, %get3A_349 : vector<16xf32>
          %mul3A_351 = arith.constant 2.000000e-01 : f32
          %mul3A_352 = vector.broadcast %mul3A_351 : f32 to vector<16xf32>
          %mul3A_353 = arith.mulf %mul3A_352, %add3A_350 : vector<16xf32>
          %max3A_354 = arith.maximumf %add3A_350, %mul3A_353 : vector<16xf32>
          %exp3A_355 = math.exp %max3A_354 : vector<16xf32>
          %get3A_356 = arith.index_cast %scan3A_287 : i32 to index
          %get3A_357 = arith.constant 32 : index
          %get3A_358 = tpu.vector_load %arg13[%get3A_356, %get3A_357] {strides = array<i32>} : memref<40x128xf32, #tpu.memory_space<vmem>>, vector<1x16xf32>,
          %get3A_359 = vector.shape_cast %get3A_358 : vector<1x16xf32> to vector<16xf32>
          %mul3A_360 = arith.mulf %get3A_359, %exp3A_355 : vector<16xf32>
          %swap3A_361 = arith.index_cast %scan3A_287 : i32 to index
          %swap3A_362 = arith.constant 32 : index
          %swap3A_363 = tpu.vector_load %arg15[%swap3A_361, %swap3A_362] {strides = array<i32>} : memref<40x128xf32, #tpu.memory_space<vmem>>, vector<1x16xf32>,
          %swap3A_364 = vector.shape_cast %swap3A_363 : vector<1x16xf32> to vector<16xf32>
          %swap3A_365 = vector.shape_cast %mul3A_360 : vector<16xf32> to vector<1x16xf32>
          tpu.vector_store %arg15[%swap3A_361, %swap3A_362], %swap3A_365 {strides = array<i32>} : memref<40x128xf32, #tpu.memory_space<vmem>>, vector<1x16xf32>,
          %swap3A_366 = arith.index_cast %scan3A_287 : i32 to index
          %swap3A_367 = arith.constant 96 : index
          %swap3A_368 = tpu.vector_load %arg15[%swap3A_366, %swap3A_367] {strides = array<i32>} : memref<40x128xf32, #tpu.memory_space<vmem>>, vector<1x16xf32>,
          %swap3A_369 = vector.shape_cast %swap3A_368 : vector<1x16xf32> to vector<16xf32>
          %swap3A_370 = vector.shape_cast %exp3A_355 : vector<16xf32> to vector<1x16xf32>
          tpu.vector_store %arg15[%swap3A_366, %swap3A_367], %swap3A_370 {strides = array<i32>} : memref<40x128xf32, #tpu.memory_space<vmem>>, vector<1x16xf32>,
          %get3A_371 = arith.index_cast %scan3A_287 : i32 to index
          %get3A_372 = arith.constant 112 : index
          %get3A_373 = tpu.vector_load %arg13[%get3A_371, %get3A_372] {strides = array<i32>} : memref<40x128xf32, #tpu.memory_space<vmem>>, vector<1x16xf32>,
          %get3A_374 = vector.shape_cast %get3A_373 : vector<1x16xf32> to vector<16xf32>
          %get3A_375 = arith.index_cast %scan3A_287 : i32 to index
          %get3A_376 = arith.constant 48 : index
          %get3A_377 = tpu.vector_load %arg14[%get3A_375, %get3A_376] {strides = array<i32>} : memref<40x128xf32, #tpu.memory_space<vmem>>, vector<1x16xf32>,
          %get3A_378 = vector.shape_cast %get3A_377 : vector<1x16xf32> to vector<16xf32>
          %add3A_379 = arith.addf %get3A_374, %get3A_378 : vector<16xf32>
          %mul3A_380 = arith.constant 2.000000e-01 : f32
          %mul3A_381 = vector.broadcast %mul3A_380 : f32 to vector<16xf32>
          %mul3A_382 = arith.mulf %mul3A_381, %add3A_379 : vector<16xf32>
          %max3A_383 = arith.maximumf %add3A_379, %mul3A_382 : vector<16xf32>
          %exp3A_384 = math.exp %max3A_383 : vector<16xf32>
          %get3A_385 = arith.index_cast %scan3A_287 : i32 to index
          %get3A_386 = arith.constant 48 : index
          %get3A_387 = tpu.vector_load %arg13[%get3A_385, %get3A_386] {strides = array<i32>} : memref<40x128xf32, #tpu.memory_space<vmem>>, vector<1x16xf32>,
          %get3A_388 = vector.shape_cast %get3A_387 : vector<1x16xf32> to vector<16xf32>
          %mul3A_389 = arith.mulf %get3A_388, %exp3A_384 : vector<16xf32>
          %swap3A_390 = arith.index_cast %scan3A_287 : i32 to index
          %swap3A_391 = arith.constant 48 : index
          %swap3A_392 = tpu.vector_load %arg15[%swap3A_390, %swap3A_391] {strides = array<i32>} : memref<40x128xf32, #tpu.memory_space<vmem>>, vector<1x16xf32>,
          %swap3A_393 = vector.shape_cast %swap3A_392 : vector<1x16xf32> to vector<16xf32>
          %swap3A_394 = vector.shape_cast %mul3A_389 : vector<16xf32> to vector<1x16xf32>
          tpu.vector_store %arg15[%swap3A_390, %swap3A_391], %swap3A_394 {strides = array<i32>} : memref<40x128xf32, #tpu.memory_space<vmem>>, vector<1x16xf32>,
          %swap3A_395 = arith.index_cast %scan3A_287 : i32 to index
          %swap3A_396 = arith.constant 112 : index
          %swap3A_397 = tpu.vector_load %arg15[%swap3A_395, %swap3A_396] {strides = array<i32>} : memref<40x128xf32, #tpu.memory_space<vmem>>, vector<1x16xf32>,
          %swap3A_398 = vector.shape_cast %swap3A_397 : vector<1x16xf32> to vector<16xf32>
          %swap3A_399 = vector.shape_cast %exp3A_384 : vector<16xf32> to vector<1x16xf32>
          tpu.vector_store %arg15[%swap3A_395, %swap3A_396], %swap3A_399 {strides = array<i32>} : memref<40x128xf32, #tpu.memory_space<vmem>>, vector<1x16xf32>,
        }
        %scan3A_266 = arith.constant 40 : i32
        %dma_start3A_267 = arith.constant 0 : i32
        %dma_start3A_268 = tpu.memref_slice %arg9[%add3A_192, %dma_start3A_267] : memref<50x40xi32, #tpu.memory_space<vmem>> -> memref<1x40xi32, #tpu.memory_space<vmem>>
        %dma_start3A_269 = tpu.memref_squeeze %dma_start3A_268 : memref<1x40xi32, #tpu.memory_space<vmem>> -> memref<40xi32, #tpu.memory_space<vmem>>
        %dma_start3A_270 = arith.constant 0 : i32
        %dma_start3A_271 = arith.constant 0 : i32
        %dma_start3A_272 = tpu.memref_slice %arg16[%dma_start3A_270, %dma_start3A_271] : memref<10240x128xf32, #tpu.memory_space<vmem_shared>> -> memref<10240x128xf32, #tpu.memory_space<vmem_shared>>
        tpu.enqueue_indirect_dma source(%arg15 : memref<40x128xf32, #tpu.memory_space<vmem>>) target(%dma_start3A_272 : memref<10240x128xf32, #tpu.memory_space<vmem_shared>>) offsets(%dma_start3A_269 : memref<40xi32, #tpu.memory_space<vmem>>) semaphore(%arg22 : memref<!tpu.dma_semaphore, #tpu.memory_space<semaphore_mem>>) {add = true}
        %add3A_273 = arith.constant 2 : i32
        %add3A_274 = arith.addi %add3A_192, %add3A_273 : i32
        %dma_start3A_275 = arith.constant 0 : i32
        %dma_start3A_276 = tpu.memref_slice %arg8[%add3A_274, %dma_start3A_275] : memref<50x40xi32, #tpu.memory_space<vmem>> -> memref<1x40xi32, #tpu.memory_space<vmem>>
        %dma_start3A_277 = tpu.memref_squeeze %dma_start3A_276 : memref<1x40xi32, #tpu.memory_space<vmem>> -> memref<40xi32, #tpu.memory_space<vmem>>
        %dma_start3A_278 = arith.constant 0 : i32
        %dma_start3A_279 = arith.constant 0 : i32
        %dma_start3A_280 = tpu.memref_slice %arg4[%dma_start3A_278, %dma_start3A_279] : memref<10000x128xf32, #tpu.memory_space<hbm>> -> memref<10000x128xf32, #tpu.memory_space<hbm>>
        tpu.enqueue_indirect_dma source(%dma_start3A_280 : memref<10000x128xf32, #tpu.memory_space<hbm>>) target(%arg13 : memref<40x128xf32, #tpu.memory_space<vmem>>) offsets(%dma_start3A_277 : memref<40xi32, #tpu.memory_space<vmem>>) semaphore(%arg20 : memref<!tpu.dma_semaphore, #tpu.memory_space<semaphore_mem>>)
        %dma_start3A_281 = arith.constant 0 : i32
        %dma_start3A_282 = tpu.memref_slice %arg9[%add3A_274, %dma_start3A_281] : memref<50x40xi32, #tpu.memory_space<vmem>> -> memref<1x40xi32, #tpu.memory_space<vmem>>
        %dma_start3A_283 = tpu.memref_squeeze %dma_start3A_282 : memref<1x40xi32, #tpu.memory_space<vmem>> -> memref<40xi32, #tpu.memory_space<vmem>>
        %dma_start3A_284 = arith.constant 0 : i32
        %dma_start3A_285 = arith.constant 0 : i32
        %dma_start3A_286 = tpu.memref_slice %arg5[%dma_start3A_284, %dma_start3A_285] : memref<10000x128xf32, #tpu.memory_space<hbm>> -> memref<10000x128xf32, #tpu.memory_space<hbm>>
        tpu.enqueue_indirect_dma source(%dma_start3A_286 : memref<10000x128xf32, #tpu.memory_space<hbm>>) target(%arg14 : memref<40x128xf32, #tpu.memory_space<vmem>>) offsets(%dma_start3A_283 : memref<40xi32, #tpu.memory_space<vmem>>) semaphore(%arg21 : memref<!tpu.dma_semaphore, #tpu.memory_space<semaphore_mem>>)
      }
      %scan3A_119 = arith.constant 24 : i32
      %dma_wait3A_120 = arith.constant 0 : i32
      %dma_wait3A_121 = arith.constant 0 : i32
      %dma_wait3A_122 = tpu.memref_slice %arg4[%dma_wait3A_120, %dma_wait3A_121] : memref<10000x128xf32, #tpu.memory_space<hbm>> -> memref<40x128xf32, #tpu.memory_space<hbm>>
      %dma_wait3A_123 = arith.constant 0 : i32
      %dma_wait3A_124 = arith.constant 0 : i32
      %dma_wait3A_125 = tpu.memref_slice %arg4[%dma_wait3A_123, %dma_wait3A_124] : memref<10000x128xf32, #tpu.memory_space<hbm>> -> memref<40x128xf32, #tpu.memory_space<hbm>>
      tpu.wait_dma2 semaphore(%arg17 : memref<!tpu.dma_semaphore, #tpu.memory_space<semaphore_mem>>) src(%dma_wait3A_125 : memref<40x128xf32, #tpu.memory_space<hbm>>) dst(%arg10 : memref<40x128xf32, #tpu.memory_space<vmem>>)
      %dma_wait3A_126 = arith.constant 0 : i32
      %dma_wait3A_127 = arith.constant 0 : i32
      %dma_wait3A_128 = tpu.memref_slice %arg5[%dma_wait3A_126, %dma_wait3A_127] : memref<10000x128xf32, #tpu.memory_space<hbm>> -> memref<40x128xf32, #tpu.memory_space<hbm>>
      %dma_wait3A_129 = arith.constant 0 : i32
      %dma_wait3A_130 = arith.constant 0 : i32
      %dma_wait3A_131 = tpu.memref_slice %arg5[%dma_wait3A_129, %dma_wait3A_130] : memref<10000x128xf32, #tpu.memory_space<hbm>> -> memref<40x128xf32, #tpu.memory_space<hbm>>
      tpu.wait_dma2 semaphore(%arg18 : memref<!tpu.dma_semaphore, #tpu.memory_space<semaphore_mem>>) src(%dma_wait3A_131 : memref<40x128xf32, #tpu.memory_space<hbm>>) dst(%arg11 : memref<40x128xf32, #tpu.memory_space<vmem>>)
      %dma_wait3A_132 = arith.constant 0 : i32
      %dma_wait3A_133 = arith.constant 0 : i32
      %dma_wait3A_134 = arith.constant 0 : i32
      %dma_wait3A_135 = tpu.memref_slice %arg6[%dma_wait3A_132, %dma_wait3A_133, %dma_wait3A_134] : memref<2x10240x128xf32, #tpu.memory_space<hbm>> -> memref<1x40x128xf32, #tpu.memory_space<hbm>>
      %dma_wait3A_136 = tpu.memref_squeeze %dma_wait3A_135 : memref<1x40x128xf32, #tpu.memory_space<hbm>> -> memref<40x128xf32, #tpu.memory_space<hbm>>
      %dma_wait3A_137 = arith.constant 0 : i32
      %dma_wait3A_138 = arith.constant 0 : i32
      %dma_wait3A_139 = tpu.memref_slice %arg6[%dma_wait3A_132, %dma_wait3A_137, %dma_wait3A_138] : memref<2x10240x128xf32, #tpu.memory_space<hbm>> -> memref<1x40x128xf32, #tpu.memory_space<hbm>>
      %dma_wait3A_140 = tpu.memref_squeeze %dma_wait3A_139 : memref<1x40x128xf32, #tpu.memory_space<hbm>> -> memref<40x128xf32, #tpu.memory_space<hbm>>
      tpu.wait_dma2 semaphore(%arg19 : memref<!tpu.dma_semaphore, #tpu.memory_space<semaphore_mem>>) src(%dma_wait3A_140 : memref<40x128xf32, #tpu.memory_space<hbm>>) dst(%arg12 : memref<40x128xf32, #tpu.memory_space<vmem>>)
      %scan3A_141 = arith.constant 0 : i32
      %scan3A_142 = arith.constant 0 : i32
      %scan3A_143 = arith.constant 40 : i32
      %scan3A_144 = arith.addi %scan3A_142, %scan3A_143 : i32
      %scan3A_145 = arith.constant 1 : i32
      scf.for %scan3A_188 = %scan3A_142 to %scan3A_144 step %scan3A_145  : i32 {
        %get3A = arith.index_cast %scan3A_188 : i32 to index
        %get3A_189 = arith.constant 64 : index
        %get3A_190 = tpu.vector_load %arg10[%get3A, %get3A_189] {strides = array<i32>} : memref<40x128xf32, #tpu.memory_space<vmem>>, vector<1x16xf32>,
        %get3A_191 = vector.shape_cast %get3A_190 : vector<1x16xf32> to vector<16xf32>
        %get3A_192 = arith.index_cast %scan3A_188 : i32 to index
        %get3A_193 = arith.constant 0 : index
        %get3A_194 = tpu.vector_load %arg11[%get3A_192, %get3A_193] {strides = array<i32>} : memref<40x128xf32, #tpu.memory_space<vmem>>, vector<1x16xf32>,
        %get3A_195 = vector.shape_cast %get3A_194 : vector<1x16xf32> to vector<16xf32>
        %add3A_196 = arith.addf %get3A_191, %get3A_195 : vector<16xf32>
        %mul3A_197 = arith.constant 2.000000e-01 : f32
        %mul3A_198 = vector.broadcast %mul3A_197 : f32 to vector<16xf32>
        %mul3A_199 = arith.mulf %mul3A_198, %add3A_196 : vector<16xf32>
        %max3A = arith.maximumf %add3A_196, %mul3A_199 : vector<16xf32>
        %exp3A = math.exp %max3A : vector<16xf32>
        %get3A_200 = arith.index_cast %scan3A_188 : i32 to index
        %get3A_201 = arith.constant 0 : index
        %get3A_202 = tpu.vector_load %arg10[%get3A_200, %get3A_201] {strides = array<i32>} : memref<40x128xf32, #tpu.memory_space<vmem>>, vector<1x16xf32>,
        %get3A_203 = vector.shape_cast %get3A_202 : vector<1x16xf32> to vector<16xf32>
        %mul3A_204 = arith.mulf %get3A_203, %exp3A : vector<16xf32>
        %swap3A = arith.index_cast %scan3A_188 : i32 to index
        %swap3A_205 = arith.constant 0 : index
        %swap3A_206 = tpu.vector_load %arg12[%swap3A, %swap3A_205] {strides = array<i32>} : memref<40x128xf32, #tpu.memory_space<vmem>>, vector<1x16xf32>,
        %swap3A_207 = vector.shape_cast %swap3A_206 : vector<1x16xf32> to vector<16xf32>
        %swap3A_208 = vector.shape_cast %mul3A_204 : vector<16xf32> to vector<1x16xf32>
        tpu.vector_store %arg12[%swap3A, %swap3A_205], %swap3A_208 {strides = array<i32>} : memref<40x128xf32, #tpu.memory_space<vmem>>, vector<1x16xf32>,
        %swap3A_209 = arith.index_cast %scan3A_188 : i32 to index
        %swap3A_210 = arith.constant 64 : index
        %swap3A_211 = tpu.vector_load %arg12[%swap3A_209, %swap3A_210] {strides = array<i32>} : memref<40x128xf32, #tpu.memory_space<vmem>>, vector<1x16xf32>,
        %swap3A_212 = vector.shape_cast %swap3A_211 : vector<1x16xf32> to vector<16xf32>
        %swap3A_213 = vector.shape_cast %exp3A : vector<16xf32> to vector<1x16xf32>
        tpu.vector_store %arg12[%swap3A_209, %swap3A_210], %swap3A_213 {strides = array<i32>} : memref<40x128xf32, #tpu.memory_space<vmem>>, vector<1x16xf32>,
        %get3A_214 = arith.index_cast %scan3A_188 : i32 to index
        %get3A_215 = arith.constant 80 : index
        %get3A_216 = tpu.vector_load %arg10[%get3A_214, %get3A_215] {strides = array<i32>} : memref<40x128xf32, #tpu.memory_space<vmem>>, vector<1x16xf32>,
        %get3A_217 = vector.shape_cast %get3A_216 : vector<1x16xf32> to vector<16xf32>
        %get3A_218 = arith.index_cast %scan3A_188 : i32 to index
        %get3A_219 = arith.constant 16 : index
        %get3A_220 = tpu.vector_load %arg11[%get3A_218, %get3A_219] {strides = array<i32>} : memref<40x128xf32, #tpu.memory_space<vmem>>, vector<1x16xf32>,
        %get3A_221 = vector.shape_cast %get3A_220 : vector<1x16xf32> to vector<16xf32>
        %add3A_222 = arith.addf %get3A_217, %get3A_221 : vector<16xf32>
        %mul3A_223 = arith.constant 2.000000e-01 : f32
        %mul3A_224 = vector.broadcast %mul3A_223 : f32 to vector<16xf32>
        %mul3A_225 = arith.mulf %mul3A_224, %add3A_222 : vector<16xf32>
        %max3A_226 = arith.maximumf %add3A_222, %mul3A_225 : vector<16xf32>
        %exp3A_227 = math.exp %max3A_226 : vector<16xf32>
        %get3A_228 = arith.index_cast %scan3A_188 : i32 to index
        %get3A_229 = arith.constant 16 : index
        %get3A_230 = tpu.vector_load %arg10[%get3A_228, %get3A_229] {strides = array<i32>} : memref<40x128xf32, #tpu.memory_space<vmem>>, vector<1x16xf32>,
        %get3A_231 = vector.shape_cast %get3A_230 : vector<1x16xf32> to vector<16xf32>
        %mul3A_232 = arith.mulf %get3A_231, %exp3A_227 : vector<16xf32>
        %swap3A_233 = arith.index_cast %scan3A_188 : i32 to index
        %swap3A_234 = arith.constant 16 : index
        %swap3A_235 = tpu.vector_load %arg12[%swap3A_233, %swap3A_234] {strides = array<i32>} : memref<40x128xf32, #tpu.memory_space<vmem>>, vector<1x16xf32>,
        %swap3A_236 = vector.shape_cast %swap3A_235 : vector<1x16xf32> to vector<16xf32>
        %swap3A_237 = vector.shape_cast %mul3A_232 : vector<16xf32> to vector<1x16xf32>
        tpu.vector_store %arg12[%swap3A_233, %swap3A_234], %swap3A_237 {strides = array<i32>} : memref<40x128xf32, #tpu.memory_space<vmem>>, vector<1x16xf32>,
        %swap3A_238 = arith.index_cast %scan3A_188 : i32 to index
        %swap3A_239 = arith.constant 80 : index
        %swap3A_240 = tpu.vector_load %arg12[%swap3A_238, %swap3A_239] {strides = array<i32>} : memref<40x128xf32, #tpu.memory_space<vmem>>, vector<1x16xf32>,
        %swap3A_241 = vector.shape_cast %swap3A_240 : vector<1x16xf32> to vector<16xf32>
        %swap3A_242 = vector.shape_cast %exp3A_227 : vector<16xf32> to vector<1x16xf32>
        tpu.vector_store %arg12[%swap3A_238, %swap3A_239], %swap3A_242 {strides = array<i32>} : memref<40x128xf32, #tpu.memory_space<vmem>>, vector<1x16xf32>,
        %get3A_243 = arith.index_cast %scan3A_188 : i32 to index
        %get3A_244 = arith.constant 96 : index
        %get3A_245 = tpu.vector_load %arg10[%get3A_243, %get3A_244] {strides = array<i32>} : memref<40x128xf32, #tpu.memory_space<vmem>>, vector<1x16xf32>,
        %get3A_246 = vector.shape_cast %get3A_245 : vector<1x16xf32> to vector<16xf32>
        %get3A_247 = arith.index_cast %scan3A_188 : i32 to index
        %get3A_248 = arith.constant 32 : index
        %get3A_249 = tpu.vector_load %arg11[%get3A_247, %get3A_248] {strides = array<i32>} : memref<40x128xf32, #tpu.memory_space<vmem>>, vector<1x16xf32>,
        %get3A_250 = vector.shape_cast %get3A_249 : vector<1x16xf32> to vector<16xf32>
        %add3A_251 = arith.addf %get3A_246, %get3A_250 : vector<16xf32>
        %mul3A_252 = arith.constant 2.000000e-01 : f32
        %mul3A_253 = vector.broadcast %mul3A_252 : f32 to vector<16xf32>
        %mul3A_254 = arith.mulf %mul3A_253, %add3A_251 : vector<16xf32>
        %max3A_255 = arith.maximumf %add3A_251, %mul3A_254 : vector<16xf32>
        %exp3A_256 = math.exp %max3A_255 : vector<16xf32>
        %get3A_257 = arith.index_cast %scan3A_188 : i32 to index
        %get3A_258 = arith.constant 32 : index
        %get3A_259 = tpu.vector_load %arg10[%get3A_257, %get3A_258] {strides = array<i32>} : memref<40x128xf32, #tpu.memory_space<vmem>>, vector<1x16xf32>,
        %get3A_260 = vector.shape_cast %get3A_259 : vector<1x16xf32> to vector<16xf32>
        %mul3A_261 = arith.mulf %get3A_260, %exp3A_256 : vector<16xf32>
        %swap3A_262 = arith.index_cast %scan3A_188 : i32 to index
        %swap3A_263 = arith.constant 32 : index
        %swap3A_264 = tpu.vector_load %arg12[%swap3A_262, %swap3A_263] {strides = array<i32>} : memref<40x128xf32, #tpu.memory_space<vmem>>, vector<1x16xf32>,
        %swap3A_265 = vector.shape_cast %swap3A_264 : vector<1x16xf32> to vector<16xf32>
        %swap3A_266 = vector.shape_cast %mul3A_261 : vector<16xf32> to vector<1x16xf32>
        tpu.vector_store %arg12[%swap3A_262, %swap3A_263], %swap3A_266 {strides = array<i32>} : memref<40x128xf32, #tpu.memory_space<vmem>>, vector<1x16xf32>,
        %swap3A_267 = arith.index_cast %scan3A_188 : i32 to index
        %swap3A_268 = arith.constant 96 : index
        %swap3A_269 = tpu.vector_load %arg12[%swap3A_267, %swap3A_268] {strides = array<i32>} : memref<40x128xf32, #tpu.memory_space<vmem>>, vector<1x16xf32>,
        %swap3A_270 = vector.shape_cast %swap3A_269 : vector<1x16xf32> to vector<16xf32>
        %swap3A_271 = vector.shape_cast %exp3A_256 : vector<16xf32> to vector<1x16xf32>
        tpu.vector_store %arg12[%swap3A_267, %swap3A_268], %swap3A_271 {strides = array<i32>} : memref<40x128xf32, #tpu.memory_space<vmem>>, vector<1x16xf32>,
        %get3A_272 = arith.index_cast %scan3A_188 : i32 to index
        %get3A_273 = arith.constant 112 : index
        %get3A_274 = tpu.vector_load %arg10[%get3A_272, %get3A_273] {strides = array<i32>} : memref<40x128xf32, #tpu.memory_space<vmem>>, vector<1x16xf32>,
        %get3A_275 = vector.shape_cast %get3A_274 : vector<1x16xf32> to vector<16xf32>
        %get3A_276 = arith.index_cast %scan3A_188 : i32 to index
        %get3A_277 = arith.constant 48 : index
        %get3A_278 = tpu.vector_load %arg11[%get3A_276, %get3A_277] {strides = array<i32>} : memref<40x128xf32, #tpu.memory_space<vmem>>, vector<1x16xf32>,
        %get3A_279 = vector.shape_cast %get3A_278 : vector<1x16xf32> to vector<16xf32>
        %add3A_280 = arith.addf %get3A_275, %get3A_279 : vector<16xf32>
        %mul3A_281 = arith.constant 2.000000e-01 : f32
        %mul3A_282 = vector.broadcast %mul3A_281 : f32 to vector<16xf32>
        %mul3A_283 = arith.mulf %mul3A_282, %add3A_280 : vector<16xf32>
        %max3A_284 = arith.maximumf %add3A_280, %mul3A_283 : vector<16xf32>
        %exp3A_285 = math.exp %max3A_284 : vector<16xf32>
        %get3A_286 = arith.index_cast %scan3A_188 : i32 to index
        %get3A_287 = arith.constant 48 : index
        %get3A_288 = tpu.vector_load %arg10[%get3A_286, %get3A_287] {strides = array<i32>} : memref<40x128xf32, #tpu.memory_space<vmem>>, vector<1x16xf32>,
        %get3A_289 = vector.shape_cast %get3A_288 : vector<1x16xf32> to vector<16xf32>
        %mul3A_290 = arith.mulf %get3A_289, %exp3A_285 : vector<16xf32>
        %swap3A_291 = arith.index_cast %scan3A_188 : i32 to index
        %swap3A_292 = arith.constant 48 : index
        %swap3A_293 = tpu.vector_load %arg12[%swap3A_291, %swap3A_292] {strides = array<i32>} : memref<40x128xf32, #tpu.memory_space<vmem>>, vector<1x16xf32>,
        %swap3A_294 = vector.shape_cast %swap3A_293 : vector<1x16xf32> to vector<16xf32>
        %swap3A_295 = vector.shape_cast %mul3A_290 : vector<16xf32> to vector<1x16xf32>
        tpu.vector_store %arg12[%swap3A_291, %swap3A_292], %swap3A_295 {strides = array<i32>} : memref<40x128xf32, #tpu.memory_space<vmem>>, vector<1x16xf32>,
        %swap3A_296 = arith.index_cast %scan3A_188 : i32 to index
        %swap3A_297 = arith.constant 112 : index
        %swap3A_298 = tpu.vector_load %arg12[%swap3A_296, %swap3A_297] {strides = array<i32>} : memref<40x128xf32, #tpu.memory_space<vmem>>, vector<1x16xf32>,
        %swap3A_299 = vector.shape_cast %swap3A_298 : vector<1x16xf32> to vector<16xf32>
        %swap3A_300 = vector.shape_cast %exp3A_285 : vector<16xf32> to vector<1x16xf32>
        tpu.vector_store %arg12[%swap3A_296, %swap3A_297], %swap3A_300 {strides = array<i32>} : memref<40x128xf32, #tpu.memory_space<vmem>>, vector<1x16xf32>,
      }
      %scan3A_146 = arith.constant 40 : i32
      %dma_start3A_147 = arith.constant 48 : i32
      %dma_start3A_148 = arith.constant 0 : i32
      %dma_start3A_149 = tpu.memref_slice %arg9[%dma_start3A_147, %dma_start3A_148] : memref<50x40xi32, #tpu.memory_space<vmem>> -> memref<1x40xi32, #tpu.memory_space<vmem>>
      %dma_start3A_150 = tpu.memref_squeeze %dma_start3A_149 : memref<1x40xi32, #tpu.memory_space<vmem>> -> memref<40xi32, #tpu.memory_space<vmem>>
      %dma_start3A_151 = arith.constant 0 : i32
      %dma_start3A_152 = arith.constant 0 : i32
      %dma_start3A_153 = tpu.memref_slice %arg16[%dma_start3A_151, %dma_start3A_152] : memref<10240x128xf32, #tpu.memory_space<vmem_shared>> -> memref<10240x128xf32, #tpu.memory_space<vmem_shared>>
      tpu.enqueue_indirect_dma source(%arg12 : memref<40x128xf32, #tpu.memory_space<vmem>>) target(%dma_start3A_153 : memref<10240x128xf32, #tpu.memory_space<vmem_shared>>) offsets(%dma_start3A_150 : memref<40xi32, #tpu.memory_space<vmem>>) semaphore(%arg19 : memref<!tpu.dma_semaphore, #tpu.memory_space<semaphore_mem>>) {add = true}
      %dma_wait3A_154 = arith.constant 0 : i32
      %dma_wait3A_155 = arith.constant 0 : i32
      %dma_wait3A_156 = tpu.memref_slice %arg4[%dma_wait3A_154, %dma_wait3A_155] : memref<10000x128xf32, #tpu.memory_space<hbm>> -> memref<40x128xf32, #tpu.memory_space<hbm>>
      %dma_wait3A_157 = arith.constant 0 : i32
      %dma_wait3A_158 = arith.constant 0 : i32
      %dma_wait3A_159 = tpu.memref_slice %arg4[%dma_wait3A_157, %dma_wait3A_158] : memref<10000x128xf32, #tpu.memory_space<hbm>> -> memref<40x128xf32, #tpu.memory_space<hbm>>
      tpu.wait_dma2 semaphore(%arg20 : memref<!tpu.dma_semaphore, #tpu.memory_space<semaphore_mem>>) src(%dma_wait3A_159 : memref<40x128xf32, #tpu.memory_space<hbm>>) dst(%arg13 : memref<40x128xf32, #tpu.memory_space<vmem>>)
      %dma_wait3A_160 = arith.constant 0 : i32
      %dma_wait3A_161 = arith.constant 0 : i32
      %dma_wait3A_162 = tpu.memref_slice %arg5[%dma_wait3A_160, %dma_wait3A_161] : memref<10000x128xf32, #tpu.memory_space<hbm>> -> memref<40x128xf32, #tpu.memory_space<hbm>>
      %dma_wait3A_163 = arith.constant 0 : i32
      %dma_wait3A_164 = arith.constant 0 : i32
      %dma_wait3A_165 = tpu.memref_slice %arg5[%dma_wait3A_163, %dma_wait3A_164] : memref<10000x128xf32, #tpu.memory_space<hbm>> -> memref<40x128xf32, #tpu.memory_space<hbm>>
      tpu.wait_dma2 semaphore(%arg21 : memref<!tpu.dma_semaphore, #tpu.memory_space<semaphore_mem>>) src(%dma_wait3A_165 : memref<40x128xf32, #tpu.memory_space<hbm>>) dst(%arg14 : memref<40x128xf32, #tpu.memory_space<vmem>>)
      %dma_wait3A_166 = arith.constant 0 : i32
      %dma_wait3A_167 = arith.constant 0 : i32
      %dma_wait3A_168 = arith.constant 0 : i32
      %dma_wait3A_169 = tpu.memref_slice %arg6[%dma_wait3A_166, %dma_wait3A_167, %dma_wait3A_168] : memref<2x10240x128xf32, #tpu.memory_space<hbm>> -> memref<1x40x128xf32, #tpu.memory_space<hbm>>
      %dma_wait3A_170 = tpu.memref_squeeze %dma_wait3A_169 : memref<1x40x128xf32, #tpu.memory_space<hbm>> -> memref<40x128xf32, #tpu.memory_space<hbm>>
      %dma_wait3A_171 = arith.constant 0 : i32
      %dma_wait3A_172 = arith.constant 0 : i32
      %dma_wait3A_173 = tpu.memref_slice %arg6[%dma_wait3A_166, %dma_wait3A_171, %dma_wait3A_172] : memref<2x10240x128xf32, #tpu.memory_space<hbm>> -> memref<1x40x128xf32, #tpu.memory_space<hbm>>
      %dma_wait3A_174 = tpu.memref_squeeze %dma_wait3A_173 : memref<1x40x128xf32, #tpu.memory_space<hbm>> -> memref<40x128xf32, #tpu.memory_space<hbm>>
      tpu.wait_dma2 semaphore(%arg22 : memref<!tpu.dma_semaphore, #tpu.memory_space<semaphore_mem>>) src(%dma_wait3A_174 : memref<40x128xf32, #tpu.memory_space<hbm>>) dst(%arg15 : memref<40x128xf32, #tpu.memory_space<vmem>>)
      %scan3A_175 = arith.constant 0 : i32
      %scan3A_176 = arith.constant 0 : i32
      %scan3A_177 = arith.constant 40 : i32
      %scan3A_178 = arith.addi %scan3A_176, %scan3A_177 : i32
      %scan3A_179 = arith.constant 1 : i32
      scf.for %scan3A_188 = %scan3A_176 to %scan3A_178 step %scan3A_179  : i32 {
        %get3A = arith.index_cast %scan3A_188 : i32 to index
        %get3A_189 = arith.constant 64 : index
        %get3A_190 = tpu.vector_load %arg13[%get3A, %get3A_189] {strides = array<i32>} : memref<40x128xf32, #tpu.memory_space<vmem>>, vector<1x16xf32>,
        %get3A_191 = vector.shape_cast %get3A_190 : vector<1x16xf32> to vector<16xf32>
        %get3A_192 = arith.index_cast %scan3A_188 : i32 to index
        %get3A_193 = arith.constant 0 : index
        %get3A_194 = tpu.vector_load %arg14[%get3A_192, %get3A_193] {strides = array<i32>} : memref<40x128xf32, #tpu.memory_space<vmem>>, vector<1x16xf32>,
        %get3A_195 = vector.shape_cast %get3A_194 : vector<1x16xf32> to vector<16xf32>
        %add3A_196 = arith.addf %get3A_191, %get3A_195 : vector<16xf32>
        %mul3A_197 = arith.constant 2.000000e-01 : f32
        %mul3A_198 = vector.broadcast %mul3A_197 : f32 to vector<16xf32>
        %mul3A_199 = arith.mulf %mul3A_198, %add3A_196 : vector<16xf32>
        %max3A = arith.maximumf %add3A_196, %mul3A_199 : vector<16xf32>
        %exp3A = math.exp %max3A : vector<16xf32>
        %get3A_200 = arith.index_cast %scan3A_188 : i32 to index
        %get3A_201 = arith.constant 0 : index
        %get3A_202 = tpu.vector_load %arg13[%get3A_200, %get3A_201] {strides = array<i32>} : memref<40x128xf32, #tpu.memory_space<vmem>>, vector<1x16xf32>,
        %get3A_203 = vector.shape_cast %get3A_202 : vector<1x16xf32> to vector<16xf32>
        %mul3A_204 = arith.mulf %get3A_203, %exp3A : vector<16xf32>
        %swap3A = arith.index_cast %scan3A_188 : i32 to index
        %swap3A_205 = arith.constant 0 : index
        %swap3A_206 = tpu.vector_load %arg15[%swap3A, %swap3A_205] {strides = array<i32>} : memref<40x128xf32, #tpu.memory_space<vmem>>, vector<1x16xf32>,
        %swap3A_207 = vector.shape_cast %swap3A_206 : vector<1x16xf32> to vector<16xf32>
        %swap3A_208 = vector.shape_cast %mul3A_204 : vector<16xf32> to vector<1x16xf32>
        tpu.vector_store %arg15[%swap3A, %swap3A_205], %swap3A_208 {strides = array<i32>} : memref<40x128xf32, #tpu.memory_space<vmem>>, vector<1x16xf32>,
        %swap3A_209 = arith.index_cast %scan3A_188 : i32 to index
        %swap3A_210 = arith.constant 64 : index
        %swap3A_211 = tpu.vector_load %arg15[%swap3A_209, %swap3A_210] {strides = array<i32>} : memref<40x128xf32, #tpu.memory_space<vmem>>, vector<1x16xf32>,
        %swap3A_212 = vector.shape_cast %swap3A_211 : vector<1x16xf32> to vector<16xf32>
        %swap3A_213 = vector.shape_cast %exp3A : vector<16xf32> to vector<1x16xf32>
        tpu.vector_store %arg15[%swap3A_209, %swap3A_210], %swap3A_213 {strides = array<i32>} : memref<40x128xf32, #tpu.memory_space<vmem>>, vector<1x16xf32>,
        %get3A_214 = arith.index_cast %scan3A_188 : i32 to index
        %get3A_215 = arith.constant 80 : index
        %get3A_216 = tpu.vector_load %arg13[%get3A_214, %get3A_215] {strides = array<i32>} : memref<40x128xf32, #tpu.memory_space<vmem>>, vector<1x16xf32>,
        %get3A_217 = vector.shape_cast %get3A_216 : vector<1x16xf32> to vector<16xf32>
        %get3A_218 = arith.index_cast %scan3A_188 : i32 to index
        %get3A_219 = arith.constant 16 : index
        %get3A_220 = tpu.vector_load %arg14[%get3A_218, %get3A_219] {strides = array<i32>} : memref<40x128xf32, #tpu.memory_space<vmem>>, vector<1x16xf32>,
        %get3A_221 = vector.shape_cast %get3A_220 : vector<1x16xf32> to vector<16xf32>
        %add3A_222 = arith.addf %get3A_217, %get3A_221 : vector<16xf32>
        %mul3A_223 = arith.constant 2.000000e-01 : f32
        %mul3A_224 = vector.broadcast %mul3A_223 : f32 to vector<16xf32>
        %mul3A_225 = arith.mulf %mul3A_224, %add3A_222 : vector<16xf32>
        %max3A_226 = arith.maximumf %add3A_222, %mul3A_225 : vector<16xf32>
        %exp3A_227 = math.exp %max3A_226 : vector<16xf32>
        %get3A_228 = arith.index_cast %scan3A_188 : i32 to index
        %get3A_229 = arith.constant 16 : index
        %get3A_230 = tpu.vector_load %arg13[%get3A_228, %get3A_229] {strides = array<i32>} : memref<40x128xf32, #tpu.memory_space<vmem>>, vector<1x16xf32>,
        %get3A_231 = vector.shape_cast %get3A_230 : vector<1x16xf32> to vector<16xf32>
        %mul3A_232 = arith.mulf %get3A_231, %exp3A_227 : vector<16xf32>
        %swap3A_233 = arith.index_cast %scan3A_188 : i32 to index
        %swap3A_234 = arith.constant 16 : index
        %swap3A_235 = tpu.vector_load %arg15[%swap3A_233, %swap3A_234] {strides = array<i32>} : memref<40x128xf32, #tpu.memory_space<vmem>>, vector<1x16xf32>,
        %swap3A_236 = vector.shape_cast %swap3A_235 : vector<1x16xf32> to vector<16xf32>
        %swap3A_237 = vector.shape_cast %mul3A_232 : vector<16xf32> to vector<1x16xf32>
        tpu.vector_store %arg15[%swap3A_233, %swap3A_234], %swap3A_237 {strides = array<i32>} : memref<40x128xf32, #tpu.memory_space<vmem>>, vector<1x16xf32>,
        %swap3A_238 = arith.index_cast %scan3A_188 : i32 to index
        %swap3A_239 = arith.constant 80 : index
        %swap3A_240 = tpu.vector_load %arg15[%swap3A_238, %swap3A_239] {strides = array<i32>} : memref<40x128xf32, #tpu.memory_space<vmem>>, vector<1x16xf32>,
        %swap3A_241 = vector.shape_cast %swap3A_240 : vector<1x16xf32> to vector<16xf32>
        %swap3A_242 = vector.shape_cast %exp3A_227 : vector<16xf32> to vector<1x16xf32>
        tpu.vector_store %arg15[%swap3A_238, %swap3A_239], %swap3A_242 {strides = array<i32>} : memref<40x128xf32, #tpu.memory_space<vmem>>, vector<1x16xf32>,
        %get3A_243 = arith.index_cast %scan3A_188 : i32 to index
        %get3A_244 = arith.constant 96 : index
        %get3A_245 = tpu.vector_load %arg13[%get3A_243, %get3A_244] {strides = array<i32>} : memref<40x128xf32, #tpu.memory_space<vmem>>, vector<1x16xf32>,
        %get3A_246 = vector.shape_cast %get3A_245 : vector<1x16xf32> to vector<16xf32>
        %get3A_247 = arith.index_cast %scan3A_188 : i32 to index
        %get3A_248 = arith.constant 32 : index
        %get3A_249 = tpu.vector_load %arg14[%get3A_247, %get3A_248] {strides = array<i32>} : memref<40x128xf32, #tpu.memory_space<vmem>>, vector<1x16xf32>,
        %get3A_250 = vector.shape_cast %get3A_249 : vector<1x16xf32> to vector<16xf32>
        %add3A_251 = arith.addf %get3A_246, %get3A_250 : vector<16xf32>
        %mul3A_252 = arith.constant 2.000000e-01 : f32
        %mul3A_253 = vector.broadcast %mul3A_252 : f32 to vector<16xf32>
        %mul3A_254 = arith.mulf %mul3A_253, %add3A_251 : vector<16xf32>
        %max3A_255 = arith.maximumf %add3A_251, %mul3A_254 : vector<16xf32>
        %exp3A_256 = math.exp %max3A_255 : vector<16xf32>
        %get3A_257 = arith.index_cast %scan3A_188 : i32 to index
        %get3A_258 = arith.constant 32 : index
        %get3A_259 = tpu.vector_load %arg13[%get3A_257, %get3A_258] {strides = array<i32>} : memref<40x128xf32, #tpu.memory_space<vmem>>, vector<1x16xf32>,
        %get3A_260 = vector.shape_cast %get3A_259 : vector<1x16xf32> to vector<16xf32>
        %mul3A_261 = arith.mulf %get3A_260, %exp3A_256 : vector<16xf32>
        %swap3A_262 = arith.index_cast %scan3A_188 : i32 to index
        %swap3A_263 = arith.constant 32 : index
        %swap3A_264 = tpu.vector_load %arg15[%swap3A_262, %swap3A_263] {strides = array<i32>} : memref<40x128xf32, #tpu.memory_space<vmem>>, vector<1x16xf32>,
        %swap3A_265 = vector.shape_cast %swap3A_264 : vector<1x16xf32> to vector<16xf32>
        %swap3A_266 = vector.shape_cast %mul3A_261 : vector<16xf32> to vector<1x16xf32>
        tpu.vector_store %arg15[%swap3A_262, %swap3A_263], %swap3A_266 {strides = array<i32>} : memref<40x128xf32, #tpu.memory_space<vmem>>, vector<1x16xf32>,
        %swap3A_267 = arith.index_cast %scan3A_188 : i32 to index
        %swap3A_268 = arith.constant 96 : index
        %swap3A_269 = tpu.vector_load %arg15[%swap3A_267, %swap3A_268] {strides = array<i32>} : memref<40x128xf32, #tpu.memory_space<vmem>>, vector<1x16xf32>,
        %swap3A_270 = vector.shape_cast %swap3A_269 : vector<1x16xf32> to vector<16xf32>
        %swap3A_271 = vector.shape_cast %exp3A_256 : vector<16xf32> to vector<1x16xf32>
        tpu.vector_store %arg15[%swap3A_267, %swap3A_268], %swap3A_271 {strides = array<i32>} : memref<40x128xf32, #tpu.memory_space<vmem>>, vector<1x16xf32>,
        %get3A_272 = arith.index_cast %scan3A_188 : i32 to index
        %get3A_273 = arith.constant 112 : index
        %get3A_274 = tpu.vector_load %arg13[%get3A_272, %get3A_273] {strides = array<i32>} : memref<40x128xf32, #tpu.memory_space<vmem>>, vector<1x16xf32>,
        %get3A_275 = vector.shape_cast %get3A_274 : vector<1x16xf32> to vector<16xf32>
        %get3A_276 = arith.index_cast %scan3A_188 : i32 to index
        %get3A_277 = arith.constant 48 : index
        %get3A_278 = tpu.vector_load %arg14[%get3A_276, %get3A_277] {strides = array<i32>} : memref<40x128xf32, #tpu.memory_space<vmem>>, vector<1x16xf32>,
        %get3A_279 = vector.shape_cast %get3A_278 : vector<1x16xf32> to vector<16xf32>
        %add3A_280 = arith.addf %get3A_275, %get3A_279 : vector<16xf32>
        %mul3A_281 = arith.constant 2.000000e-01 : f32
        %mul3A_282 = vector.broadcast %mul3A_281 : f32 to vector<16xf32>
        %mul3A_283 = arith.mulf %mul3A_282, %add3A_280 : vector<16xf32>
        %max3A_284 = arith.maximumf %add3A_280, %mul3A_283 : vector<16xf32>
        %exp3A_285 = math.exp %max3A_284 : vector<16xf32>
        %get3A_286 = arith.index_cast %scan3A_188 : i32 to index
        %get3A_287 = arith.constant 48 : index
        %get3A_288 = tpu.vector_load %arg13[%get3A_286, %get3A_287] {strides = array<i32>} : memref<40x128xf32, #tpu.memory_space<vmem>>, vector<1x16xf32>,
        %get3A_289 = vector.shape_cast %get3A_288 : vector<1x16xf32> to vector<16xf32>
        %mul3A_290 = arith.mulf %get3A_289, %exp3A_285 : vector<16xf32>
        %swap3A_291 = arith.index_cast %scan3A_188 : i32 to index
        %swap3A_292 = arith.constant 48 : index
        %swap3A_293 = tpu.vector_load %arg15[%swap3A_291, %swap3A_292] {strides = array<i32>} : memref<40x128xf32, #tpu.memory_space<vmem>>, vector<1x16xf32>,
        %swap3A_294 = vector.shape_cast %swap3A_293 : vector<1x16xf32> to vector<16xf32>
        %swap3A_295 = vector.shape_cast %mul3A_290 : vector<16xf32> to vector<1x16xf32>
        tpu.vector_store %arg15[%swap3A_291, %swap3A_292], %swap3A_295 {strides = array<i32>} : memref<40x128xf32, #tpu.memory_space<vmem>>, vector<1x16xf32>,
        %swap3A_296 = arith.index_cast %scan3A_188 : i32 to index
        %swap3A_297 = arith.constant 112 : index
        %swap3A_298 = tpu.vector_load %arg15[%swap3A_296, %swap3A_297] {strides = array<i32>} : memref<40x128xf32, #tpu.memory_space<vmem>>, vector<1x16xf32>,
        %swap3A_299 = vector.shape_cast %swap3A_298 : vector<1x16xf32> to vector<16xf32>
        %swap3A_300 = vector.shape_cast %exp3A_285 : vector<16xf32> to vector<1x16xf32>
        tpu.vector_store %arg15[%swap3A_296, %swap3A_297], %swap3A_300 {strides = array<i32>} : memref<40x128xf32, #tpu.memory_space<vmem>>, vector<1x16xf32>,
      }
      %scan3A_180 = arith.constant 40 : i32
      %dma_start3A_181 = arith.constant 49 : i32
      %dma_start3A_182 = arith.constant 0 : i32
      %dma_start3A_183 = tpu.memref_slice %arg9[%dma_start3A_181, %dma_start3A_182] : memref<50x40xi32, #tpu.memory_space<vmem>> -> memref<1x40xi32, #tpu.memory_space<vmem>>
      %dma_start3A_184 = tpu.memref_squeeze %dma_start3A_183 : memref<1x40xi32, #tpu.memory_space<vmem>> -> memref<40xi32, #tpu.memory_space<vmem>>
      %dma_start3A_185 = arith.constant 0 : i32
      %dma_start3A_186 = arith.constant 0 : i32
      %dma_start3A_187 = tpu.memref_slice %arg16[%dma_start3A_185, %dma_start3A_186] : memref<10240x128xf32, #tpu.memory_space<vmem_shared>> -> memref<10240x128xf32, #tpu.memory_space<vmem_shared>>
      tpu.enqueue_indirect_dma source(%arg15 : memref<40x128xf32, #tpu.memory_space<vmem>>) target(%dma_start3A_187 : memref<10240x128xf32, #tpu.memory_space<vmem_shared>>) offsets(%dma_start3A_184 : memref<40xi32, #tpu.memory_space<vmem>>) semaphore(%arg22 : memref<!tpu.dma_semaphore, #tpu.memory_space<semaphore_mem>>) {add = true}
    }
    %scan3A_26 = arith.constant 5 : i32
    %dma_wait3A = arith.constant 0 : i32
    %dma_wait3A_27 = arith.constant 0 : i32
    %dma_wait3A_28 = arith.constant 0 : i32
    %dma_wait3A_29 = tpu.memref_slice %arg6[%dma_wait3A, %dma_wait3A_27, %dma_wait3A_28] : memref<2x10240x128xf32, #tpu.memory_space<hbm>> -> memref<1x40x128xf32, #tpu.memory_space<hbm>>
    %dma_wait3A_30 = tpu.memref_squeeze %dma_wait3A_29 : memref<1x40x128xf32, #tpu.memory_space<hbm>> -> memref<40x128xf32, #tpu.memory_space<hbm>>
    %dma_wait3A_31 = arith.constant 0 : i32
    %dma_wait3A_32 = arith.constant 0 : i32
    %dma_wait3A_33 = tpu.memref_slice %arg6[%dma_wait3A, %dma_wait3A_31, %dma_wait3A_32] : memref<2x10240x128xf32, #tpu.memory_space<hbm>> -> memref<1x40x128xf32, #tpu.memory_space<hbm>>
    %dma_wait3A_34 = tpu.memref_squeeze %dma_wait3A_33 : memref<1x40x128xf32, #tpu.memory_space<hbm>> -> memref<40x128xf32, #tpu.memory_space<hbm>>
    tpu.wait_dma2 semaphore(%arg19 : memref<!tpu.dma_semaphore, #tpu.memory_space<semaphore_mem>>) src(%dma_wait3A_34 : memref<40x128xf32, #tpu.memory_space<hbm>>) dst(%arg12 : memref<40x128xf32, #tpu.memory_space<vmem>>)
    %dma_wait3A_35 = arith.constant 0 : i32
    %dma_wait3A_36 = arith.constant 0 : i32
    %dma_wait3A_37 = arith.constant 0 : i32
    %dma_wait3A_38 = tpu.memref_slice %arg6[%dma_wait3A_35, %dma_wait3A_36, %dma_wait3A_37] : memref<2x10240x128xf32, #tpu.memory_space<hbm>> -> memref<1x40x128xf32, #tpu.memory_space<hbm>>
    %dma_wait3A_39 = tpu.memref_squeeze %dma_wait3A_38 : memref<1x40x128xf32, #tpu.memory_space<hbm>> -> memref<40x128xf32, #tpu.memory_space<hbm>>
    %dma_wait3A_40 = arith.constant 0 : i32
    %dma_wait3A_41 = arith.constant 0 : i32
    %dma_wait3A_42 = tpu.memref_slice %arg6[%dma_wait3A_35, %dma_wait3A_40, %dma_wait3A_41] : memref<2x10240x128xf32, #tpu.memory_space<hbm>> -> memref<1x40x128xf32, #tpu.memory_space<hbm>>
    %dma_wait3A_43 = tpu.memref_squeeze %dma_wait3A_42 : memref<1x40x128xf32, #tpu.memory_space<hbm>> -> memref<40x128xf32, #tpu.memory_space<hbm>>
    tpu.wait_dma2 semaphore(%arg22 : memref<!tpu.dma_semaphore, #tpu.memory_space<semaphore_mem>>) src(%dma_wait3A_43 : memref<40x128xf32, #tpu.memory_space<hbm>>) dst(%arg15 : memref<40x128xf32, #tpu.memory_space<vmem>>)
    %barrier3A_44 = arith.constant 0 : index
    tpu.barrier barrier_id(%barrier3A_44)
    %mul3A_45 = arith.constant 640 : i32
    %mul3A_46 = arith.muli %arg1, %mul3A_45 : i32
    %mul3A_47 = arith.constant 640 : i32
    %mul3A_48 = arith.muli %arg1, %mul3A_47 : i32
    "tpu.region"() ({
      %run_scoped3A = tpu.sem_alloc : memref<!tpu.dma_semaphore, #tpu.memory_space<semaphore_mem>>
      %dma_start3A_49 = arith.constant 0 : i32
      %dma_start3A_50 = tpu.memref_slice %arg7[%arg0, %mul3A_48, %dma_start3A_49] : memref<2x10240x128xf32, #tpu.memory_space<hbm>> -> memref<1x640x128xf32, #tpu.memory_space<hbm>>
      %dma_start3A_51 = tpu.memref_squeeze %dma_start3A_50 : memref<1x640x128xf32, #tpu.memory_space<hbm>> -> memref<640x128xf32, #tpu.memory_space<hbm>>
      %dma_start3A_52 = arith.constant 0 : i32
      %dma_start3A_53 = tpu.memref_slice %arg16[%mul3A_46, %dma_start3A_52] : memref<10240x128xf32, #tpu.memory_space<vmem_shared>> -> memref<640x128xf32, #tpu.memory_space<vmem_shared>>
      tpu.enqueue_dma source(%dma_start3A_53 : memref<640x128xf32, #tpu.memory_space<vmem_shared>>) target(%dma_start3A_51 : memref<640x128xf32, #tpu.memory_space<hbm>>) target_semaphore(%run_scoped3A : memref<!tpu.dma_semaphore, #tpu.memory_space<semaphore_mem>>)
      %dma_wait3A_54 = arith.constant 0 : i32
      %dma_wait3A_55 = tpu.memref_slice %arg7[%arg0, %mul3A_48, %dma_wait3A_54] : memref<2x10240x128xf32, #tpu.memory_space<hbm>> -> memref<1x640x128xf32, #tpu.memory_space<hbm>>
      %dma_wait3A_56 = tpu.memref_squeeze %dma_wait3A_55 : memref<1x640x128xf32, #tpu.memory_space<hbm>> -> memref<640x128xf32, #tpu.memory_space<hbm>>
      %dma_wait3A_57 = arith.constant 0 : i32
      %dma_wait3A_58 = tpu.memref_slice %arg16[%mul3A_46, %dma_wait3A_57] : memref<10240x128xf32, #tpu.memory_space<vmem_shared>> -> memref<640x128xf32, #tpu.memory_space<vmem_shared>>
      tpu.wait_dma2 semaphore(%run_scoped3A : memref<!tpu.dma_semaphore, #tpu.memory_space<semaphore_mem>>) src(%dma_wait3A_58 : memref<640x128xf32, #tpu.memory_space<vmem_shared>>) dst(%dma_wait3A_56 : memref<640x128xf32, #tpu.memory_space<hbm>>)
      tpu.yield
    }) : () -> ()
    return
  }
}

#map = affine_map<(d0, d1) -> (0, 0, 0, 0)>
#map1 = affine_map<(d0, d1) -> (0, 0)>
#map2 = affine_map<(d0, d1) -> (0, 0, 0)>
module attributes {stable_mosaic.version = 14 : i64} {
  func.func @_sc_body(%arg0: i32, %arg1: i32, %arg2: memref<32x5x50x40xi32, #tpu.memory_space<hbm>>, %arg3: memref<32x5x50x40xi32, #tpu.memory_space<hbm>>, %arg4: memref<10000x128xf32, #tpu.memory_space<hbm>>, %arg5: memref<10000x128xf32, #tpu.memory_space<hbm>>, %arg6: memref<2x10240x128xf32, #tpu.memory_space<hbm>>, %arg7: memref<2x10240x128xf32, #tpu.memory_space<hbm>>, %arg8: memref<50x40xi32, #tpu.memory_space<vmem>>, %arg9: memref<50x40xi32, #tpu.memory_space<vmem>>, %arg10: memref<40x128xf32, #tpu.memory_space<vmem>>, %arg11: memref<40x128xf32, #tpu.memory_space<vmem>>, %arg12: memref<40x128xf32, #tpu.memory_space<vmem>>, %arg13: memref<40x128xf32, #tpu.memory_space<vmem>>, %arg14: memref<40x128xf32, #tpu.memory_space<vmem>>, %arg15: memref<40x128xf32, #tpu.memory_space<vmem>>, %arg16: memref<10240x128xf32, #tpu.memory_space<vmem_shared>>, %arg17: memref<!tpu.dma_semaphore, #tpu.memory_space<semaphore_mem>>, %arg18: memref<!tpu.dma_semaphore, #tpu.memory_space<semaphore_mem>>, %arg19: memref<!tpu.dma_semaphore, #tpu.memory_space<semaphore_mem>>, %arg20: memref<!tpu.dma_semaphore, #tpu.memory_space<semaphore_mem>>, %arg21: memref<!tpu.dma_semaphore, #tpu.memory_space<semaphore_mem>>, %arg22: memref<!tpu.dma_semaphore, #tpu.memory_space<semaphore_mem>>) attributes {dimension_semantics = [#tpu.dimension_semantics<core_parallel>, #tpu.dimension_semantics<subcore_parallel>], iteration_bounds = array<i64: 2, 16>, scalar_prefetch = 0 : i64, scratch_operands = 15 : i64, tpu.core_type = #tpu.core_type<sc_vector_subcore>, window_params = [{transform_indices = #map}, {transform_indices = #map}, {transform_indices = #map1}, {transform_indices = #map1}, {transform_indices = #map2}, {transform_indices = #map2}]} {
    %mul3A = arith.constant 2 : i32
    %mul3A_0 = arith.muli %arg1, %mul3A : i32
    %add3A = arith.addi %mul3A_0, %arg0 : i32
    %mul3A_1 = arith.constant 640 : i32
    %mul3A_2 = arith.muli %arg1, %mul3A_1 : i32
    %mul3A_3 = arith.constant 640 : i32
    %mul3A_4 = arith.muli %arg1, %mul3A_3 : i32
    "tpu.region"() ({
      %run_scoped3A = tpu.sem_alloc : memref<!tpu.dma_semaphore, #tpu.memory_space<semaphore_mem>>
      %dma_start3A_49 = arith.constant 0 : i32
      %dma_start3A_50 = tpu.memref_slice %arg16[%mul3A_4, %dma_start3A_49] : memref<10240x128xf32, #tpu.memory_space<vmem_shared>> -> memref<640x128xf32, #tpu.memory_space<vmem_shared>>
      %dma_start3A_51 = arith.constant 0 : i32
      %dma_start3A_52 = tpu.memref_slice %arg6[%arg0, %mul3A_2, %dma_start3A_51] : memref<2x10240x128xf32, #tpu.memory_space<hbm>> -> memref<1x640x128xf32, #tpu.memory_space<hbm>>
      %dma_start3A_53 = tpu.memref_squeeze %dma_start3A_52 : memref<1x640x128xf32, #tpu.memory_space<hbm>> -> memref<640x128xf32, #tpu.memory_space<hbm>>
      tpu.enqueue_dma source(%dma_start3A_53 : memref<640x128xf32, #tpu.memory_space<hbm>>) target(%dma_start3A_50 : memref<640x128xf32, #tpu.memory_space<vmem_shared>>) target_semaphore(%run_scoped3A : memref<!tpu.dma_semaphore, #tpu.memory_space<semaphore_mem>>)
      %dma_wait3A_54 = arith.constant 0 : i32
      %dma_wait3A_55 = tpu.memref_slice %arg16[%mul3A_4, %dma_wait3A_54] : memref<10240x128xf32, #tpu.memory_space<vmem_shared>> -> memref<640x128xf32, #tpu.memory_space<vmem_shared>>
      %dma_wait3A_56 = arith.constant 0 : i32
      %dma_wait3A_57 = tpu.memref_slice %arg6[%arg0, %mul3A_2, %dma_wait3A_56] : memref<2x10240x128xf32, #tpu.memory_space<hbm>> -> memref<1x640x128xf32, #tpu.memory_space<hbm>>
      %dma_wait3A_58 = tpu.memref_squeeze %dma_wait3A_57 : memref<1x640x128xf32, #tpu.memory_space<hbm>> -> memref<640x128xf32, #tpu.memory_space<hbm>>
      tpu.wait_dma2 semaphore(%run_scoped3A : memref<!tpu.dma_semaphore, #tpu.memory_space<semaphore_mem>>) src(%dma_wait3A_58 : memref<640x128xf32, #tpu.memory_space<hbm>>) dst(%dma_wait3A_55 : memref<640x128xf32, #tpu.memory_space<vmem_shared>>)
      tpu.yield
    }) : () -> ()
    %barrier3A = arith.constant 0 : index
    tpu.barrier barrier_id(%barrier3A)
    %dma_start3A = arith.constant 0 : i32
    %dma_start3A_5 = arith.constant 0 : i32
    %dma_start3A_6 = arith.constant 0 : i32
    %dma_start3A_7 = tpu.memref_slice %arg6[%dma_start3A, %dma_start3A_5, %dma_start3A_6] : memref<2x10240x128xf32, #tpu.memory_space<hbm>> -> memref<1x40x128xf32, #tpu.memory_space<hbm>>
    %dma_start3A_8 = tpu.memref_squeeze %dma_start3A_7 : memref<1x40x128xf32, #tpu.memory_space<hbm>> -> memref<40x128xf32, #tpu.memory_space<hbm>>
    %dma_start3A_9 = arith.constant 0 : i32
    %dma_start3A_10 = arith.constant 0 : i32
    %dma_start3A_11 = tpu.memref_slice %arg6[%dma_start3A, %dma_start3A_9, %dma_start3A_10] : memref<2x10240x128xf32, #tpu.memory_space<hbm>> -> memref<1x40x128xf32, #tpu.memory_space<hbm>>
    %dma_start3A_12 = tpu.memref_squeeze %dma_start3A_11 : memref<1x40x128xf32, #tpu.memory_space<hbm>> -> memref<40x128xf32, #tpu.memory_space<hbm>>
    tpu.enqueue_dma source(%dma_start3A_12 : memref<40x128xf32, #tpu.memory_space<hbm>>) target(%arg12 : memref<40x128xf32, #tpu.memory_space<vmem>>) target_semaphore(%arg19 : memref<!tpu.dma_semaphore, #tpu.memory_space<semaphore_mem>>)
    %dma_start3A_13 = arith.constant 0 : i32
    %dma_start3A_14 = arith.constant 0 : i32
    %dma_start3A_15 = arith.constant 0 : i32
    %dma_start3A_16 = tpu.memref_slice %arg6[%dma_start3A_13, %dma_start3A_14, %dma_start3A_15] : memref<2x10240x128xf32, #tpu.memory_space<hbm>> -> memref<1x40x128xf32, #tpu.memory_space<hbm>>
    %dma_start3A_17 = tpu.memref_squeeze %dma_start3A_16 : memref<1x40x128xf32, #tpu.memory_space<hbm>> -> memref<40x128xf32, #tpu.memory_space<hbm>>
    %dma_start3A_18 = arith.constant 0 : i32
    %dma_start3A_19 = arith.constant 0 : i32
    %dma_start3A_20 = tpu.memref_slice %arg6[%dma_start3A_13, %dma_start3A_18, %dma_start3A_19] : memref<2x10240x128xf32, #tpu.memory_space<hbm>> -> memref<1x40x128xf32, #tpu.memory_space<hbm>>
    %dma_start3A_21 = tpu.memref_squeeze %dma_start3A_20 : memref<1x40x128xf32, #tpu.memory_space<hbm>> -> memref<40x128xf32, #tpu.memory_space<hbm>>
    tpu.enqueue_dma source(%dma_start3A_21 : memref<40x128xf32, #tpu.memory_space<hbm>>) target(%arg15 : memref<40x128xf32, #tpu.memory_space<vmem>>) target_semaphore(%arg22 : memref<!tpu.dma_semaphore, #tpu.memory_space<semaphore_mem>>)
    %scan3A = arith.constant 0 : i32
    %scan3A_22 = arith.constant 0 : i32
    %scan3A_23 = arith.constant 5 : i32
    %scan3A_24 = arith.addi %scan3A_22, %scan3A_23 : i32
    %scan3A_25 = arith.constant 1 : i32
    scf.for %scan3A_49 = %scan3A_22 to %scan3A_24 step %scan3A_25  : i32 {
      %dma_wait3A_50 = arith.constant 0 : i32
      %dma_wait3A_51 = arith.constant 0 : i32
      %dma_wait3A_52 = arith.constant 0 : i32
      %dma_wait3A_53 = tpu.memref_slice %arg6[%dma_wait3A_50, %dma_wait3A_51, %dma_wait3A_52] : memref<2x10240x128xf32, #tpu.memory_space<hbm>> -> memref<1x40x128xf32, #tpu.memory_space<hbm>>
      %dma_wait3A_54 = tpu.memref_squeeze %dma_wait3A_53 : memref<1x40x128xf32, #tpu.memory_space<hbm>> -> memref<40x128xf32, #tpu.memory_space<hbm>>
      %dma_wait3A_55 = arith.constant 0 : i32
      %dma_wait3A_56 = arith.constant 0 : i32
      %dma_wait3A_57 = tpu.memref_slice %arg6[%dma_wait3A_50, %dma_wait3A_55, %dma_wait3A_56] : memref<2x10240x128xf32, #tpu.memory_space<hbm>> -> memref<1x40x128xf32, #tpu.memory_space<hbm>>
      %dma_wait3A_58 = tpu.memref_squeeze %dma_wait3A_57 : memref<1x40x128xf32, #tpu.memory_space<hbm>> -> memref<40x128xf32, #tpu.memory_space<hbm>>
      tpu.wait_dma2 semaphore(%arg19 : memref<!tpu.dma_semaphore, #tpu.memory_space<semaphore_mem>>) src(%dma_wait3A_58 : memref<40x128xf32, #tpu.memory_space<hbm>>) dst(%arg12 : memref<40x128xf32, #tpu.memory_space<vmem>>)
      %dma_wait3A_59 = arith.constant 0 : i32
      %dma_wait3A_60 = arith.constant 0 : i32
      %dma_wait3A_61 = arith.constant 0 : i32
      %dma_wait3A_62 = tpu.memref_slice %arg6[%dma_wait3A_59, %dma_wait3A_60, %dma_wait3A_61] : memref<2x10240x128xf32, #tpu.memory_space<hbm>> -> memref<1x40x128xf32, #tpu.memory_space<hbm>>
      %dma_wait3A_63 = tpu.memref_squeeze %dma_wait3A_62 : memref<1x40x128xf32, #tpu.memory_space<hbm>> -> memref<40x128xf32, #tpu.memory_space<hbm>>
      %dma_wait3A_64 = arith.constant 0 : i32
      %dma_wait3A_65 = arith.constant 0 : i32
      %dma_wait3A_66 = tpu.memref_slice %arg6[%dma_wait3A_59, %dma_wait3A_64, %dma_wait3A_65] : memref<2x10240x128xf32, #tpu.memory_space<hbm>> -> memref<1x40x128xf32, #tpu.memory_space<hbm>>
      %dma_wait3A_67 = tpu.memref_squeeze %dma_wait3A_66 : memref<1x40x128xf32, #tpu.memory_space<hbm>> -> memref<40x128xf32, #tpu.memory_space<hbm>>
      tpu.wait_dma2 semaphore(%arg22 : memref<!tpu.dma_semaphore, #tpu.memory_space<semaphore_mem>>) src(%dma_wait3A_67 : memref<40x128xf32, #tpu.memory_space<hbm>>) dst(%arg15 : memref<40x128xf32, #tpu.memory_space<vmem>>)
      "tpu.region"() ({
        %run_scoped3A = tpu.sem_alloc : memref<!tpu.dma_semaphore, #tpu.memory_space<semaphore_mem>>
        %dma_start3A_188 = arith.constant 0 : i32
        %dma_start3A_189 = arith.constant 0 : i32
        %dma_start3A_190 = tpu.memref_slice %arg2[%add3A, %scan3A_49, %dma_start3A_188, %dma_start3A_189] : memref<32x5x50x40xi32, #tpu.memory_space<hbm>> -> memref<1x1x50x40xi32, #tpu.memory_space<hbm>>
        %dma_start3A_191 = tpu.memref_squeeze %dma_start3A_190 : memref<1x1x50x40xi32, #tpu.memory_space<hbm>> -> memref<50x40xi32, #tpu.memory_space<hbm>>
        %dma_start3A_192 = arith.constant 0 : i32
        %dma_start3A_193 = arith.constant 0 : i32
        %dma_start3A_194 = tpu.memref_slice %arg2[%add3A, %scan3A_49, %dma_start3A_192, %dma_start3A_193] : memref<32x5x50x40xi32, #tpu.memory_space<hbm>> -> memref<1x1x50x40xi32, #tpu.memory_space<hbm>>
        %dma_start3A_195 = tpu.memref_squeeze %dma_start3A_194 : memref<1x1x50x40xi32, #tpu.memory_space<hbm>> -> memref<50x40xi32, #tpu.memory_space<hbm>>
        tpu.enqueue_dma source(%dma_start3A_195 : memref<50x40xi32, #tpu.memory_space<hbm>>) target(%arg8 : memref<50x40xi32, #tpu.memory_space<vmem>>) target_semaphore(%run_scoped3A : memref<!tpu.dma_semaphore, #tpu.memory_space<semaphore_mem>>)
        %dma_wait3A_196 = arith.constant 0 : i32
        %dma_wait3A_197 = arith.constant 0 : i32
        %dma_wait3A_198 = tpu.memref_slice %arg2[%add3A, %scan3A_49, %dma_wait3A_196, %dma_wait3A_197] : memref<32x5x50x40xi32, #tpu.memory_space<hbm>> -> memref<1x1x50x40xi32, #tpu.memory_space<hbm>>
        %dma_wait3A_199 = tpu.memref_squeeze %dma_wait3A_198 : memref<1x1x50x40xi32, #tpu.memory_space<hbm>> -> memref<50x40xi32, #tpu.memory_space<hbm>>
        %dma_wait3A_200 = arith.constant 0 : i32
        %dma_wait3A_201 = arith.constant 0 : i32
        %dma_wait3A_202 = tpu.memref_slice %arg2[%add3A, %scan3A_49, %dma_wait3A_200, %dma_wait3A_201] : memref<32x5x50x40xi32, #tpu.memory_space<hbm>> -> memref<1x1x50x40xi32, #tpu.memory_space<hbm>>
        %dma_wait3A_203 = tpu.memref_squeeze %dma_wait3A_202 : memref<1x1x50x40xi32, #tpu.memory_space<hbm>> -> memref<50x40xi32, #tpu.memory_space<hbm>>
        tpu.wait_dma2 semaphore(%run_scoped3A : memref<!tpu.dma_semaphore, #tpu.memory_space<semaphore_mem>>) src(%dma_wait3A_203 : memref<50x40xi32, #tpu.memory_space<hbm>>) dst(%arg8 : memref<50x40xi32, #tpu.memory_space<vmem>>)
        tpu.yield
      }) : () -> ()
      "tpu.region"() ({
        %run_scoped3A = tpu.sem_alloc : memref<!tpu.dma_semaphore, #tpu.memory_space<semaphore_mem>>
        %dma_start3A_188 = arith.constant 0 : i32
        %dma_start3A_189 = arith.constant 0 : i32
        %dma_start3A_190 = tpu.memref_slice %arg3[%add3A, %scan3A_49, %dma_start3A_188, %dma_start3A_189] : memref<32x5x50x40xi32, #tpu.memory_space<hbm>> -> memref<1x1x50x40xi32, #tpu.memory_space<hbm>>
        %dma_start3A_191 = tpu.memref_squeeze %dma_start3A_190 : memref<1x1x50x40xi32, #tpu.memory_space<hbm>> -> memref<50x40xi32, #tpu.memory_space<hbm>>
        %dma_start3A_192 = arith.constant 0 : i32
        %dma_start3A_193 = arith.constant 0 : i32
        %dma_start3A_194 = tpu.memref_slice %arg3[%add3A, %scan3A_49, %dma_start3A_192, %dma_start3A_193] : memref<32x5x50x40xi32, #tpu.memory_space<hbm>> -> memref<1x1x50x40xi32, #tpu.memory_space<hbm>>
        %dma_start3A_195 = tpu.memref_squeeze %dma_start3A_194 : memref<1x1x50x40xi32, #tpu.memory_space<hbm>> -> memref<50x40xi32, #tpu.memory_space<hbm>>
        tpu.enqueue_dma source(%dma_start3A_195 : memref<50x40xi32, #tpu.memory_space<hbm>>) target(%arg9 : memref<50x40xi32, #tpu.memory_space<vmem>>) target_semaphore(%run_scoped3A : memref<!tpu.dma_semaphore, #tpu.memory_space<semaphore_mem>>)
        %dma_wait3A_196 = arith.constant 0 : i32
        %dma_wait3A_197 = arith.constant 0 : i32
        %dma_wait3A_198 = tpu.memref_slice %arg3[%add3A, %scan3A_49, %dma_wait3A_196, %dma_wait3A_197] : memref<32x5x50x40xi32, #tpu.memory_space<hbm>> -> memref<1x1x50x40xi32, #tpu.memory_space<hbm>>
        %dma_wait3A_199 = tpu.memref_squeeze %dma_wait3A_198 : memref<1x1x50x40xi32, #tpu.memory_space<hbm>> -> memref<50x40xi32, #tpu.memory_space<hbm>>
        %dma_wait3A_200 = arith.constant 0 : i32
        %dma_wait3A_201 = arith.constant 0 : i32
        %dma_wait3A_202 = tpu.memref_slice %arg3[%add3A, %scan3A_49, %dma_wait3A_200, %dma_wait3A_201] : memref<32x5x50x40xi32, #tpu.memory_space<hbm>> -> memref<1x1x50x40xi32, #tpu.memory_space<hbm>>
        %dma_wait3A_203 = tpu.memref_squeeze %dma_wait3A_202 : memref<1x1x50x40xi32, #tpu.memory_space<hbm>> -> memref<50x40xi32, #tpu.memory_space<hbm>>
        tpu.wait_dma2 semaphore(%run_scoped3A : memref<!tpu.dma_semaphore, #tpu.memory_space<semaphore_mem>>) src(%dma_wait3A_203 : memref<50x40xi32, #tpu.memory_space<hbm>>) dst(%arg9 : memref<50x40xi32, #tpu.memory_space<vmem>>)
        tpu.yield
      }) : () -> ()
      %dma_start3A_68 = arith.constant 0 : i32
      %dma_start3A_69 = arith.constant 0 : i32
      %dma_start3A_70 = arith.constant 0 : i32
      %dma_start3A_71 = tpu.memref_slice %arg6[%dma_start3A_68, %dma_start3A_69, %dma_start3A_70] : memref<2x10240x128xf32, #tpu.memory_space<hbm>> -> memref<1x40x128xf32, #tpu.memory_space<hbm>>
      %dma_start3A_72 = tpu.memref_squeeze %dma_start3A_71 : memref<1x40x128xf32, #tpu.memory_space<hbm>> -> memref<40x128xf32, #tpu.memory_space<hbm>>
      %dma_start3A_73 = arith.constant 0 : i32
      %dma_start3A_74 = arith.constant 0 : i32
      %dma_start3A_75 = tpu.memref_slice %arg6[%dma_start3A_68, %dma_start3A_73, %dma_start3A_74] : memref<2x10240x128xf32, #tpu.memory_space<hbm>> -> memref<1x40x128xf32, #tpu.memory_space<hbm>>
      %dma_start3A_76 = tpu.memref_squeeze %dma_start3A_75 : memref<1x40x128xf32, #tpu.memory_space<hbm>> -> memref<40x128xf32, #tpu.memory_space<hbm>>
      tpu.enqueue_dma source(%dma_start3A_76 : memref<40x128xf32, #tpu.memory_space<hbm>>) target(%arg12 : memref<40x128xf32, #tpu.memory_space<vmem>>) target_semaphore(%arg19 : memref<!tpu.dma_semaphore, #tpu.memory_space<semaphore_mem>>)
      %dma_start3A_77 = arith.constant 0 : i32
      %dma_start3A_78 = arith.constant 0 : i32
      %dma_start3A_79 = arith.constant 0 : i32
      %dma_start3A_80 = tpu.memref_slice %arg6[%dma_start3A_77, %dma_start3A_78, %dma_start3A_79] : memref<2x10240x128xf32, #tpu.memory_space<hbm>> -> memref<1x40x128xf32, #tpu.memory_space<hbm>>
      %dma_start3A_81 = tpu.memref_squeeze %dma_start3A_80 : memref<1x40x128xf32, #tpu.memory_space<hbm>> -> memref<40x128xf32, #tpu.memory_space<hbm>>
      %dma_start3A_82 = arith.constant 0 : i32
      %dma_start3A_83 = arith.constant 0 : i32
      %dma_start3A_84 = tpu.memref_slice %arg6[%dma_start3A_77, %dma_start3A_82, %dma_start3A_83] : memref<2x10240x128xf32, #tpu.memory_space<hbm>> -> memref<1x40x128xf32, #tpu.memory_space<hbm>>
      %dma_start3A_85 = tpu.memref_squeeze %dma_start3A_84 : memref<1x40x128xf32, #tpu.memory_space<hbm>> -> memref<40x128xf32, #tpu.memory_space<hbm>>
      tpu.enqueue_dma source(%dma_start3A_85 : memref<40x128xf32, #tpu.memory_space<hbm>>) target(%arg15 : memref<40x128xf32, #tpu.memory_space<vmem>>) target_semaphore(%arg22 : memref<!tpu.dma_semaphore, #tpu.memory_space<semaphore_mem>>)
      %dma_start3A_86 = arith.constant 0 : i32
      %dma_start3A_87 = arith.constant 0 : i32
      %dma_start3A_88 = tpu.memref_slice %arg8[%dma_start3A_86, %dma_start3A_87] : memref<50x40xi32, #tpu.memory_space<vmem>> -> memref<1x40xi32, #tpu.memory_space<vmem>>
      %dma_start3A_89 = tpu.memref_squeeze %dma_start3A_88 : memref<1x40xi32, #tpu.memory_space<vmem>> -> memref<40xi32, #tpu.memory_space<vmem>>
      %dma_start3A_90 = arith.constant 0 : i32
      %dma_start3A_91 = arith.constant 0 : i32
      %dma_start3A_92 = tpu.memref_slice %arg4[%dma_start3A_90, %dma_start3A_91] : memref<10000x128xf32, #tpu.memory_space<hbm>> -> memref<10000x128xf32, #tpu.memory_space<hbm>>
      tpu.enqueue_indirect_dma source(%dma_start3A_92 : memref<10000x128xf32, #tpu.memory_space<hbm>>) target(%arg10 : memref<40x128xf32, #tpu.memory_space<vmem>>) offsets(%dma_start3A_89 : memref<40xi32, #tpu.memory_space<vmem>>) semaphore(%arg17 : memref<!tpu.dma_semaphore, #tpu.memory_space<semaphore_mem>>)
      %dma_start3A_93 = arith.constant 0 : i32
      %dma_start3A_94 = arith.constant 0 : i32
      %dma_start3A_95 = tpu.memref_slice %arg9[%dma_start3A_93, %dma_start3A_94] : memref<50x40xi32, #tpu.memory_space<vmem>> -> memref<1x40xi32, #tpu.memory_space<vmem>>
      %dma_start3A_96 = tpu.memref_squeeze %dma_start3A_95 : memref<1x40xi32, #tpu.memory_space<vmem>> -> memref<40xi32, #tpu.memory_space<vmem>>
      %dma_start3A_97 = arith.constant 0 : i32
      %dma_start3A_98 = arith.constant 0 : i32
      %dma_start3A_99 = tpu.memref_slice %arg5[%dma_start3A_97, %dma_start3A_98] : memref<10000x128xf32, #tpu.memory_space<hbm>> -> memref<10000x128xf32, #tpu.memory_space<hbm>>
      tpu.enqueue_indirect_dma source(%dma_start3A_99 : memref<10000x128xf32, #tpu.memory_space<hbm>>) target(%arg11 : memref<40x128xf32, #tpu.memory_space<vmem>>) offsets(%dma_start3A_96 : memref<40xi32, #tpu.memory_space<vmem>>) semaphore(%arg18 : memref<!tpu.dma_semaphore, #tpu.memory_space<semaphore_mem>>)
      %dma_start3A_100 = arith.constant 1 : i32
      %dma_start3A_101 = arith.constant 0 : i32
      %dma_start3A_102 = tpu.memref_slice %arg8[%dma_start3A_100, %dma_start3A_101] : memref<50x40xi32, #tpu.memory_space<vmem>> -> memref<1x40xi32, #tpu.memory_space<vmem>>
      %dma_start3A_103 = tpu.memref_squeeze %dma_start3A_102 : memref<1x40xi32, #tpu.memory_space<vmem>> -> memref<40xi32, #tpu.memory_space<vmem>>
      %dma_start3A_104 = arith.constant 0 : i32
      %dma_start3A_105 = arith.constant 0 : i32
      %dma_start3A_106 = tpu.memref_slice %arg4[%dma_start3A_104, %dma_start3A_105] : memref<10000x128xf32, #tpu.memory_space<hbm>> -> memref<10000x128xf32, #tpu.memory_space<hbm>>
      tpu.enqueue_indirect_dma source(%dma_start3A_106 : memref<10000x128xf32, #tpu.memory_space<hbm>>) target(%arg13 : memref<40x128xf32, #tpu.memory_space<vmem>>) offsets(%dma_start3A_103 : memref<40xi32, #tpu.memory_space<vmem>>) semaphore(%arg20 : memref<!tpu.dma_semaphore, #tpu.memory_space<semaphore_mem>>)
      %dma_start3A_107 = arith.constant 1 : i32
      %dma_start3A_108 = arith.constant 0 : i32
      %dma_start3A_109 = tpu.memref_slice %arg9[%dma_start3A_107, %dma_start3A_108] : memref<50x40xi32, #tpu.memory_space<vmem>> -> memref<1x40xi32, #tpu.memory_space<vmem>>
      %dma_start3A_110 = tpu.memref_squeeze %dma_start3A_109 : memref<1x40xi32, #tpu.memory_space<vmem>> -> memref<40xi32, #tpu.memory_space<vmem>>
      %dma_start3A_111 = arith.constant 0 : i32
      %dma_start3A_112 = arith.constant 0 : i32
      %dma_start3A_113 = tpu.memref_slice %arg5[%dma_start3A_111, %dma_start3A_112] : memref<10000x128xf32, #tpu.memory_space<hbm>> -> memref<10000x128xf32, #tpu.memory_space<hbm>>
      tpu.enqueue_indirect_dma source(%dma_start3A_113 : memref<10000x128xf32, #tpu.memory_space<hbm>>) target(%arg14 : memref<40x128xf32, #tpu.memory_space<vmem>>) offsets(%dma_start3A_110 : memref<40xi32, #tpu.memory_space<vmem>>) semaphore(%arg21 : memref<!tpu.dma_semaphore, #tpu.memory_space<semaphore_mem>>)
      %scan3A_114 = arith.constant 0 : i32
      %scan3A_115 = arith.constant 0 : i32
      %scan3A_116 = arith.constant 24 : i32
      %scan3A_117 = arith.addi %scan3A_115, %scan3A_116 : i32
      %scan3A_118 = arith.constant 1 : i32
      scf.for %scan3A_188 = %scan3A_115 to %scan3A_117 step %scan3A_118  : i32 {
        %mul3A_189 = arith.constant 2 : i32
        %mul3A_190 = arith.muli %mul3A_189, %scan3A_188 : i32
        %add3A_191 = arith.constant 1 : i32
        %add3A_192 = arith.addi %mul3A_190, %add3A_191 : i32
        %dma_wait3A_193 = arith.constant 0 : i32
        %dma_wait3A_194 = arith.constant 0 : i32
        %dma_wait3A_195 = tpu.memref_slice %arg4[%dma_wait3A_193, %dma_wait3A_194] : memref<10000x128xf32, #tpu.memory_space<hbm>> -> memref<40x128xf32, #tpu.memory_space<hbm>>
        %dma_wait3A_196 = arith.constant 0 : i32
        %dma_wait3A_197 = arith.constant 0 : i32
        %dma_wait3A_198 = tpu.memref_slice %arg4[%dma_wait3A_196, %dma_wait3A_197] : memref<10000x128xf32, #tpu.memory_space<hbm>> -> memref<40x128xf32, #tpu.memory_space<hbm>>
        tpu.wait_dma2 semaphore(%arg17 : memref<!tpu.dma_semaphore, #tpu.memory_space<semaphore_mem>>) src(%dma_wait3A_198 : memref<40x128xf32, #tpu.memory_space<hbm>>) dst(%arg10 : memref<40x128xf32, #tpu.memory_space<vmem>>)
        %dma_wait3A_199 = arith.constant 0 : i32
        %dma_wait3A_200 = arith.constant 0 : i32
        %dma_wait3A_201 = tpu.memref_slice %arg5[%dma_wait3A_199, %dma_wait3A_200] : memref<10000x128xf32, #tpu.memory_space<hbm>> -> memref<40x128xf32, #tpu.memory_space<hbm>>
        %dma_wait3A_202 = arith.constant 0 : i32
        %dma_wait3A_203 = arith.constant 0 : i32
        %dma_wait3A_204 = tpu.memref_slice %arg5[%dma_wait3A_202, %dma_wait3A_203] : memref<10000x128xf32, #tpu.memory_space<hbm>> -> memref<40x128xf32, #tpu.memory_space<hbm>>
        tpu.wait_dma2 semaphore(%arg18 : memref<!tpu.dma_semaphore, #tpu.memory_space<semaphore_mem>>) src(%dma_wait3A_204 : memref<40x128xf32, #tpu.memory_space<hbm>>) dst(%arg11 : memref<40x128xf32, #tpu.memory_space<vmem>>)
        %dma_wait3A_205 = arith.constant 0 : i32
        %dma_wait3A_206 = arith.constant 0 : i32
        %dma_wait3A_207 = arith.constant 0 : i32
        %dma_wait3A_208 = tpu.memref_slice %arg6[%dma_wait3A_205, %dma_wait3A_206, %dma_wait3A_207] : memref<2x10240x128xf32, #tpu.memory_space<hbm>> -> memref<1x40x128xf32, #tpu.memory_space<hbm>>
        %dma_wait3A_209 = tpu.memref_squeeze %dma_wait3A_208 : memref<1x40x128xf32, #tpu.memory_space<hbm>> -> memref<40x128xf32, #tpu.memory_space<hbm>>
        %dma_wait3A_210 = arith.constant 0 : i32
        %dma_wait3A_211 = arith.constant 0 : i32
        %dma_wait3A_212 = tpu.memref_slice %arg6[%dma_wait3A_205, %dma_wait3A_210, %dma_wait3A_211] : memref<2x10240x128xf32, #tpu.memory_space<hbm>> -> memref<1x40x128xf32, #tpu.memory_space<hbm>>
        %dma_wait3A_213 = tpu.memref_squeeze %dma_wait3A_212 : memref<1x40x128xf32, #tpu.memory_space<hbm>> -> memref<40x128xf32, #tpu.memory_space<hbm>>
        tpu.wait_dma2 semaphore(%arg19 : memref<!tpu.dma_semaphore, #tpu.memory_space<semaphore_mem>>) src(%dma_wait3A_213 : memref<40x128xf32, #tpu.memory_space<hbm>>) dst(%arg12 : memref<40x128xf32, #tpu.memory_space<vmem>>)
        %scan3A_214 = arith.constant 0 : i32
        %scan3A_215 = arith.constant 0 : i32
        %scan3A_216 = arith.constant 40 : i32
        %scan3A_217 = arith.addi %scan3A_215, %scan3A_216 : i32
        %scan3A_218 = arith.constant 1 : i32
        scf.for %scan3A_287 = %scan3A_215 to %scan3A_217 step %scan3A_218  : i32 {
          %get3A = arith.index_cast %scan3A_287 : i32 to index
          %get3A_288 = arith.constant 64 : index
          %get3A_289 = tpu.vector_load %arg10[%get3A, %get3A_288] {strides = array<i32>} : memref<40x128xf32, #tpu.memory_space<vmem>>, vector<1x16xf32>,
          %get3A_290 = vector.shape_cast %get3A_289 : vector<1x16xf32> to vector<16xf32>
          %get3A_291 = arith.index_cast %scan3A_287 : i32 to index
          %get3A_292 = arith.constant 0 : index
          %get3A_293 = tpu.vector_load %arg11[%get3A_291, %get3A_292] {strides = array<i32>} : memref<40x128xf32, #tpu.memory_space<vmem>>, vector<1x16xf32>,
          %get3A_294 = vector.shape_cast %get3A_293 : vector<1x16xf32> to vector<16xf32>
          %add3A_295 = arith.addf %get3A_290, %get3A_294 : vector<16xf32>
          %mul3A_296 = arith.constant 2.000000e-01 : f32
          %mul3A_297 = vector.broadcast %mul3A_296 : f32 to vector<16xf32>
          %mul3A_298 = arith.mulf %mul3A_297, %add3A_295 : vector<16xf32>
          %max3A = arith.maximumf %add3A_295, %mul3A_298 : vector<16xf32>
          %exp3A = math.exp %max3A : vector<16xf32>
          %get3A_299 = arith.index_cast %scan3A_287 : i32 to index
          %get3A_300 = arith.constant 0 : index
          %get3A_301 = tpu.vector_load %arg10[%get3A_299, %get3A_300] {strides = array<i32>} : memref<40x128xf32, #tpu.memory_space<vmem>>, vector<1x16xf32>,
          %get3A_302 = vector.shape_cast %get3A_301 : vector<1x16xf32> to vector<16xf32>
          %mul3A_303 = arith.mulf %get3A_302, %exp3A : vector<16xf32>
          %swap3A = arith.index_cast %scan3A_287 : i32 to index
          %swap3A_304 = arith.constant 0 : index
          %swap3A_305 = tpu.vector_load %arg12[%swap3A, %swap3A_304] {strides = array<i32>} : memref<40x128xf32, #tpu.memory_space<vmem>>, vector<1x16xf32>,
          %swap3A_306 = vector.shape_cast %swap3A_305 : vector<1x16xf32> to vector<16xf32>
          %swap3A_307 = vector.shape_cast %mul3A_303 : vector<16xf32> to vector<1x16xf32>
          tpu.vector_store %arg12[%swap3A, %swap3A_304], %swap3A_307 {strides = array<i32>} : memref<40x128xf32, #tpu.memory_space<vmem>>, vector<1x16xf32>,
          %swap3A_308 = arith.index_cast %scan3A_287 : i32 to index
          %swap3A_309 = arith.constant 64 : index
          %swap3A_310 = tpu.vector_load %arg12[%swap3A_308, %swap3A_309] {strides = array<i32>} : memref<40x128xf32, #tpu.memory_space<vmem>>, vector<1x16xf32>,
          %swap3A_311 = vector.shape_cast %swap3A_310 : vector<1x16xf32> to vector<16xf32>
          %swap3A_312 = vector.shape_cast %exp3A : vector<16xf32> to vector<1x16xf32>
          tpu.vector_store %arg12[%swap3A_308, %swap3A_309], %swap3A_312 {strides = array<i32>} : memref<40x128xf32, #tpu.memory_space<vmem>>, vector<1x16xf32>,
          %get3A_313 = arith.index_cast %scan3A_287 : i32 to index
          %get3A_314 = arith.constant 80 : index
          %get3A_315 = tpu.vector_load %arg10[%get3A_313, %get3A_314] {strides = array<i32>} : memref<40x128xf32, #tpu.memory_space<vmem>>, vector<1x16xf32>,
          %get3A_316 = vector.shape_cast %get3A_315 : vector<1x16xf32> to vector<16xf32>
          %get3A_317 = arith.index_cast %scan3A_287 : i32 to index
          %get3A_318 = arith.constant 16 : index
          %get3A_319 = tpu.vector_load %arg11[%get3A_317, %get3A_318] {strides = array<i32>} : memref<40x128xf32, #tpu.memory_space<vmem>>, vector<1x16xf32>,
          %get3A_320 = vector.shape_cast %get3A_319 : vector<1x16xf32> to vector<16xf32>
          %add3A_321 = arith.addf %get3A_316, %get3A_320 : vector<16xf32>
          %mul3A_322 = arith.constant 2.000000e-01 : f32
          %mul3A_323 = vector.broadcast %mul3A_322 : f32 to vector<16xf32>
          %mul3A_324 = arith.mulf %mul3A_323, %add3A_321 : vector<16xf32>
          %max3A_325 = arith.maximumf %add3A_321, %mul3A_324 : vector<16xf32>
          %exp3A_326 = math.exp %max3A_325 : vector<16xf32>
          %get3A_327 = arith.index_cast %scan3A_287 : i32 to index
          %get3A_328 = arith.constant 16 : index
          %get3A_329 = tpu.vector_load %arg10[%get3A_327, %get3A_328] {strides = array<i32>} : memref<40x128xf32, #tpu.memory_space<vmem>>, vector<1x16xf32>,
          %get3A_330 = vector.shape_cast %get3A_329 : vector<1x16xf32> to vector<16xf32>
          %mul3A_331 = arith.mulf %get3A_330, %exp3A_326 : vector<16xf32>
          %swap3A_332 = arith.index_cast %scan3A_287 : i32 to index
          %swap3A_333 = arith.constant 16 : index
          %swap3A_334 = tpu.vector_load %arg12[%swap3A_332, %swap3A_333] {strides = array<i32>} : memref<40x128xf32, #tpu.memory_space<vmem>>, vector<1x16xf32>,
          %swap3A_335 = vector.shape_cast %swap3A_334 : vector<1x16xf32> to vector<16xf32>
          %swap3A_336 = vector.shape_cast %mul3A_331 : vector<16xf32> to vector<1x16xf32>
          tpu.vector_store %arg12[%swap3A_332, %swap3A_333], %swap3A_336 {strides = array<i32>} : memref<40x128xf32, #tpu.memory_space<vmem>>, vector<1x16xf32>,
          %swap3A_337 = arith.index_cast %scan3A_287 : i32 to index
          %swap3A_338 = arith.constant 80 : index
          %swap3A_339 = tpu.vector_load %arg12[%swap3A_337, %swap3A_338] {strides = array<i32>} : memref<40x128xf32, #tpu.memory_space<vmem>>, vector<1x16xf32>,
          %swap3A_340 = vector.shape_cast %swap3A_339 : vector<1x16xf32> to vector<16xf32>
          %swap3A_341 = vector.shape_cast %exp3A_326 : vector<16xf32> to vector<1x16xf32>
          tpu.vector_store %arg12[%swap3A_337, %swap3A_338], %swap3A_341 {strides = array<i32>} : memref<40x128xf32, #tpu.memory_space<vmem>>, vector<1x16xf32>,
          %get3A_342 = arith.index_cast %scan3A_287 : i32 to index
          %get3A_343 = arith.constant 96 : index
          %get3A_344 = tpu.vector_load %arg10[%get3A_342, %get3A_343] {strides = array<i32>} : memref<40x128xf32, #tpu.memory_space<vmem>>, vector<1x16xf32>,
          %get3A_345 = vector.shape_cast %get3A_344 : vector<1x16xf32> to vector<16xf32>
          %get3A_346 = arith.index_cast %scan3A_287 : i32 to index
          %get3A_347 = arith.constant 32 : index
          %get3A_348 = tpu.vector_load %arg11[%get3A_346, %get3A_347] {strides = array<i32>} : memref<40x128xf32, #tpu.memory_space<vmem>>, vector<1x16xf32>,
          %get3A_349 = vector.shape_cast %get3A_348 : vector<1x16xf32> to vector<16xf32>
          %add3A_350 = arith.addf %get3A_345, %get3A_349 : vector<16xf32>
          %mul3A_351 = arith.constant 2.000000e-01 : f32
          %mul3A_352 = vector.broadcast %mul3A_351 : f32 to vector<16xf32>
          %mul3A_353 = arith.mulf %mul3A_352, %add3A_350 : vector<16xf32>
          %max3A_354 = arith.maximumf %add3A_350, %mul3A_353 : vector<16xf32>
          %exp3A_355 = math.exp %max3A_354 : vector<16xf32>
          %get3A_356 = arith.index_cast %scan3A_287 : i32 to index
          %get3A_357 = arith.constant 32 : index
          %get3A_358 = tpu.vector_load %arg10[%get3A_356, %get3A_357] {strides = array<i32>} : memref<40x128xf32, #tpu.memory_space<vmem>>, vector<1x16xf32>,
          %get3A_359 = vector.shape_cast %get3A_358 : vector<1x16xf32> to vector<16xf32>
          %mul3A_360 = arith.mulf %get3A_359, %exp3A_355 : vector<16xf32>
          %swap3A_361 = arith.index_cast %scan3A_287 : i32 to index
          %swap3A_362 = arith.constant 32 : index
          %swap3A_363 = tpu.vector_load %arg12[%swap3A_361, %swap3A_362] {strides = array<i32>} : memref<40x128xf32, #tpu.memory_space<vmem>>, vector<1x16xf32>,
          %swap3A_364 = vector.shape_cast %swap3A_363 : vector<1x16xf32> to vector<16xf32>
          %swap3A_365 = vector.shape_cast %mul3A_360 : vector<16xf32> to vector<1x16xf32>
          tpu.vector_store %arg12[%swap3A_361, %swap3A_362], %swap3A_365 {strides = array<i32>} : memref<40x128xf32, #tpu.memory_space<vmem>>, vector<1x16xf32>,
          %swap3A_366 = arith.index_cast %scan3A_287 : i32 to index
          %swap3A_367 = arith.constant 96 : index
          %swap3A_368 = tpu.vector_load %arg12[%swap3A_366, %swap3A_367] {strides = array<i32>} : memref<40x128xf32, #tpu.memory_space<vmem>>, vector<1x16xf32>,
          %swap3A_369 = vector.shape_cast %swap3A_368 : vector<1x16xf32> to vector<16xf32>
          %swap3A_370 = vector.shape_cast %exp3A_355 : vector<16xf32> to vector<1x16xf32>
          tpu.vector_store %arg12[%swap3A_366, %swap3A_367], %swap3A_370 {strides = array<i32>} : memref<40x128xf32, #tpu.memory_space<vmem>>, vector<1x16xf32>,
          %get3A_371 = arith.index_cast %scan3A_287 : i32 to index
          %get3A_372 = arith.constant 112 : index
          %get3A_373 = tpu.vector_load %arg10[%get3A_371, %get3A_372] {strides = array<i32>} : memref<40x128xf32, #tpu.memory_space<vmem>>, vector<1x16xf32>,
          %get3A_374 = vector.shape_cast %get3A_373 : vector<1x16xf32> to vector<16xf32>
          %get3A_375 = arith.index_cast %scan3A_287 : i32 to index
          %get3A_376 = arith.constant 48 : index
          %get3A_377 = tpu.vector_load %arg11[%get3A_375, %get3A_376] {strides = array<i32>} : memref<40x128xf32, #tpu.memory_space<vmem>>, vector<1x16xf32>,
          %get3A_378 = vector.shape_cast %get3A_377 : vector<1x16xf32> to vector<16xf32>
          %add3A_379 = arith.addf %get3A_374, %get3A_378 : vector<16xf32>
          %mul3A_380 = arith.constant 2.000000e-01 : f32
          %mul3A_381 = vector.broadcast %mul3A_380 : f32 to vector<16xf32>
          %mul3A_382 = arith.mulf %mul3A_381, %add3A_379 : vector<16xf32>
          %max3A_383 = arith.maximumf %add3A_379, %mul3A_382 : vector<16xf32>
          %exp3A_384 = math.exp %max3A_383 : vector<16xf32>
          %get3A_385 = arith.index_cast %scan3A_287 : i32 to index
          %get3A_386 = arith.constant 48 : index
          %get3A_387 = tpu.vector_load %arg10[%get3A_385, %get3A_386] {strides = array<i32>} : memref<40x128xf32, #tpu.memory_space<vmem>>, vector<1x16xf32>,
          %get3A_388 = vector.shape_cast %get3A_387 : vector<1x16xf32> to vector<16xf32>
          %mul3A_389 = arith.mulf %get3A_388, %exp3A_384 : vector<16xf32>
          %swap3A_390 = arith.index_cast %scan3A_287 : i32 to index
          %swap3A_391 = arith.constant 48 : index
          %swap3A_392 = tpu.vector_load %arg12[%swap3A_390, %swap3A_391] {strides = array<i32>} : memref<40x128xf32, #tpu.memory_space<vmem>>, vector<1x16xf32>,
          %swap3A_393 = vector.shape_cast %swap3A_392 : vector<1x16xf32> to vector<16xf32>
          %swap3A_394 = vector.shape_cast %mul3A_389 : vector<16xf32> to vector<1x16xf32>
          tpu.vector_store %arg12[%swap3A_390, %swap3A_391], %swap3A_394 {strides = array<i32>} : memref<40x128xf32, #tpu.memory_space<vmem>>, vector<1x16xf32>,
          %swap3A_395 = arith.index_cast %scan3A_287 : i32 to index
          %swap3A_396 = arith.constant 112 : index
          %swap3A_397 = tpu.vector_load %arg12[%swap3A_395, %swap3A_396] {strides = array<i32>} : memref<40x128xf32, #tpu.memory_space<vmem>>, vector<1x16xf32>,
          %swap3A_398 = vector.shape_cast %swap3A_397 : vector<1x16xf32> to vector<16xf32>
          %swap3A_399 = vector.shape_cast %exp3A_384 : vector<16xf32> to vector<1x16xf32>
          tpu.vector_store %arg12[%swap3A_395, %swap3A_396], %swap3A_399 {strides = array<i32>} : memref<40x128xf32, #tpu.memory_space<vmem>>, vector<1x16xf32>,
        }
        %scan3A_219 = arith.constant 40 : i32
        %dma_start3A_220 = arith.constant 0 : i32
        %dma_start3A_221 = tpu.memref_slice %arg9[%mul3A_190, %dma_start3A_220] : memref<50x40xi32, #tpu.memory_space<vmem>> -> memref<1x40xi32, #tpu.memory_space<vmem>>
        %dma_start3A_222 = tpu.memref_squeeze %dma_start3A_221 : memref<1x40xi32, #tpu.memory_space<vmem>> -> memref<40xi32, #tpu.memory_space<vmem>>
        %dma_start3A_223 = arith.constant 0 : i32
        %dma_start3A_224 = arith.constant 0 : i32
        %dma_start3A_225 = tpu.memref_slice %arg16[%dma_start3A_223, %dma_start3A_224] : memref<10240x128xf32, #tpu.memory_space<vmem_shared>> -> memref<10240x128xf32, #tpu.memory_space<vmem_shared>>
        tpu.enqueue_indirect_dma source(%arg12 : memref<40x128xf32, #tpu.memory_space<vmem>>) target(%dma_start3A_225 : memref<10240x128xf32, #tpu.memory_space<vmem_shared>>) offsets(%dma_start3A_222 : memref<40xi32, #tpu.memory_space<vmem>>) semaphore(%arg19 : memref<!tpu.dma_semaphore, #tpu.memory_space<semaphore_mem>>) {add = true}
        %add3A_226 = arith.constant 2 : i32
        %add3A_227 = arith.addi %mul3A_190, %add3A_226 : i32
        %dma_start3A_228 = arith.constant 0 : i32
        %dma_start3A_229 = tpu.memref_slice %arg8[%add3A_227, %dma_start3A_228] : memref<50x40xi32, #tpu.memory_space<vmem>> -> memref<1x40xi32, #tpu.memory_space<vmem>>
        %dma_start3A_230 = tpu.memref_squeeze %dma_start3A_229 : memref<1x40xi32, #tpu.memory_space<vmem>> -> memref<40xi32, #tpu.memory_space<vmem>>
        %dma_start3A_231 = arith.constant 0 : i32
        %dma_start3A_232 = arith.constant 0 : i32
        %dma_start3A_233 = tpu.memref_slice %arg4[%dma_start3A_231, %dma_start3A_232] : memref<10000x128xf32, #tpu.memory_space<hbm>> -> memref<10000x128xf32, #tpu.memory_space<hbm>>
        tpu.enqueue_indirect_dma source(%dma_start3A_233 : memref<10000x128xf32, #tpu.memory_space<hbm>>) target(%arg10 : memref<40x128xf32, #tpu.memory_space<vmem>>) offsets(%dma_start3A_230 : memref<40xi32, #tpu.memory_space<vmem>>) semaphore(%arg17 : memref<!tpu.dma_semaphore, #tpu.memory_space<semaphore_mem>>)
        %dma_start3A_234 = arith.constant 0 : i32
        %dma_start3A_235 = tpu.memref_slice %arg9[%add3A_227, %dma_start3A_234] : memref<50x40xi32, #tpu.memory_space<vmem>> -> memref<1x40xi32, #tpu.memory_space<vmem>>
        %dma_start3A_236 = tpu.memref_squeeze %dma_start3A_235 : memref<1x40xi32, #tpu.memory_space<vmem>> -> memref<40xi32, #tpu.memory_space<vmem>>
        %dma_start3A_237 = arith.constant 0 : i32
        %dma_start3A_238 = arith.constant 0 : i32
        %dma_start3A_239 = tpu.memref_slice %arg5[%dma_start3A_237, %dma_start3A_238] : memref<10000x128xf32, #tpu.memory_space<hbm>> -> memref<10000x128xf32, #tpu.memory_space<hbm>>
        tpu.enqueue_indirect_dma source(%dma_start3A_239 : memref<10000x128xf32, #tpu.memory_space<hbm>>) target(%arg11 : memref<40x128xf32, #tpu.memory_space<vmem>>) offsets(%dma_start3A_236 : memref<40xi32, #tpu.memory_space<vmem>>) semaphore(%arg18 : memref<!tpu.dma_semaphore, #tpu.memory_space<semaphore_mem>>)
        %dma_wait3A_240 = arith.constant 0 : i32
        %dma_wait3A_241 = arith.constant 0 : i32
        %dma_wait3A_242 = tpu.memref_slice %arg4[%dma_wait3A_240, %dma_wait3A_241] : memref<10000x128xf32, #tpu.memory_space<hbm>> -> memref<40x128xf32, #tpu.memory_space<hbm>>
        %dma_wait3A_243 = arith.constant 0 : i32
        %dma_wait3A_244 = arith.constant 0 : i32
        %dma_wait3A_245 = tpu.memref_slice %arg4[%dma_wait3A_243, %dma_wait3A_244] : memref<10000x128xf32, #tpu.memory_space<hbm>> -> memref<40x128xf32, #tpu.memory_space<hbm>>
        tpu.wait_dma2 semaphore(%arg20 : memref<!tpu.dma_semaphore, #tpu.memory_space<semaphore_mem>>) src(%dma_wait3A_245 : memref<40x128xf32, #tpu.memory_space<hbm>>) dst(%arg13 : memref<40x128xf32, #tpu.memory_space<vmem>>)
        %dma_wait3A_246 = arith.constant 0 : i32
        %dma_wait3A_247 = arith.constant 0 : i32
        %dma_wait3A_248 = tpu.memref_slice %arg5[%dma_wait3A_246, %dma_wait3A_247] : memref<10000x128xf32, #tpu.memory_space<hbm>> -> memref<40x128xf32, #tpu.memory_space<hbm>>
        %dma_wait3A_249 = arith.constant 0 : i32
        %dma_wait3A_250 = arith.constant 0 : i32
        %dma_wait3A_251 = tpu.memref_slice %arg5[%dma_wait3A_249, %dma_wait3A_250] : memref<10000x128xf32, #tpu.memory_space<hbm>> -> memref<40x128xf32, #tpu.memory_space<hbm>>
        tpu.wait_dma2 semaphore(%arg21 : memref<!tpu.dma_semaphore, #tpu.memory_space<semaphore_mem>>) src(%dma_wait3A_251 : memref<40x128xf32, #tpu.memory_space<hbm>>) dst(%arg14 : memref<40x128xf32, #tpu.memory_space<vmem>>)
        %dma_wait3A_252 = arith.constant 0 : i32
        %dma_wait3A_253 = arith.constant 0 : i32
        %dma_wait3A_254 = arith.constant 0 : i32
        %dma_wait3A_255 = tpu.memref_slice %arg6[%dma_wait3A_252, %dma_wait3A_253, %dma_wait3A_254] : memref<2x10240x128xf32, #tpu.memory_space<hbm>> -> memref<1x40x128xf32, #tpu.memory_space<hbm>>
        %dma_wait3A_256 = tpu.memref_squeeze %dma_wait3A_255 : memref<1x40x128xf32, #tpu.memory_space<hbm>> -> memref<40x128xf32, #tpu.memory_space<hbm>>
        %dma_wait3A_257 = arith.constant 0 : i32
        %dma_wait3A_258 = arith.constant 0 : i32
        %dma_wait3A_259 = tpu.memref_slice %arg6[%dma_wait3A_252, %dma_wait3A_257, %dma_wait3A_258] : memref<2x10240x128xf32, #tpu.memory_space<hbm>> -> memref<1x40x128xf32, #tpu.memory_space<hbm>>
        %dma_wait3A_260 = tpu.memref_squeeze %dma_wait3A_259 : memref<1x40x128xf32, #tpu.memory_space<hbm>> -> memref<40x128xf32, #tpu.memory_space<hbm>>
        tpu.wait_dma2 semaphore(%arg22 : memref<!tpu.dma_semaphore, #tpu.memory_space<semaphore_mem>>) src(%dma_wait3A_260 : memref<40x128xf32, #tpu.memory_space<hbm>>) dst(%arg15 : memref<40x128xf32, #tpu.memory_space<vmem>>)
        %scan3A_261 = arith.constant 0 : i32
        %scan3A_262 = arith.constant 0 : i32
        %scan3A_263 = arith.constant 40 : i32
        %scan3A_264 = arith.addi %scan3A_262, %scan3A_263 : i32
        %scan3A_265 = arith.constant 1 : i32
        scf.for %scan3A_287 = %scan3A_262 to %scan3A_264 step %scan3A_265  : i32 {
          %get3A = arith.index_cast %scan3A_287 : i32 to index
          %get3A_288 = arith.constant 64 : index
          %get3A_289 = tpu.vector_load %arg13[%get3A, %get3A_288] {strides = array<i32>} : memref<40x128xf32, #tpu.memory_space<vmem>>, vector<1x16xf32>,
          %get3A_290 = vector.shape_cast %get3A_289 : vector<1x16xf32> to vector<16xf32>
          %get3A_291 = arith.index_cast %scan3A_287 : i32 to index
          %get3A_292 = arith.constant 0 : index
          %get3A_293 = tpu.vector_load %arg14[%get3A_291, %get3A_292] {strides = array<i32>} : memref<40x128xf32, #tpu.memory_space<vmem>>, vector<1x16xf32>,
          %get3A_294 = vector.shape_cast %get3A_293 : vector<1x16xf32> to vector<16xf32>
          %add3A_295 = arith.addf %get3A_290, %get3A_294 : vector<16xf32>
          %mul3A_296 = arith.constant 2.000000e-01 : f32
          %mul3A_297 = vector.broadcast %mul3A_296 : f32 to vector<16xf32>
          %mul3A_298 = arith.mulf %mul3A_297, %add3A_295 : vector<16xf32>
          %max3A = arith.maximumf %add3A_295, %mul3A_298 : vector<16xf32>
          %exp3A = math.exp %max3A : vector<16xf32>
          %get3A_299 = arith.index_cast %scan3A_287 : i32 to index
          %get3A_300 = arith.constant 0 : index
          %get3A_301 = tpu.vector_load %arg13[%get3A_299, %get3A_300] {strides = array<i32>} : memref<40x128xf32, #tpu.memory_space<vmem>>, vector<1x16xf32>,
          %get3A_302 = vector.shape_cast %get3A_301 : vector<1x16xf32> to vector<16xf32>
          %mul3A_303 = arith.mulf %get3A_302, %exp3A : vector<16xf32>
          %swap3A = arith.index_cast %scan3A_287 : i32 to index
          %swap3A_304 = arith.constant 0 : index
          %swap3A_305 = tpu.vector_load %arg15[%swap3A, %swap3A_304] {strides = array<i32>} : memref<40x128xf32, #tpu.memory_space<vmem>>, vector<1x16xf32>,
          %swap3A_306 = vector.shape_cast %swap3A_305 : vector<1x16xf32> to vector<16xf32>
          %swap3A_307 = vector.shape_cast %mul3A_303 : vector<16xf32> to vector<1x16xf32>
          tpu.vector_store %arg15[%swap3A, %swap3A_304], %swap3A_307 {strides = array<i32>} : memref<40x128xf32, #tpu.memory_space<vmem>>, vector<1x16xf32>,
          %swap3A_308 = arith.index_cast %scan3A_287 : i32 to index
          %swap3A_309 = arith.constant 64 : index
          %swap3A_310 = tpu.vector_load %arg15[%swap3A_308, %swap3A_309] {strides = array<i32>} : memref<40x128xf32, #tpu.memory_space<vmem>>, vector<1x16xf32>,
          %swap3A_311 = vector.shape_cast %swap3A_310 : vector<1x16xf32> to vector<16xf32>
          %swap3A_312 = vector.shape_cast %exp3A : vector<16xf32> to vector<1x16xf32>
          tpu.vector_store %arg15[%swap3A_308, %swap3A_309], %swap3A_312 {strides = array<i32>} : memref<40x128xf32, #tpu.memory_space<vmem>>, vector<1x16xf32>,
          %get3A_313 = arith.index_cast %scan3A_287 : i32 to index
          %get3A_314 = arith.constant 80 : index
          %get3A_315 = tpu.vector_load %arg13[%get3A_313, %get3A_314] {strides = array<i32>} : memref<40x128xf32, #tpu.memory_space<vmem>>, vector<1x16xf32>,
          %get3A_316 = vector.shape_cast %get3A_315 : vector<1x16xf32> to vector<16xf32>
          %get3A_317 = arith.index_cast %scan3A_287 : i32 to index
          %get3A_318 = arith.constant 16 : index
          %get3A_319 = tpu.vector_load %arg14[%get3A_317, %get3A_318] {strides = array<i32>} : memref<40x128xf32, #tpu.memory_space<vmem>>, vector<1x16xf32>,
          %get3A_320 = vector.shape_cast %get3A_319 : vector<1x16xf32> to vector<16xf32>
          %add3A_321 = arith.addf %get3A_316, %get3A_320 : vector<16xf32>
          %mul3A_322 = arith.constant 2.000000e-01 : f32
          %mul3A_323 = vector.broadcast %mul3A_322 : f32 to vector<16xf32>
          %mul3A_324 = arith.mulf %mul3A_323, %add3A_321 : vector<16xf32>
          %max3A_325 = arith.maximumf %add3A_321, %mul3A_324 : vector<16xf32>
          %exp3A_326 = math.exp %max3A_325 : vector<16xf32>
          %get3A_327 = arith.index_cast %scan3A_287 : i32 to index
          %get3A_328 = arith.constant 16 : index
          %get3A_329 = tpu.vector_load %arg13[%get3A_327, %get3A_328] {strides = array<i32>} : memref<40x128xf32, #tpu.memory_space<vmem>>, vector<1x16xf32>,
          %get3A_330 = vector.shape_cast %get3A_329 : vector<1x16xf32> to vector<16xf32>
          %mul3A_331 = arith.mulf %get3A_330, %exp3A_326 : vector<16xf32>
          %swap3A_332 = arith.index_cast %scan3A_287 : i32 to index
          %swap3A_333 = arith.constant 16 : index
          %swap3A_334 = tpu.vector_load %arg15[%swap3A_332, %swap3A_333] {strides = array<i32>} : memref<40x128xf32, #tpu.memory_space<vmem>>, vector<1x16xf32>,
          %swap3A_335 = vector.shape_cast %swap3A_334 : vector<1x16xf32> to vector<16xf32>
          %swap3A_336 = vector.shape_cast %mul3A_331 : vector<16xf32> to vector<1x16xf32>
          tpu.vector_store %arg15[%swap3A_332, %swap3A_333], %swap3A_336 {strides = array<i32>} : memref<40x128xf32, #tpu.memory_space<vmem>>, vector<1x16xf32>,
          %swap3A_337 = arith.index_cast %scan3A_287 : i32 to index
          %swap3A_338 = arith.constant 80 : index
          %swap3A_339 = tpu.vector_load %arg15[%swap3A_337, %swap3A_338] {strides = array<i32>} : memref<40x128xf32, #tpu.memory_space<vmem>>, vector<1x16xf32>,
          %swap3A_340 = vector.shape_cast %swap3A_339 : vector<1x16xf32> to vector<16xf32>
          %swap3A_341 = vector.shape_cast %exp3A_326 : vector<16xf32> to vector<1x16xf32>
          tpu.vector_store %arg15[%swap3A_337, %swap3A_338], %swap3A_341 {strides = array<i32>} : memref<40x128xf32, #tpu.memory_space<vmem>>, vector<1x16xf32>,
          %get3A_342 = arith.index_cast %scan3A_287 : i32 to index
          %get3A_343 = arith.constant 96 : index
          %get3A_344 = tpu.vector_load %arg13[%get3A_342, %get3A_343] {strides = array<i32>} : memref<40x128xf32, #tpu.memory_space<vmem>>, vector<1x16xf32>,
          %get3A_345 = vector.shape_cast %get3A_344 : vector<1x16xf32> to vector<16xf32>
          %get3A_346 = arith.index_cast %scan3A_287 : i32 to index
          %get3A_347 = arith.constant 32 : index
          %get3A_348 = tpu.vector_load %arg14[%get3A_346, %get3A_347] {strides = array<i32>} : memref<40x128xf32, #tpu.memory_space<vmem>>, vector<1x16xf32>,
          %get3A_349 = vector.shape_cast %get3A_348 : vector<1x16xf32> to vector<16xf32>
          %add3A_350 = arith.addf %get3A_345, %get3A_349 : vector<16xf32>
          %mul3A_351 = arith.constant 2.000000e-01 : f32
          %mul3A_352 = vector.broadcast %mul3A_351 : f32 to vector<16xf32>
          %mul3A_353 = arith.mulf %mul3A_352, %add3A_350 : vector<16xf32>
          %max3A_354 = arith.maximumf %add3A_350, %mul3A_353 : vector<16xf32>
          %exp3A_355 = math.exp %max3A_354 : vector<16xf32>
          %get3A_356 = arith.index_cast %scan3A_287 : i32 to index
          %get3A_357 = arith.constant 32 : index
          %get3A_358 = tpu.vector_load %arg13[%get3A_356, %get3A_357] {strides = array<i32>} : memref<40x128xf32, #tpu.memory_space<vmem>>, vector<1x16xf32>,
          %get3A_359 = vector.shape_cast %get3A_358 : vector<1x16xf32> to vector<16xf32>
          %mul3A_360 = arith.mulf %get3A_359, %exp3A_355 : vector<16xf32>
          %swap3A_361 = arith.index_cast %scan3A_287 : i32 to index
          %swap3A_362 = arith.constant 32 : index
          %swap3A_363 = tpu.vector_load %arg15[%swap3A_361, %swap3A_362] {strides = array<i32>} : memref<40x128xf32, #tpu.memory_space<vmem>>, vector<1x16xf32>,
          %swap3A_364 = vector.shape_cast %swap3A_363 : vector<1x16xf32> to vector<16xf32>
          %swap3A_365 = vector.shape_cast %mul3A_360 : vector<16xf32> to vector<1x16xf32>
          tpu.vector_store %arg15[%swap3A_361, %swap3A_362], %swap3A_365 {strides = array<i32>} : memref<40x128xf32, #tpu.memory_space<vmem>>, vector<1x16xf32>,
          %swap3A_366 = arith.index_cast %scan3A_287 : i32 to index
          %swap3A_367 = arith.constant 96 : index
          %swap3A_368 = tpu.vector_load %arg15[%swap3A_366, %swap3A_367] {strides = array<i32>} : memref<40x128xf32, #tpu.memory_space<vmem>>, vector<1x16xf32>,
          %swap3A_369 = vector.shape_cast %swap3A_368 : vector<1x16xf32> to vector<16xf32>
          %swap3A_370 = vector.shape_cast %exp3A_355 : vector<16xf32> to vector<1x16xf32>
          tpu.vector_store %arg15[%swap3A_366, %swap3A_367], %swap3A_370 {strides = array<i32>} : memref<40x128xf32, #tpu.memory_space<vmem>>, vector<1x16xf32>,
          %get3A_371 = arith.index_cast %scan3A_287 : i32 to index
          %get3A_372 = arith.constant 112 : index
          %get3A_373 = tpu.vector_load %arg13[%get3A_371, %get3A_372] {strides = array<i32>} : memref<40x128xf32, #tpu.memory_space<vmem>>, vector<1x16xf32>,
          %get3A_374 = vector.shape_cast %get3A_373 : vector<1x16xf32> to vector<16xf32>
          %get3A_375 = arith.index_cast %scan3A_287 : i32 to index
          %get3A_376 = arith.constant 48 : index
          %get3A_377 = tpu.vector_load %arg14[%get3A_375, %get3A_376] {strides = array<i32>} : memref<40x128xf32, #tpu.memory_space<vmem>>, vector<1x16xf32>,
          %get3A_378 = vector.shape_cast %get3A_377 : vector<1x16xf32> to vector<16xf32>
          %add3A_379 = arith.addf %get3A_374, %get3A_378 : vector<16xf32>
          %mul3A_380 = arith.constant 2.000000e-01 : f32
          %mul3A_381 = vector.broadcast %mul3A_380 : f32 to vector<16xf32>
          %mul3A_382 = arith.mulf %mul3A_381, %add3A_379 : vector<16xf32>
          %max3A_383 = arith.maximumf %add3A_379, %mul3A_382 : vector<16xf32>
          %exp3A_384 = math.exp %max3A_383 : vector<16xf32>
          %get3A_385 = arith.index_cast %scan3A_287 : i32 to index
          %get3A_386 = arith.constant 48 : index
          %get3A_387 = tpu.vector_load %arg13[%get3A_385, %get3A_386] {strides = array<i32>} : memref<40x128xf32, #tpu.memory_space<vmem>>, vector<1x16xf32>,
          %get3A_388 = vector.shape_cast %get3A_387 : vector<1x16xf32> to vector<16xf32>
          %mul3A_389 = arith.mulf %get3A_388, %exp3A_384 : vector<16xf32>
          %swap3A_390 = arith.index_cast %scan3A_287 : i32 to index
          %swap3A_391 = arith.constant 48 : index
          %swap3A_392 = tpu.vector_load %arg15[%swap3A_390, %swap3A_391] {strides = array<i32>} : memref<40x128xf32, #tpu.memory_space<vmem>>, vector<1x16xf32>,
          %swap3A_393 = vector.shape_cast %swap3A_392 : vector<1x16xf32> to vector<16xf32>
          %swap3A_394 = vector.shape_cast %mul3A_389 : vector<16xf32> to vector<1x16xf32>
          tpu.vector_store %arg15[%swap3A_390, %swap3A_391], %swap3A_394 {strides = array<i32>} : memref<40x128xf32, #tpu.memory_space<vmem>>, vector<1x16xf32>,
          %swap3A_395 = arith.index_cast %scan3A_287 : i32 to index
          %swap3A_396 = arith.constant 112 : index
          %swap3A_397 = tpu.vector_load %arg15[%swap3A_395, %swap3A_396] {strides = array<i32>} : memref<40x128xf32, #tpu.memory_space<vmem>>, vector<1x16xf32>,
          %swap3A_398 = vector.shape_cast %swap3A_397 : vector<1x16xf32> to vector<16xf32>
          %swap3A_399 = vector.shape_cast %exp3A_384 : vector<16xf32> to vector<1x16xf32>
          tpu.vector_store %arg15[%swap3A_395, %swap3A_396], %swap3A_399 {strides = array<i32>} : memref<40x128xf32, #tpu.memory_space<vmem>>, vector<1x16xf32>,
        }
        %scan3A_266 = arith.constant 40 : i32
        %dma_start3A_267 = arith.constant 0 : i32
        %dma_start3A_268 = tpu.memref_slice %arg9[%add3A_192, %dma_start3A_267] : memref<50x40xi32, #tpu.memory_space<vmem>> -> memref<1x40xi32, #tpu.memory_space<vmem>>
        %dma_start3A_269 = tpu.memref_squeeze %dma_start3A_268 : memref<1x40xi32, #tpu.memory_space<vmem>> -> memref<40xi32, #tpu.memory_space<vmem>>
        %dma_start3A_270 = arith.constant 0 : i32
        %dma_start3A_271 = arith.constant 0 : i32
        %dma_start3A_272 = tpu.memref_slice %arg16[%dma_start3A_270, %dma_start3A_271] : memref<10240x128xf32, #tpu.memory_space<vmem_shared>> -> memref<10240x128xf32, #tpu.memory_space<vmem_shared>>
        tpu.enqueue_indirect_dma source(%arg15 : memref<40x128xf32, #tpu.memory_space<vmem>>) target(%dma_start3A_272 : memref<10240x128xf32, #tpu.memory_space<vmem_shared>>) offsets(%dma_start3A_269 : memref<40xi32, #tpu.memory_space<vmem>>) semaphore(%arg22 : memref<!tpu.dma_semaphore, #tpu.memory_space<semaphore_mem>>) {add = true}
        %add3A_273 = arith.constant 2 : i32
        %add3A_274 = arith.addi %add3A_192, %add3A_273 : i32
        %dma_start3A_275 = arith.constant 0 : i32
        %dma_start3A_276 = tpu.memref_slice %arg8[%add3A_274, %dma_start3A_275] : memref<50x40xi32, #tpu.memory_space<vmem>> -> memref<1x40xi32, #tpu.memory_space<vmem>>
        %dma_start3A_277 = tpu.memref_squeeze %dma_start3A_276 : memref<1x40xi32, #tpu.memory_space<vmem>> -> memref<40xi32, #tpu.memory_space<vmem>>
        %dma_start3A_278 = arith.constant 0 : i32
        %dma_start3A_279 = arith.constant 0 : i32
        %dma_start3A_280 = tpu.memref_slice %arg4[%dma_start3A_278, %dma_start3A_279] : memref<10000x128xf32, #tpu.memory_space<hbm>> -> memref<10000x128xf32, #tpu.memory_space<hbm>>
        tpu.enqueue_indirect_dma source(%dma_start3A_280 : memref<10000x128xf32, #tpu.memory_space<hbm>>) target(%arg13 : memref<40x128xf32, #tpu.memory_space<vmem>>) offsets(%dma_start3A_277 : memref<40xi32, #tpu.memory_space<vmem>>) semaphore(%arg20 : memref<!tpu.dma_semaphore, #tpu.memory_space<semaphore_mem>>)
        %dma_start3A_281 = arith.constant 0 : i32
        %dma_start3A_282 = tpu.memref_slice %arg9[%add3A_274, %dma_start3A_281] : memref<50x40xi32, #tpu.memory_space<vmem>> -> memref<1x40xi32, #tpu.memory_space<vmem>>
        %dma_start3A_283 = tpu.memref_squeeze %dma_start3A_282 : memref<1x40xi32, #tpu.memory_space<vmem>> -> memref<40xi32, #tpu.memory_space<vmem>>
        %dma_start3A_284 = arith.constant 0 : i32
        %dma_start3A_285 = arith.constant 0 : i32
        %dma_start3A_286 = tpu.memref_slice %arg5[%dma_start3A_284, %dma_start3A_285] : memref<10000x128xf32, #tpu.memory_space<hbm>> -> memref<10000x128xf32, #tpu.memory_space<hbm>>
        tpu.enqueue_indirect_dma source(%dma_start3A_286 : memref<10000x128xf32, #tpu.memory_space<hbm>>) target(%arg14 : memref<40x128xf32, #tpu.memory_space<vmem>>) offsets(%dma_start3A_283 : memref<40xi32, #tpu.memory_space<vmem>>) semaphore(%arg21 : memref<!tpu.dma_semaphore, #tpu.memory_space<semaphore_mem>>)
      }
      %scan3A_119 = arith.constant 24 : i32
      %dma_wait3A_120 = arith.constant 0 : i32
      %dma_wait3A_121 = arith.constant 0 : i32
      %dma_wait3A_122 = tpu.memref_slice %arg4[%dma_wait3A_120, %dma_wait3A_121] : memref<10000x128xf32, #tpu.memory_space<hbm>> -> memref<40x128xf32, #tpu.memory_space<hbm>>
      %dma_wait3A_123 = arith.constant 0 : i32
      %dma_wait3A_124 = arith.constant 0 : i32
      %dma_wait3A_125 = tpu.memref_slice %arg4[%dma_wait3A_123, %dma_wait3A_124] : memref<10000x128xf32, #tpu.memory_space<hbm>> -> memref<40x128xf32, #tpu.memory_space<hbm>>
      tpu.wait_dma2 semaphore(%arg17 : memref<!tpu.dma_semaphore, #tpu.memory_space<semaphore_mem>>) src(%dma_wait3A_125 : memref<40x128xf32, #tpu.memory_space<hbm>>) dst(%arg10 : memref<40x128xf32, #tpu.memory_space<vmem>>)
      %dma_wait3A_126 = arith.constant 0 : i32
      %dma_wait3A_127 = arith.constant 0 : i32
      %dma_wait3A_128 = tpu.memref_slice %arg5[%dma_wait3A_126, %dma_wait3A_127] : memref<10000x128xf32, #tpu.memory_space<hbm>> -> memref<40x128xf32, #tpu.memory_space<hbm>>
      %dma_wait3A_129 = arith.constant 0 : i32
      %dma_wait3A_130 = arith.constant 0 : i32
      %dma_wait3A_131 = tpu.memref_slice %arg5[%dma_wait3A_129, %dma_wait3A_130] : memref<10000x128xf32, #tpu.memory_space<hbm>> -> memref<40x128xf32, #tpu.memory_space<hbm>>
      tpu.wait_dma2 semaphore(%arg18 : memref<!tpu.dma_semaphore, #tpu.memory_space<semaphore_mem>>) src(%dma_wait3A_131 : memref<40x128xf32, #tpu.memory_space<hbm>>) dst(%arg11 : memref<40x128xf32, #tpu.memory_space<vmem>>)
      %dma_wait3A_132 = arith.constant 0 : i32
      %dma_wait3A_133 = arith.constant 0 : i32
      %dma_wait3A_134 = arith.constant 0 : i32
      %dma_wait3A_135 = tpu.memref_slice %arg6[%dma_wait3A_132, %dma_wait3A_133, %dma_wait3A_134] : memref<2x10240x128xf32, #tpu.memory_space<hbm>> -> memref<1x40x128xf32, #tpu.memory_space<hbm>>
      %dma_wait3A_136 = tpu.memref_squeeze %dma_wait3A_135 : memref<1x40x128xf32, #tpu.memory_space<hbm>> -> memref<40x128xf32, #tpu.memory_space<hbm>>
      %dma_wait3A_137 = arith.constant 0 : i32
      %dma_wait3A_138 = arith.constant 0 : i32
      %dma_wait3A_139 = tpu.memref_slice %arg6[%dma_wait3A_132, %dma_wait3A_137, %dma_wait3A_138] : memref<2x10240x128xf32, #tpu.memory_space<hbm>> -> memref<1x40x128xf32, #tpu.memory_space<hbm>>
      %dma_wait3A_140 = tpu.memref_squeeze %dma_wait3A_139 : memref<1x40x128xf32, #tpu.memory_space<hbm>> -> memref<40x128xf32, #tpu.memory_space<hbm>>
      tpu.wait_dma2 semaphore(%arg19 : memref<!tpu.dma_semaphore, #tpu.memory_space<semaphore_mem>>) src(%dma_wait3A_140 : memref<40x128xf32, #tpu.memory_space<hbm>>) dst(%arg12 : memref<40x128xf32, #tpu.memory_space<vmem>>)
      %scan3A_141 = arith.constant 0 : i32
      %scan3A_142 = arith.constant 0 : i32
      %scan3A_143 = arith.constant 40 : i32
      %scan3A_144 = arith.addi %scan3A_142, %scan3A_143 : i32
      %scan3A_145 = arith.constant 1 : i32
      scf.for %scan3A_188 = %scan3A_142 to %scan3A_144 step %scan3A_145  : i32 {
        %get3A = arith.index_cast %scan3A_188 : i32 to index
        %get3A_189 = arith.constant 64 : index
        %get3A_190 = tpu.vector_load %arg10[%get3A, %get3A_189] {strides = array<i32>} : memref<40x128xf32, #tpu.memory_space<vmem>>, vector<1x16xf32>,
        %get3A_191 = vector.shape_cast %get3A_190 : vector<1x16xf32> to vector<16xf32>
        %get3A_192 = arith.index_cast %scan3A_188 : i32 to index
        %get3A_193 = arith.constant 0 : index
        %get3A_194 = tpu.vector_load %arg11[%get3A_192, %get3A_193] {strides = array<i32>} : memref<40x128xf32, #tpu.memory_space<vmem>>, vector<1x16xf32>,
        %get3A_195 = vector.shape_cast %get3A_194 : vector<1x16xf32> to vector<16xf32>
        %add3A_196 = arith.addf %get3A_191, %get3A_195 : vector<16xf32>
        %mul3A_197 = arith.constant 2.000000e-01 : f32
        %mul3A_198 = vector.broadcast %mul3A_197 : f32 to vector<16xf32>
        %mul3A_199 = arith.mulf %mul3A_198, %add3A_196 : vector<16xf32>
        %max3A = arith.maximumf %add3A_196, %mul3A_199 : vector<16xf32>
        %exp3A = math.exp %max3A : vector<16xf32>
        %get3A_200 = arith.index_cast %scan3A_188 : i32 to index
        %get3A_201 = arith.constant 0 : index
        %get3A_202 = tpu.vector_load %arg10[%get3A_200, %get3A_201] {strides = array<i32>} : memref<40x128xf32, #tpu.memory_space<vmem>>, vector<1x16xf32>,
        %get3A_203 = vector.shape_cast %get3A_202 : vector<1x16xf32> to vector<16xf32>
        %mul3A_204 = arith.mulf %get3A_203, %exp3A : vector<16xf32>
        %swap3A = arith.index_cast %scan3A_188 : i32 to index
        %swap3A_205 = arith.constant 0 : index
        %swap3A_206 = tpu.vector_load %arg12[%swap3A, %swap3A_205] {strides = array<i32>} : memref<40x128xf32, #tpu.memory_space<vmem>>, vector<1x16xf32>,
        %swap3A_207 = vector.shape_cast %swap3A_206 : vector<1x16xf32> to vector<16xf32>
        %swap3A_208 = vector.shape_cast %mul3A_204 : vector<16xf32> to vector<1x16xf32>
        tpu.vector_store %arg12[%swap3A, %swap3A_205], %swap3A_208 {strides = array<i32>} : memref<40x128xf32, #tpu.memory_space<vmem>>, vector<1x16xf32>,
        %swap3A_209 = arith.index_cast %scan3A_188 : i32 to index
        %swap3A_210 = arith.constant 64 : index
        %swap3A_211 = tpu.vector_load %arg12[%swap3A_209, %swap3A_210] {strides = array<i32>} : memref<40x128xf32, #tpu.memory_space<vmem>>, vector<1x16xf32>,
        %swap3A_212 = vector.shape_cast %swap3A_211 : vector<1x16xf32> to vector<16xf32>
        %swap3A_213 = vector.shape_cast %exp3A : vector<16xf32> to vector<1x16xf32>
        tpu.vector_store %arg12[%swap3A_209, %swap3A_210], %swap3A_213 {strides = array<i32>} : memref<40x128xf32, #tpu.memory_space<vmem>>, vector<1x16xf32>,
        %get3A_214 = arith.index_cast %scan3A_188 : i32 to index
        %get3A_215 = arith.constant 80 : index
        %get3A_216 = tpu.vector_load %arg10[%get3A_214, %get3A_215] {strides = array<i32>} : memref<40x128xf32, #tpu.memory_space<vmem>>, vector<1x16xf32>,
        %get3A_217 = vector.shape_cast %get3A_216 : vector<1x16xf32> to vector<16xf32>
        %get3A_218 = arith.index_cast %scan3A_188 : i32 to index
        %get3A_219 = arith.constant 16 : index
        %get3A_220 = tpu.vector_load %arg11[%get3A_218, %get3A_219] {strides = array<i32>} : memref<40x128xf32, #tpu.memory_space<vmem>>, vector<1x16xf32>,
        %get3A_221 = vector.shape_cast %get3A_220 : vector<1x16xf32> to vector<16xf32>
        %add3A_222 = arith.addf %get3A_217, %get3A_221 : vector<16xf32>
        %mul3A_223 = arith.constant 2.000000e-01 : f32
        %mul3A_224 = vector.broadcast %mul3A_223 : f32 to vector<16xf32>
        %mul3A_225 = arith.mulf %mul3A_224, %add3A_222 : vector<16xf32>
        %max3A_226 = arith.maximumf %add3A_222, %mul3A_225 : vector<16xf32>
        %exp3A_227 = math.exp %max3A_226 : vector<16xf32>
        %get3A_228 = arith.index_cast %scan3A_188 : i32 to index
        %get3A_229 = arith.constant 16 : index
        %get3A_230 = tpu.vector_load %arg10[%get3A_228, %get3A_229] {strides = array<i32>} : memref<40x128xf32, #tpu.memory_space<vmem>>, vector<1x16xf32>,
        %get3A_231 = vector.shape_cast %get3A_230 : vector<1x16xf32> to vector<16xf32>
        %mul3A_232 = arith.mulf %get3A_231, %exp3A_227 : vector<16xf32>
        %swap3A_233 = arith.index_cast %scan3A_188 : i32 to index
        %swap3A_234 = arith.constant 16 : index
        %swap3A_235 = tpu.vector_load %arg12[%swap3A_233, %swap3A_234] {strides = array<i32>} : memref<40x128xf32, #tpu.memory_space<vmem>>, vector<1x16xf32>,
        %swap3A_236 = vector.shape_cast %swap3A_235 : vector<1x16xf32> to vector<16xf32>
        %swap3A_237 = vector.shape_cast %mul3A_232 : vector<16xf32> to vector<1x16xf32>
        tpu.vector_store %arg12[%swap3A_233, %swap3A_234], %swap3A_237 {strides = array<i32>} : memref<40x128xf32, #tpu.memory_space<vmem>>, vector<1x16xf32>,
        %swap3A_238 = arith.index_cast %scan3A_188 : i32 to index
        %swap3A_239 = arith.constant 80 : index
        %swap3A_240 = tpu.vector_load %arg12[%swap3A_238, %swap3A_239] {strides = array<i32>} : memref<40x128xf32, #tpu.memory_space<vmem>>, vector<1x16xf32>,
        %swap3A_241 = vector.shape_cast %swap3A_240 : vector<1x16xf32> to vector<16xf32>
        %swap3A_242 = vector.shape_cast %exp3A_227 : vector<16xf32> to vector<1x16xf32>
        tpu.vector_store %arg12[%swap3A_238, %swap3A_239], %swap3A_242 {strides = array<i32>} : memref<40x128xf32, #tpu.memory_space<vmem>>, vector<1x16xf32>,
        %get3A_243 = arith.index_cast %scan3A_188 : i32 to index
        %get3A_244 = arith.constant 96 : index
        %get3A_245 = tpu.vector_load %arg10[%get3A_243, %get3A_244] {strides = array<i32>} : memref<40x128xf32, #tpu.memory_space<vmem>>, vector<1x16xf32>,
        %get3A_246 = vector.shape_cast %get3A_245 : vector<1x16xf32> to vector<16xf32>
        %get3A_247 = arith.index_cast %scan3A_188 : i32 to index
        %get3A_248 = arith.constant 32 : index
        %get3A_249 = tpu.vector_load %arg11[%get3A_247, %get3A_248] {strides = array<i32>} : memref<40x128xf32, #tpu.memory_space<vmem>>, vector<1x16xf32>,
        %get3A_250 = vector.shape_cast %get3A_249 : vector<1x16xf32> to vector<16xf32>
        %add3A_251 = arith.addf %get3A_246, %get3A_250 : vector<16xf32>
        %mul3A_252 = arith.constant 2.000000e-01 : f32
        %mul3A_253 = vector.broadcast %mul3A_252 : f32 to vector<16xf32>
        %mul3A_254 = arith.mulf %mul3A_253, %add3A_251 : vector<16xf32>
        %max3A_255 = arith.maximumf %add3A_251, %mul3A_254 : vector<16xf32>
        %exp3A_256 = math.exp %max3A_255 : vector<16xf32>
        %get3A_257 = arith.index_cast %scan3A_188 : i32 to index
        %get3A_258 = arith.constant 32 : index
        %get3A_259 = tpu.vector_load %arg10[%get3A_257, %get3A_258] {strides = array<i32>} : memref<40x128xf32, #tpu.memory_space<vmem>>, vector<1x16xf32>,
        %get3A_260 = vector.shape_cast %get3A_259 : vector<1x16xf32> to vector<16xf32>
        %mul3A_261 = arith.mulf %get3A_260, %exp3A_256 : vector<16xf32>
        %swap3A_262 = arith.index_cast %scan3A_188 : i32 to index
        %swap3A_263 = arith.constant 32 : index
        %swap3A_264 = tpu.vector_load %arg12[%swap3A_262, %swap3A_263] {strides = array<i32>} : memref<40x128xf32, #tpu.memory_space<vmem>>, vector<1x16xf32>,
        %swap3A_265 = vector.shape_cast %swap3A_264 : vector<1x16xf32> to vector<16xf32>
        %swap3A_266 = vector.shape_cast %mul3A_261 : vector<16xf32> to vector<1x16xf32>
        tpu.vector_store %arg12[%swap3A_262, %swap3A_263], %swap3A_266 {strides = array<i32>} : memref<40x128xf32, #tpu.memory_space<vmem>>, vector<1x16xf32>,
        %swap3A_267 = arith.index_cast %scan3A_188 : i32 to index
        %swap3A_268 = arith.constant 96 : index
        %swap3A_269 = tpu.vector_load %arg12[%swap3A_267, %swap3A_268] {strides = array<i32>} : memref<40x128xf32, #tpu.memory_space<vmem>>, vector<1x16xf32>,
        %swap3A_270 = vector.shape_cast %swap3A_269 : vector<1x16xf32> to vector<16xf32>
        %swap3A_271 = vector.shape_cast %exp3A_256 : vector<16xf32> to vector<1x16xf32>
        tpu.vector_store %arg12[%swap3A_267, %swap3A_268], %swap3A_271 {strides = array<i32>} : memref<40x128xf32, #tpu.memory_space<vmem>>, vector<1x16xf32>,
        %get3A_272 = arith.index_cast %scan3A_188 : i32 to index
        %get3A_273 = arith.constant 112 : index
        %get3A_274 = tpu.vector_load %arg10[%get3A_272, %get3A_273] {strides = array<i32>} : memref<40x128xf32, #tpu.memory_space<vmem>>, vector<1x16xf32>,
        %get3A_275 = vector.shape_cast %get3A_274 : vector<1x16xf32> to vector<16xf32>
        %get3A_276 = arith.index_cast %scan3A_188 : i32 to index
        %get3A_277 = arith.constant 48 : index
        %get3A_278 = tpu.vector_load %arg11[%get3A_276, %get3A_277] {strides = array<i32>} : memref<40x128xf32, #tpu.memory_space<vmem>>, vector<1x16xf32>,
        %get3A_279 = vector.shape_cast %get3A_278 : vector<1x16xf32> to vector<16xf32>
        %add3A_280 = arith.addf %get3A_275, %get3A_279 : vector<16xf32>
        %mul3A_281 = arith.constant 2.000000e-01 : f32
        %mul3A_282 = vector.broadcast %mul3A_281 : f32 to vector<16xf32>
        %mul3A_283 = arith.mulf %mul3A_282, %add3A_280 : vector<16xf32>
        %max3A_284 = arith.maximumf %add3A_280, %mul3A_283 : vector<16xf32>
        %exp3A_285 = math.exp %max3A_284 : vector<16xf32>
        %get3A_286 = arith.index_cast %scan3A_188 : i32 to index
        %get3A_287 = arith.constant 48 : index
        %get3A_288 = tpu.vector_load %arg10[%get3A_286, %get3A_287] {strides = array<i32>} : memref<40x128xf32, #tpu.memory_space<vmem>>, vector<1x16xf32>,
        %get3A_289 = vector.shape_cast %get3A_288 : vector<1x16xf32> to vector<16xf32>
        %mul3A_290 = arith.mulf %get3A_289, %exp3A_285 : vector<16xf32>
        %swap3A_291 = arith.index_cast %scan3A_188 : i32 to index
        %swap3A_292 = arith.constant 48 : index
        %swap3A_293 = tpu.vector_load %arg12[%swap3A_291, %swap3A_292] {strides = array<i32>} : memref<40x128xf32, #tpu.memory_space<vmem>>, vector<1x16xf32>,
        %swap3A_294 = vector.shape_cast %swap3A_293 : vector<1x16xf32> to vector<16xf32>
        %swap3A_295 = vector.shape_cast %mul3A_290 : vector<16xf32> to vector<1x16xf32>
        tpu.vector_store %arg12[%swap3A_291, %swap3A_292], %swap3A_295 {strides = array<i32>} : memref<40x128xf32, #tpu.memory_space<vmem>>, vector<1x16xf32>,
        %swap3A_296 = arith.index_cast %scan3A_188 : i32 to index
        %swap3A_297 = arith.constant 112 : index
        %swap3A_298 = tpu.vector_load %arg12[%swap3A_296, %swap3A_297] {strides = array<i32>} : memref<40x128xf32, #tpu.memory_space<vmem>>, vector<1x16xf32>,
        %swap3A_299 = vector.shape_cast %swap3A_298 : vector<1x16xf32> to vector<16xf32>
        %swap3A_300 = vector.shape_cast %exp3A_285 : vector<16xf32> to vector<1x16xf32>
        tpu.vector_store %arg12[%swap3A_296, %swap3A_297], %swap3A_300 {strides = array<i32>} : memref<40x128xf32, #tpu.memory_space<vmem>>, vector<1x16xf32>,
      }
      %scan3A_146 = arith.constant 40 : i32
      %dma_start3A_147 = arith.constant 48 : i32
      %dma_start3A_148 = arith.constant 0 : i32
      %dma_start3A_149 = tpu.memref_slice %arg9[%dma_start3A_147, %dma_start3A_148] : memref<50x40xi32, #tpu.memory_space<vmem>> -> memref<1x40xi32, #tpu.memory_space<vmem>>
      %dma_start3A_150 = tpu.memref_squeeze %dma_start3A_149 : memref<1x40xi32, #tpu.memory_space<vmem>> -> memref<40xi32, #tpu.memory_space<vmem>>
      %dma_start3A_151 = arith.constant 0 : i32
      %dma_start3A_152 = arith.constant 0 : i32
      %dma_start3A_153 = tpu.memref_slice %arg16[%dma_start3A_151, %dma_start3A_152] : memref<10240x128xf32, #tpu.memory_space<vmem_shared>> -> memref<10240x128xf32, #tpu.memory_space<vmem_shared>>
      tpu.enqueue_indirect_dma source(%arg12 : memref<40x128xf32, #tpu.memory_space<vmem>>) target(%dma_start3A_153 : memref<10240x128xf32, #tpu.memory_space<vmem_shared>>) offsets(%dma_start3A_150 : memref<40xi32, #tpu.memory_space<vmem>>) semaphore(%arg19 : memref<!tpu.dma_semaphore, #tpu.memory_space<semaphore_mem>>) {add = true}
      %dma_wait3A_154 = arith.constant 0 : i32
      %dma_wait3A_155 = arith.constant 0 : i32
      %dma_wait3A_156 = tpu.memref_slice %arg4[%dma_wait3A_154, %dma_wait3A_155] : memref<10000x128xf32, #tpu.memory_space<hbm>> -> memref<40x128xf32, #tpu.memory_space<hbm>>
      %dma_wait3A_157 = arith.constant 0 : i32
      %dma_wait3A_158 = arith.constant 0 : i32
      %dma_wait3A_159 = tpu.memref_slice %arg4[%dma_wait3A_157, %dma_wait3A_158] : memref<10000x128xf32, #tpu.memory_space<hbm>> -> memref<40x128xf32, #tpu.memory_space<hbm>>
      tpu.wait_dma2 semaphore(%arg20 : memref<!tpu.dma_semaphore, #tpu.memory_space<semaphore_mem>>) src(%dma_wait3A_159 : memref<40x128xf32, #tpu.memory_space<hbm>>) dst(%arg13 : memref<40x128xf32, #tpu.memory_space<vmem>>)
      %dma_wait3A_160 = arith.constant 0 : i32
      %dma_wait3A_161 = arith.constant 0 : i32
      %dma_wait3A_162 = tpu.memref_slice %arg5[%dma_wait3A_160, %dma_wait3A_161] : memref<10000x128xf32, #tpu.memory_space<hbm>> -> memref<40x128xf32, #tpu.memory_space<hbm>>
      %dma_wait3A_163 = arith.constant 0 : i32
      %dma_wait3A_164 = arith.constant 0 : i32
      %dma_wait3A_165 = tpu.memref_slice %arg5[%dma_wait3A_163, %dma_wait3A_164] : memref<10000x128xf32, #tpu.memory_space<hbm>> -> memref<40x128xf32, #tpu.memory_space<hbm>>
      tpu.wait_dma2 semaphore(%arg21 : memref<!tpu.dma_semaphore, #tpu.memory_space<semaphore_mem>>) src(%dma_wait3A_165 : memref<40x128xf32, #tpu.memory_space<hbm>>) dst(%arg14 : memref<40x128xf32, #tpu.memory_space<vmem>>)
      %dma_wait3A_166 = arith.constant 0 : i32
      %dma_wait3A_167 = arith.constant 0 : i32
      %dma_wait3A_168 = arith.constant 0 : i32
      %dma_wait3A_169 = tpu.memref_slice %arg6[%dma_wait3A_166, %dma_wait3A_167, %dma_wait3A_168] : memref<2x10240x128xf32, #tpu.memory_space<hbm>> -> memref<1x40x128xf32, #tpu.memory_space<hbm>>
      %dma_wait3A_170 = tpu.memref_squeeze %dma_wait3A_169 : memref<1x40x128xf32, #tpu.memory_space<hbm>> -> memref<40x128xf32, #tpu.memory_space<hbm>>
      %dma_wait3A_171 = arith.constant 0 : i32
      %dma_wait3A_172 = arith.constant 0 : i32
      %dma_wait3A_173 = tpu.memref_slice %arg6[%dma_wait3A_166, %dma_wait3A_171, %dma_wait3A_172] : memref<2x10240x128xf32, #tpu.memory_space<hbm>> -> memref<1x40x128xf32, #tpu.memory_space<hbm>>
      %dma_wait3A_174 = tpu.memref_squeeze %dma_wait3A_173 : memref<1x40x128xf32, #tpu.memory_space<hbm>> -> memref<40x128xf32, #tpu.memory_space<hbm>>
      tpu.wait_dma2 semaphore(%arg22 : memref<!tpu.dma_semaphore, #tpu.memory_space<semaphore_mem>>) src(%dma_wait3A_174 : memref<40x128xf32, #tpu.memory_space<hbm>>) dst(%arg15 : memref<40x128xf32, #tpu.memory_space<vmem>>)
      %scan3A_175 = arith.constant 0 : i32
      %scan3A_176 = arith.constant 0 : i32
      %scan3A_177 = arith.constant 40 : i32
      %scan3A_178 = arith.addi %scan3A_176, %scan3A_177 : i32
      %scan3A_179 = arith.constant 1 : i32
      scf.for %scan3A_188 = %scan3A_176 to %scan3A_178 step %scan3A_179  : i32 {
        %get3A = arith.index_cast %scan3A_188 : i32 to index
        %get3A_189 = arith.constant 64 : index
        %get3A_190 = tpu.vector_load %arg13[%get3A, %get3A_189] {strides = array<i32>} : memref<40x128xf32, #tpu.memory_space<vmem>>, vector<1x16xf32>,
        %get3A_191 = vector.shape_cast %get3A_190 : vector<1x16xf32> to vector<16xf32>
        %get3A_192 = arith.index_cast %scan3A_188 : i32 to index
        %get3A_193 = arith.constant 0 : index
        %get3A_194 = tpu.vector_load %arg14[%get3A_192, %get3A_193] {strides = array<i32>} : memref<40x128xf32, #tpu.memory_space<vmem>>, vector<1x16xf32>,
        %get3A_195 = vector.shape_cast %get3A_194 : vector<1x16xf32> to vector<16xf32>
        %add3A_196 = arith.addf %get3A_191, %get3A_195 : vector<16xf32>
        %mul3A_197 = arith.constant 2.000000e-01 : f32
        %mul3A_198 = vector.broadcast %mul3A_197 : f32 to vector<16xf32>
        %mul3A_199 = arith.mulf %mul3A_198, %add3A_196 : vector<16xf32>
        %max3A = arith.maximumf %add3A_196, %mul3A_199 : vector<16xf32>
        %exp3A = math.exp %max3A : vector<16xf32>
        %get3A_200 = arith.index_cast %scan3A_188 : i32 to index
        %get3A_201 = arith.constant 0 : index
        %get3A_202 = tpu.vector_load %arg13[%get3A_200, %get3A_201] {strides = array<i32>} : memref<40x128xf32, #tpu.memory_space<vmem>>, vector<1x16xf32>,
        %get3A_203 = vector.shape_cast %get3A_202 : vector<1x16xf32> to vector<16xf32>
        %mul3A_204 = arith.mulf %get3A_203, %exp3A : vector<16xf32>
        %swap3A = arith.index_cast %scan3A_188 : i32 to index
        %swap3A_205 = arith.constant 0 : index
        %swap3A_206 = tpu.vector_load %arg15[%swap3A, %swap3A_205] {strides = array<i32>} : memref<40x128xf32, #tpu.memory_space<vmem>>, vector<1x16xf32>,
        %swap3A_207 = vector.shape_cast %swap3A_206 : vector<1x16xf32> to vector<16xf32>
        %swap3A_208 = vector.shape_cast %mul3A_204 : vector<16xf32> to vector<1x16xf32>
        tpu.vector_store %arg15[%swap3A, %swap3A_205], %swap3A_208 {strides = array<i32>} : memref<40x128xf32, #tpu.memory_space<vmem>>, vector<1x16xf32>,
        %swap3A_209 = arith.index_cast %scan3A_188 : i32 to index
        %swap3A_210 = arith.constant 64 : index
        %swap3A_211 = tpu.vector_load %arg15[%swap3A_209, %swap3A_210] {strides = array<i32>} : memref<40x128xf32, #tpu.memory_space<vmem>>, vector<1x16xf32>,
        %swap3A_212 = vector.shape_cast %swap3A_211 : vector<1x16xf32> to vector<16xf32>
        %swap3A_213 = vector.shape_cast %exp3A : vector<16xf32> to vector<1x16xf32>
        tpu.vector_store %arg15[%swap3A_209, %swap3A_210], %swap3A_213 {strides = array<i32>} : memref<40x128xf32, #tpu.memory_space<vmem>>, vector<1x16xf32>,
        %get3A_214 = arith.index_cast %scan3A_188 : i32 to index
        %get3A_215 = arith.constant 80 : index
        %get3A_216 = tpu.vector_load %arg13[%get3A_214, %get3A_215] {strides = array<i32>} : memref<40x128xf32, #tpu.memory_space<vmem>>, vector<1x16xf32>,
        %get3A_217 = vector.shape_cast %get3A_216 : vector<1x16xf32> to vector<16xf32>
        %get3A_218 = arith.index_cast %scan3A_188 : i32 to index
        %get3A_219 = arith.constant 16 : index
        %get3A_220 = tpu.vector_load %arg14[%get3A_218, %get3A_219] {strides = array<i32>} : memref<40x128xf32, #tpu.memory_space<vmem>>, vector<1x16xf32>,
        %get3A_221 = vector.shape_cast %get3A_220 : vector<1x16xf32> to vector<16xf32>
        %add3A_222 = arith.addf %get3A_217, %get3A_221 : vector<16xf32>
        %mul3A_223 = arith.constant 2.000000e-01 : f32
        %mul3A_224 = vector.broadcast %mul3A_223 : f32 to vector<16xf32>
        %mul3A_225 = arith.mulf %mul3A_224, %add3A_222 : vector<16xf32>
        %max3A_226 = arith.maximumf %add3A_222, %mul3A_225 : vector<16xf32>
        %exp3A_227 = math.exp %max3A_226 : vector<16xf32>
        %get3A_228 = arith.index_cast %scan3A_188 : i32 to index
        %get3A_229 = arith.constant 16 : index
        %get3A_230 = tpu.vector_load %arg13[%get3A_228, %get3A_229] {strides = array<i32>} : memref<40x128xf32, #tpu.memory_space<vmem>>, vector<1x16xf32>,
        %get3A_231 = vector.shape_cast %get3A_230 : vector<1x16xf32> to vector<16xf32>
        %mul3A_232 = arith.mulf %get3A_231, %exp3A_227 : vector<16xf32>
        %swap3A_233 = arith.index_cast %scan3A_188 : i32 to index
        %swap3A_234 = arith.constant 16 : index
        %swap3A_235 = tpu.vector_load %arg15[%swap3A_233, %swap3A_234] {strides = array<i32>} : memref<40x128xf32, #tpu.memory_space<vmem>>, vector<1x16xf32>,
        %swap3A_236 = vector.shape_cast %swap3A_235 : vector<1x16xf32> to vector<16xf32>
        %swap3A_237 = vector.shape_cast %mul3A_232 : vector<16xf32> to vector<1x16xf32>
        tpu.vector_store %arg15[%swap3A_233, %swap3A_234], %swap3A_237 {strides = array<i32>} : memref<40x128xf32, #tpu.memory_space<vmem>>, vector<1x16xf32>,
        %swap3A_238 = arith.index_cast %scan3A_188 : i32 to index
        %swap3A_239 = arith.constant 80 : index
        %swap3A_240 = tpu.vector_load %arg15[%swap3A_238, %swap3A_239] {strides = array<i32>} : memref<40x128xf32, #tpu.memory_space<vmem>>, vector<1x16xf32>,
        %swap3A_241 = vector.shape_cast %swap3A_240 : vector<1x16xf32> to vector<16xf32>
        %swap3A_242 = vector.shape_cast %exp3A_227 : vector<16xf32> to vector<1x16xf32>
        tpu.vector_store %arg15[%swap3A_238, %swap3A_239], %swap3A_242 {strides = array<i32>} : memref<40x128xf32, #tpu.memory_space<vmem>>, vector<1x16xf32>,
        %get3A_243 = arith.index_cast %scan3A_188 : i32 to index
        %get3A_244 = arith.constant 96 : index
        %get3A_245 = tpu.vector_load %arg13[%get3A_243, %get3A_244] {strides = array<i32>} : memref<40x128xf32, #tpu.memory_space<vmem>>, vector<1x16xf32>,
        %get3A_246 = vector.shape_cast %get3A_245 : vector<1x16xf32> to vector<16xf32>
        %get3A_247 = arith.index_cast %scan3A_188 : i32 to index
        %get3A_248 = arith.constant 32 : index
        %get3A_249 = tpu.vector_load %arg14[%get3A_247, %get3A_248] {strides = array<i32>} : memref<40x128xf32, #tpu.memory_space<vmem>>, vector<1x16xf32>,
        %get3A_250 = vector.shape_cast %get3A_249 : vector<1x16xf32> to vector<16xf32>
        %add3A_251 = arith.addf %get3A_246, %get3A_250 : vector<16xf32>
        %mul3A_252 = arith.constant 2.000000e-01 : f32
        %mul3A_253 = vector.broadcast %mul3A_252 : f32 to vector<16xf32>
        %mul3A_254 = arith.mulf %mul3A_253, %add3A_251 : vector<16xf32>
        %max3A_255 = arith.maximumf %add3A_251, %mul3A_254 : vector<16xf32>
        %exp3A_256 = math.exp %max3A_255 : vector<16xf32>
        %get3A_257 = arith.index_cast %scan3A_188 : i32 to index
        %get3A_258 = arith.constant 32 : index
        %get3A_259 = tpu.vector_load %arg13[%get3A_257, %get3A_258] {strides = array<i32>} : memref<40x128xf32, #tpu.memory_space<vmem>>, vector<1x16xf32>,
        %get3A_260 = vector.shape_cast %get3A_259 : vector<1x16xf32> to vector<16xf32>
        %mul3A_261 = arith.mulf %get3A_260, %exp3A_256 : vector<16xf32>
        %swap3A_262 = arith.index_cast %scan3A_188 : i32 to index
        %swap3A_263 = arith.constant 32 : index
        %swap3A_264 = tpu.vector_load %arg15[%swap3A_262, %swap3A_263] {strides = array<i32>} : memref<40x128xf32, #tpu.memory_space<vmem>>, vector<1x16xf32>,
        %swap3A_265 = vector.shape_cast %swap3A_264 : vector<1x16xf32> to vector<16xf32>
        %swap3A_266 = vector.shape_cast %mul3A_261 : vector<16xf32> to vector<1x16xf32>
        tpu.vector_store %arg15[%swap3A_262, %swap3A_263], %swap3A_266 {strides = array<i32>} : memref<40x128xf32, #tpu.memory_space<vmem>>, vector<1x16xf32>,
        %swap3A_267 = arith.index_cast %scan3A_188 : i32 to index
        %swap3A_268 = arith.constant 96 : index
        %swap3A_269 = tpu.vector_load %arg15[%swap3A_267, %swap3A_268] {strides = array<i32>} : memref<40x128xf32, #tpu.memory_space<vmem>>, vector<1x16xf32>,
        %swap3A_270 = vector.shape_cast %swap3A_269 : vector<1x16xf32> to vector<16xf32>
        %swap3A_271 = vector.shape_cast %exp3A_256 : vector<16xf32> to vector<1x16xf32>
        tpu.vector_store %arg15[%swap3A_267, %swap3A_268], %swap3A_271 {strides = array<i32>} : memref<40x128xf32, #tpu.memory_space<vmem>>, vector<1x16xf32>,
        %get3A_272 = arith.index_cast %scan3A_188 : i32 to index
        %get3A_273 = arith.constant 112 : index
        %get3A_274 = tpu.vector_load %arg13[%get3A_272, %get3A_273] {strides = array<i32>} : memref<40x128xf32, #tpu.memory_space<vmem>>, vector<1x16xf32>,
        %get3A_275 = vector.shape_cast %get3A_274 : vector<1x16xf32> to vector<16xf32>
        %get3A_276 = arith.index_cast %scan3A_188 : i32 to index
        %get3A_277 = arith.constant 48 : index
        %get3A_278 = tpu.vector_load %arg14[%get3A_276, %get3A_277] {strides = array<i32>} : memref<40x128xf32, #tpu.memory_space<vmem>>, vector<1x16xf32>,
        %get3A_279 = vector.shape_cast %get3A_278 : vector<1x16xf32> to vector<16xf32>
        %add3A_280 = arith.addf %get3A_275, %get3A_279 : vector<16xf32>
        %mul3A_281 = arith.constant 2.000000e-01 : f32
        %mul3A_282 = vector.broadcast %mul3A_281 : f32 to vector<16xf32>
        %mul3A_283 = arith.mulf %mul3A_282, %add3A_280 : vector<16xf32>
        %max3A_284 = arith.maximumf %add3A_280, %mul3A_283 : vector<16xf32>
        %exp3A_285 = math.exp %max3A_284 : vector<16xf32>
        %get3A_286 = arith.index_cast %scan3A_188 : i32 to index
        %get3A_287 = arith.constant 48 : index
        %get3A_288 = tpu.vector_load %arg13[%get3A_286, %get3A_287] {strides = array<i32>} : memref<40x128xf32, #tpu.memory_space<vmem>>, vector<1x16xf32>,
        %get3A_289 = vector.shape_cast %get3A_288 : vector<1x16xf32> to vector<16xf32>
        %mul3A_290 = arith.mulf %get3A_289, %exp3A_285 : vector<16xf32>
        %swap3A_291 = arith.index_cast %scan3A_188 : i32 to index
        %swap3A_292 = arith.constant 48 : index
        %swap3A_293 = tpu.vector_load %arg15[%swap3A_291, %swap3A_292] {strides = array<i32>} : memref<40x128xf32, #tpu.memory_space<vmem>>, vector<1x16xf32>,
        %swap3A_294 = vector.shape_cast %swap3A_293 : vector<1x16xf32> to vector<16xf32>
        %swap3A_295 = vector.shape_cast %mul3A_290 : vector<16xf32> to vector<1x16xf32>
        tpu.vector_store %arg15[%swap3A_291, %swap3A_292], %swap3A_295 {strides = array<i32>} : memref<40x128xf32, #tpu.memory_space<vmem>>, vector<1x16xf32>,
        %swap3A_296 = arith.index_cast %scan3A_188 : i32 to index
        %swap3A_297 = arith.constant 112 : index
        %swap3A_298 = tpu.vector_load %arg15[%swap3A_296, %swap3A_297] {strides = array<i32>} : memref<40x128xf32, #tpu.memory_space<vmem>>, vector<1x16xf32>,
        %swap3A_299 = vector.shape_cast %swap3A_298 : vector<1x16xf32> to vector<16xf32>
        %swap3A_300 = vector.shape_cast %exp3A_285 : vector<16xf32> to vector<1x16xf32>
        tpu.vector_store %arg15[%swap3A_296, %swap3A_297], %swap3A_300 {strides = array<i32>} : memref<40x128xf32, #tpu.memory_space<vmem>>, vector<1x16xf32>,
      }
      %scan3A_180 = arith.constant 40 : i32
      %dma_start3A_181 = arith.constant 49 : i32
      %dma_start3A_182 = arith.constant 0 : i32
      %dma_start3A_183 = tpu.memref_slice %arg9[%dma_start3A_181, %dma_start3A_182] : memref<50x40xi32, #tpu.memory_space<vmem>> -> memref<1x40xi32, #tpu.memory_space<vmem>>
      %dma_start3A_184 = tpu.memref_squeeze %dma_start3A_183 : memref<1x40xi32, #tpu.memory_space<vmem>> -> memref<40xi32, #tpu.memory_space<vmem>>
      %dma_start3A_185 = arith.constant 0 : i32
      %dma_start3A_186 = arith.constant 0 : i32
      %dma_start3A_187 = tpu.memref_slice %arg16[%dma_start3A_185, %dma_start3A_186] : memref<10240x128xf32, #tpu.memory_space<vmem_shared>> -> memref<10240x128xf32, #tpu.memory_space<vmem_shared>>
      tpu.enqueue_indirect_dma source(%arg15 : memref<40x128xf32, #tpu.memory_space<vmem>>) target(%dma_start3A_187 : memref<10240x128xf32, #tpu.memory_space<vmem_shared>>) offsets(%dma_start3A_184 : memref<40xi32, #tpu.memory_space<vmem>>) semaphore(%arg22 : memref<!tpu.dma_semaphore, #tpu.memory_space<semaphore_mem>>) {add = true}
    }
    %scan3A_26 = arith.constant 5 : i32
    %dma_wait3A = arith.constant 0 : i32
    %dma_wait3A_27 = arith.constant 0 : i32
    %dma_wait3A_28 = arith.constant 0 : i32
    %dma_wait3A_29 = tpu.memref_slice %arg6[%dma_wait3A, %dma_wait3A_27, %dma_wait3A_28] : memref<2x10240x128xf32, #tpu.memory_space<hbm>> -> memref<1x40x128xf32, #tpu.memory_space<hbm>>
    %dma_wait3A_30 = tpu.memref_squeeze %dma_wait3A_29 : memref<1x40x128xf32, #tpu.memory_space<hbm>> -> memref<40x128xf32, #tpu.memory_space<hbm>>
    %dma_wait3A_31 = arith.constant 0 : i32
    %dma_wait3A_32 = arith.constant 0 : i32
    %dma_wait3A_33 = tpu.memref_slice %arg6[%dma_wait3A, %dma_wait3A_31, %dma_wait3A_32] : memref<2x10240x128xf32, #tpu.memory_space<hbm>> -> memref<1x40x128xf32, #tpu.memory_space<hbm>>
    %dma_wait3A_34 = tpu.memref_squeeze %dma_wait3A_33 : memref<1x40x128xf32, #tpu.memory_space<hbm>> -> memref<40x128xf32, #tpu.memory_space<hbm>>
    tpu.wait_dma2 semaphore(%arg19 : memref<!tpu.dma_semaphore, #tpu.memory_space<semaphore_mem>>) src(%dma_wait3A_34 : memref<40x128xf32, #tpu.memory_space<hbm>>) dst(%arg12 : memref<40x128xf32, #tpu.memory_space<vmem>>)
    %dma_wait3A_35 = arith.constant 0 : i32
    %dma_wait3A_36 = arith.constant 0 : i32
    %dma_wait3A_37 = arith.constant 0 : i32
    %dma_wait3A_38 = tpu.memref_slice %arg6[%dma_wait3A_35, %dma_wait3A_36, %dma_wait3A_37] : memref<2x10240x128xf32, #tpu.memory_space<hbm>> -> memref<1x40x128xf32, #tpu.memory_space<hbm>>
    %dma_wait3A_39 = tpu.memref_squeeze %dma_wait3A_38 : memref<1x40x128xf32, #tpu.memory_space<hbm>> -> memref<40x128xf32, #tpu.memory_space<hbm>>
    %dma_wait3A_40 = arith.constant 0 : i32
    %dma_wait3A_41 = arith.constant 0 : i32
    %dma_wait3A_42 = tpu.memref_slice %arg6[%dma_wait3A_35, %dma_wait3A_40, %dma_wait3A_41] : memref<2x10240x128xf32, #tpu.memory_space<hbm>> -> memref<1x40x128xf32, #tpu.memory_space<hbm>>
    %dma_wait3A_43 = tpu.memref_squeeze %dma_wait3A_42 : memref<1x40x128xf32, #tpu.memory_space<hbm>> -> memref<40x128xf32, #tpu.memory_space<hbm>>
    tpu.wait_dma2 semaphore(%arg22 : memref<!tpu.dma_semaphore, #tpu.memory_space<semaphore_mem>>) src(%dma_wait3A_43 : memref<40x128xf32, #tpu.memory_space<hbm>>) dst(%arg15 : memref<40x128xf32, #tpu.memory_space<vmem>>)
    %barrier3A_44 = arith.constant 0 : index
    tpu.barrier barrier_id(%barrier3A_44)
    %mul3A_45 = arith.constant 640 : i32
    %mul3A_46 = arith.muli %arg1, %mul3A_45 : i32
    %mul3A_47 = arith.constant 640 : i32
    %mul3A_48 = arith.muli %arg1, %mul3A_47 : i32
    "tpu.region"() ({
      %run_scoped3A = tpu.sem_alloc : memref<!tpu.dma_semaphore, #tpu.memory_space<semaphore_mem>>
      %dma_start3A_49 = arith.constant 0 : i32
      %dma_start3A_50 = tpu.memref_slice %arg7[%arg0, %mul3A_48, %dma_start3A_49] : memref<2x10240x128xf32, #tpu.memory_space<hbm>> -> memref<1x640x128xf32, #tpu.memory_space<hbm>>
      %dma_start3A_51 = tpu.memref_squeeze %dma_start3A_50 : memref<1x640x128xf32, #tpu.memory_space<hbm>> -> memref<640x128xf32, #tpu.memory_space<hbm>>
      %dma_start3A_52 = arith.constant 0 : i32
      %dma_start3A_53 = tpu.memref_slice %arg16[%mul3A_46, %dma_start3A_52] : memref<10240x128xf32, #tpu.memory_space<vmem_shared>> -> memref<640x128xf32, #tpu.memory_space<vmem_shared>>
      tpu.enqueue_dma source(%dma_start3A_53 : memref<640x128xf32, #tpu.memory_space<vmem_shared>>) target(%dma_start3A_51 : memref<640x128xf32, #tpu.memory_space<hbm>>) target_semaphore(%run_scoped3A : memref<!tpu.dma_semaphore, #tpu.memory_space<semaphore_mem>>)
      %dma_wait3A_54 = arith.constant 0 : i32
      %dma_wait3A_55 = tpu.memref_slice %arg7[%arg0, %mul3A_48, %dma_wait3A_54] : memref<2x10240x128xf32, #tpu.memory_space<hbm>> -> memref<1x640x128xf32, #tpu.memory_space<hbm>>
      %dma_wait3A_56 = tpu.memref_squeeze %dma_wait3A_55 : memref<1x640x128xf32, #tpu.memory_space<hbm>> -> memref<640x128xf32, #tpu.memory_space<hbm>>
      %dma_wait3A_57 = arith.constant 0 : i32
      %dma_wait3A_58 = tpu.memref_slice %arg16[%mul3A_46, %dma_wait3A_57] : memref<10240x128xf32, #tpu.memory_space<vmem_shared>> -> memref<640x128xf32, #tpu.memory_space<vmem_shared>>
      tpu.wait_dma2 semaphore(%run_scoped3A : memref<!tpu.dma_semaphore, #tpu.memory_space<semaphore_mem>>) src(%dma_wait3A_58 : memref<640x128xf32, #tpu.memory_space<vmem_shared>>) dst(%dma_wait3A_56 : memref<640x128xf32, #tpu.memory_space<hbm>>)
      tpu.yield
    }) : () -> ()
    return
  }
}

module attributes {stable_mosaic.version = 14 : i64} {
  func.func @_prep1_body(%arg0: i32, %arg1: memref<2000x128xf32, #tpu.memory_space<vmem>>, %arg2: memref<128x64xf32, #tpu.memory_space<vmem>>, %arg3: memref<64x64xf32, #tpu.memory_space<vmem>>, %arg4: memref<64x64xf32, #tpu.memory_space<vmem>>, %arg5: memref<2000x128xf32, #tpu.memory_space<vmem>>, %arg6: memref<2000x128xf32, #tpu.memory_space<vmem>>, %arg7: memref<2000x128xf32, #tpu.memory_space<vmem>>) attributes {dimension_semantics = [#tpu.dimension_semantics<arbitrary>], iteration_bounds = array<i64: 5>, scalar_prefetch = 0 : i64, scratch_operands = 0 : i64, tpu.core_type = #tpu.core_type<tc>, window_params = [{transform_indices = @transform_0, window_bounds = array<i64: 2000, 128>}, {pipeline_mode = #tpu.pipeline_mode<synchronous>, transform_indices = @transform_1, window_bounds = array<i64: 128, 64>}, {pipeline_mode = #tpu.pipeline_mode<synchronous>, transform_indices = @transform_2, window_bounds = array<i64: 64, 64>}, {pipeline_mode = #tpu.pipeline_mode<synchronous>, transform_indices = @transform_3, window_bounds = array<i64: 64, 64>}, {transform_indices = @transform_4, window_bounds = array<i64: 2000, 128>}, {transform_indices = @transform_5, window_bounds = array<i64: 2000, 128>}, {transform_indices = @transform_6, window_bounds = array<i64: 2000, 128>}]} {
    %get3A = arith.constant 0 : index
    %get3A_0 = arith.constant 0 : index
    %get3A_1 = vector.load %arg1[%get3A, %get3A_0] : memref<2000x128xf32, #tpu.memory_space<vmem>>, vector<2000x128xf32>
    %get3A_2 = arith.constant 0 : index
    %get3A_3 = arith.constant 0 : index
    %get3A_4 = vector.load %arg2[%get3A_2, %get3A_3] : memref<128x64xf32, #tpu.memory_space<vmem>>, vector<128x64xf32>
    %dot_general3A = arith.constant dense<0.000000e+00> : vector<2000x64xf32>
    %dot_general3A_5 = tpu.matmul %get3A_1, %get3A_4, %dot_general3A {dimension_numbers = #tpu.dot_dimension_numbers<[1], [0], [0], [1], [0, 0, 1, 1], [], []>, transpose_lhs_hint = false} : vector<2000x128xf32>, vector<128x64xf32>, vector<2000x64xf32> -> vector<2000x64xf32>
    %get3A_6 = arith.constant 0 : index
    %get3A_7 = arith.constant 0 : index
    %get3A_8 = vector.load %arg3[%get3A_6, %get3A_7] : memref<64x64xf32, #tpu.memory_space<vmem>>, vector<64x64xf32>
    %dot_general3A_9 = arith.constant dense<0.000000e+00> : vector<2000x64xf32>
    %dot_general3A_10 = tpu.matmul %dot_general3A_5, %get3A_8, %dot_general3A_9 {dimension_numbers = #tpu.dot_dimension_numbers<[1], [0], [0], [1], [0, 0, 1, 1], [], []>, transpose_lhs_hint = false} : vector<2000x64xf32>, vector<64x64xf32>, vector<2000x64xf32> -> vector<2000x64xf32>
    %get3A_11 = arith.constant 0 : index
    %get3A_12 = arith.constant 0 : index
    %get3A_13 = vector.load %arg4[%get3A_11, %get3A_12] : memref<64x64xf32, #tpu.memory_space<vmem>>, vector<64x64xf32>
    %dot_general3A_14 = arith.constant dense<0.000000e+00> : vector<2000x64xf32>
    %dot_general3A_15 = tpu.matmul %dot_general3A_5, %get3A_13, %dot_general3A_14 {dimension_numbers = #tpu.dot_dimension_numbers<[1], [0], [0], [1], [0, 0, 1, 1], [], []>, transpose_lhs_hint = false} : vector<2000x64xf32>, vector<64x64xf32>, vector<2000x64xf32> -> vector<2000x64xf32>
    %add3A = arith.addf %dot_general3A_10, %dot_general3A_15 : vector<2000x64xf32>
    %mul3A = arith.constant 2.000000e-01 : f32
    %mul3A_16 = vector.broadcast %mul3A : f32 to vector<2000x64xf32>
    %mul3A_17 = arith.mulf %mul3A_16, %add3A : vector<2000x64xf32>
    %max3A = arith.maximumf %add3A, %mul3A_17 : vector<2000x64xf32>
    %exp3A = math.exp %max3A : vector<2000x64xf32>
    %concatenate3A = tpu.concatenate %dot_general3A_5, %dot_general3A_10 in 1 : vector<2000x64xf32>, vector<2000x64xf32> -> vector<2000x128xf32>
    %swap3A = arith.constant 0 : index
    %swap3A_18 = arith.constant 0 : index
    %swap3A_19 = vector.load %arg5[%swap3A, %swap3A_18] : memref<2000x128xf32, #tpu.memory_space<vmem>>, vector<2000x128xf32>
    tpu.vector_store %arg5[%swap3A, %swap3A_18], %concatenate3A {strides = array<i32>} : memref<2000x128xf32, #tpu.memory_space<vmem>>, vector<2000x128xf32>,
    %concatenate3A_20 = tpu.concatenate %dot_general3A_15, %dot_general3A_15 in 1 : vector<2000x64xf32>, vector<2000x64xf32> -> vector<2000x128xf32>
    %swap3A_21 = arith.constant 0 : index
    %swap3A_22 = arith.constant 0 : index
    %swap3A_23 = vector.load %arg6[%swap3A_21, %swap3A_22] : memref<2000x128xf32, #tpu.memory_space<vmem>>, vector<2000x128xf32>
    tpu.vector_store %arg6[%swap3A_21, %swap3A_22], %concatenate3A_20 {strides = array<i32>} : memref<2000x128xf32, #tpu.memory_space<vmem>>, vector<2000x128xf32>,
    %mul3A_24 = arith.mulf %exp3A, %dot_general3A_5 : vector<2000x64xf32>
    %concatenate3A_25 = tpu.concatenate %mul3A_24, %exp3A in 1 : vector<2000x64xf32>, vector<2000x64xf32> -> vector<2000x128xf32>
    %swap3A_26 = arith.constant 0 : index
    %swap3A_27 = arith.constant 0 : index
    %swap3A_28 = vector.load %arg7[%swap3A_26, %swap3A_27] : memref<2000x128xf32, #tpu.memory_space<vmem>>, vector<2000x128xf32>
    tpu.vector_store %arg7[%swap3A_26, %swap3A_27], %concatenate3A_25 {strides = array<i32>} : memref<2000x128xf32, #tpu.memory_space<vmem>>, vector<2000x128xf32>,
    return
  }
  func.func @transform_0(%arg0: i32) -> (i32, i32) {
    %c0_i32 = arith.constant 0 : i32
    %c0_i32_0 = arith.constant 0 : i32
    return %arg0, %c0_i32 : i32, i32
  }
  func.func @transform_1(%arg0: i32) -> (i32, i32) {
    %c0_i32 = arith.constant 0 : i32
    %c0_i32_0 = arith.constant 0 : i32
    %c0_i32_1 = arith.constant 0 : i32
    return %c0_i32, %c0_i32_0 : i32, i32
  }
  func.func @transform_2(%arg0: i32) -> (i32, i32) {
    %c0_i32 = arith.constant 0 : i32
    %c0_i32_0 = arith.constant 0 : i32
    %c0_i32_1 = arith.constant 0 : i32
    return %c0_i32, %c0_i32_0 : i32, i32
  }
  func.func @transform_3(%arg0: i32) -> (i32, i32) {
    %c0_i32 = arith.constant 0 : i32
    %c0_i32_0 = arith.constant 0 : i32
    %c0_i32_1 = arith.constant 0 : i32
    return %c0_i32, %c0_i32_0 : i32, i32
  }
  func.func @transform_4(%arg0: i32) -> (i32, i32) {
    %c0_i32 = arith.constant 0 : i32
    %c0_i32_0 = arith.constant 0 : i32
    return %arg0, %c0_i32 : i32, i32
  }
  func.func @transform_5(%arg0: i32) -> (i32, i32) {
    %c0_i32 = arith.constant 0 : i32
    %c0_i32_0 = arith.constant 0 : i32
    return %arg0, %c0_i32 : i32, i32
  }
  func.func @transform_6(%arg0: i32) -> (i32, i32) {
    %c0_i32 = arith.constant 0 : i32
    %c0_i32_0 = arith.constant 0 : i32
    return %arg0, %c0_i32 : i32, i32
  }
}

module attributes {stable_mosaic.version = 14 : i64} {
  func.func @_mid_body(%arg0: i32, %arg1: memref<2x2000x128xf32, #tpu.memory_space<vmem>>, %arg2: memref<8x64xf32, #tpu.memory_space<vmem>>, %arg3: memref<64x64xf32, #tpu.memory_space<vmem>>, %arg4: memref<64x64xf32, #tpu.memory_space<vmem>>, %arg5: memref<64x64xf32, #tpu.memory_space<vmem>>, %arg6: memref<2000x128xf32, #tpu.memory_space<vmem>>, %arg7: memref<2000x128xf32, #tpu.memory_space<vmem>>, %arg8: memref<2000x128xf32, #tpu.memory_space<vmem>>) attributes {dimension_semantics = [#tpu.dimension_semantics<arbitrary>], iteration_bounds = array<i64: 5>, scalar_prefetch = 0 : i64, scratch_operands = 0 : i64, tpu.core_type = #tpu.core_type<tc>, window_params = [{transform_indices = @transform_0, window_bounds = array<i64: 2, 2000, 128>}, {pipeline_mode = #tpu.pipeline_mode<synchronous>, transform_indices = @transform_1, window_bounds = array<i64: 8, 64>}, {pipeline_mode = #tpu.pipeline_mode<synchronous>, transform_indices = @transform_2, window_bounds = array<i64: 64, 64>}, {pipeline_mode = #tpu.pipeline_mode<synchronous>, transform_indices = @transform_3, window_bounds = array<i64: 64, 64>}, {pipeline_mode = #tpu.pipeline_mode<synchronous>, transform_indices = @transform_4, window_bounds = array<i64: 64, 64>}, {transform_indices = @transform_5, window_bounds = array<i64: 2000, 128>}, {transform_indices = @transform_6, window_bounds = array<i64: 2000, 128>}, {transform_indices = @transform_7, window_bounds = array<i64: 2000, 128>}]} {
    %get3A = arith.constant 0 : index
    %get3A_0 = arith.constant 0 : index
    %get3A_1 = arith.constant 0 : index
    %get3A_2 = vector.load %arg1[%get3A, %get3A_0, %get3A_1] : memref<2x2000x128xf32, #tpu.memory_space<vmem>>, vector<1x2000x128xf32>
    %get3A_3 = vector.shape_cast %get3A_2 : vector<1x2000x128xf32> to vector<2000x128xf32>
    %get3A_4 = arith.constant 1 : index
    %get3A_5 = arith.constant 0 : index
    %get3A_6 = arith.constant 0 : index
    %get3A_7 = vector.load %arg1[%get3A_4, %get3A_5, %get3A_6] : memref<2x2000x128xf32, #tpu.memory_space<vmem>>, vector<1x2000x128xf32>
    %get3A_8 = vector.shape_cast %get3A_7 : vector<1x2000x128xf32> to vector<2000x128xf32>
    %add3A = arith.addf %get3A_3, %get3A_8 : vector<2000x128xf32>
    %slice3A = vector.extract_strided_slice %add3A {offsets = [0, 0], sizes = [2000, 64], strides = [1, 1]} : vector<2000x128xf32> to vector<2000x64xf32>
    %slice3A_9 = vector.extract_strided_slice %add3A {offsets = [0, 64], sizes = [2000, 64], strides = [1, 1]} : vector<2000x128xf32> to vector<2000x64xf32>
    %add3A_10 = arith.constant 1.000000e-16 : f32
    %add3A_11 = vector.broadcast %add3A_10 : f32 to vector<2000x64xf32>
    %add3A_12 = arith.addf %slice3A_9, %add3A_11 : vector<2000x64xf32>
    %div3A = arith.divf %slice3A, %add3A_12 : vector<2000x64xf32>
    %get3A_13 = arith.constant 0 : index
    %get3A_14 = arith.constant 0 : index
    %get3A_15 = vector.load %arg2[%get3A_13, %get3A_14] : memref<8x64xf32, #tpu.memory_space<vmem>>, vector<1x64xf32>
    %add3A_16 = vector.broadcast %get3A_15 : vector<1x64xf32> to vector<2000x64xf32>
    %add3A_17 = arith.addf %div3A, %add3A_16 : vector<2000x64xf32>
    %gt3A = arith.constant 0.000000e+00 : f32
    %gt3A_18 = vector.broadcast %gt3A : f32 to vector<2000x64xf32>
    %gt3A_19 = arith.cmpf ogt, %add3A_17, %gt3A_18 : vector<2000x64xf32>
    %min3A = arith.constant 0.000000e+00 : f32
    %min3A_20 = vector.broadcast %min3A : f32 to vector<2000x64xf32>
    %min3A_21 = arith.minimumf %add3A_17, %min3A_20 : vector<2000x64xf32>
    %exp3A = math.exp %min3A_21 : vector<2000x64xf32>
    %sub3A = arith.constant 1.000000e+00 : f32
    %sub3A_22 = vector.broadcast %sub3A : f32 to vector<2000x64xf32>
    %sub3A_23 = arith.subf %exp3A, %sub3A_22 : vector<2000x64xf32>
    %select_n3A = arith.select %gt3A_19, %add3A_17, %sub3A_23 : vector<2000x64xi1>, vector<2000x64xf32>
    %get3A_24 = arith.constant 0 : index
    %get3A_25 = arith.constant 0 : index
    %get3A_26 = vector.load %arg3[%get3A_24, %get3A_25] : memref<64x64xf32, #tpu.memory_space<vmem>>, vector<64x64xf32>
    %dot_general3A = arith.constant dense<0.000000e+00> : vector<2000x64xf32>
    %dot_general3A_27 = tpu.matmul %select_n3A, %get3A_26, %dot_general3A {dimension_numbers = #tpu.dot_dimension_numbers<[1], [0], [0], [1], [0, 0, 1, 1], [], []>, transpose_lhs_hint = false} : vector<2000x64xf32>, vector<64x64xf32>, vector<2000x64xf32> -> vector<2000x64xf32>
    %get3A_28 = arith.constant 0 : index
    %get3A_29 = arith.constant 0 : index
    %get3A_30 = vector.load %arg4[%get3A_28, %get3A_29] : memref<64x64xf32, #tpu.memory_space<vmem>>, vector<64x64xf32>
    %dot_general3A_31 = arith.constant dense<0.000000e+00> : vector<2000x64xf32>
    %dot_general3A_32 = tpu.matmul %dot_general3A_27, %get3A_30, %dot_general3A_31 {dimension_numbers = #tpu.dot_dimension_numbers<[1], [0], [0], [1], [0, 0, 1, 1], [], []>, transpose_lhs_hint = false} : vector<2000x64xf32>, vector<64x64xf32>, vector<2000x64xf32> -> vector<2000x64xf32>
    %get3A_33 = arith.constant 0 : index
    %get3A_34 = arith.constant 0 : index
    %get3A_35 = vector.load %arg5[%get3A_33, %get3A_34] : memref<64x64xf32, #tpu.memory_space<vmem>>, vector<64x64xf32>
    %dot_general3A_36 = arith.constant dense<0.000000e+00> : vector<2000x64xf32>
    %dot_general3A_37 = tpu.matmul %dot_general3A_27, %get3A_35, %dot_general3A_36 {dimension_numbers = #tpu.dot_dimension_numbers<[1], [0], [0], [1], [0, 0, 1, 1], [], []>, transpose_lhs_hint = false} : vector<2000x64xf32>, vector<64x64xf32>, vector<2000x64xf32> -> vector<2000x64xf32>
    %add3A_38 = arith.addf %dot_general3A_32, %dot_general3A_37 : vector<2000x64xf32>
    %mul3A = arith.constant 2.000000e-01 : f32
    %mul3A_39 = vector.broadcast %mul3A : f32 to vector<2000x64xf32>
    %mul3A_40 = arith.mulf %mul3A_39, %add3A_38 : vector<2000x64xf32>
    %max3A = arith.maximumf %add3A_38, %mul3A_40 : vector<2000x64xf32>
    %exp3A_41 = math.exp %max3A : vector<2000x64xf32>
    %concatenate3A = tpu.concatenate %dot_general3A_27, %dot_general3A_32 in 1 : vector<2000x64xf32>, vector<2000x64xf32> -> vector<2000x128xf32>
    %swap3A = arith.constant 0 : index
    %swap3A_42 = arith.constant 0 : index
    %swap3A_43 = vector.load %arg6[%swap3A, %swap3A_42] : memref<2000x128xf32, #tpu.memory_space<vmem>>, vector<2000x128xf32>
    tpu.vector_store %arg6[%swap3A, %swap3A_42], %concatenate3A {strides = array<i32>} : memref<2000x128xf32, #tpu.memory_space<vmem>>, vector<2000x128xf32>,
    %concatenate3A_44 = tpu.concatenate %dot_general3A_37, %dot_general3A_37 in 1 : vector<2000x64xf32>, vector<2000x64xf32> -> vector<2000x128xf32>
    %swap3A_45 = arith.constant 0 : index
    %swap3A_46 = arith.constant 0 : index
    %swap3A_47 = vector.load %arg7[%swap3A_45, %swap3A_46] : memref<2000x128xf32, #tpu.memory_space<vmem>>, vector<2000x128xf32>
    tpu.vector_store %arg7[%swap3A_45, %swap3A_46], %concatenate3A_44 {strides = array<i32>} : memref<2000x128xf32, #tpu.memory_space<vmem>>, vector<2000x128xf32>,
    %mul3A_48 = arith.mulf %exp3A_41, %dot_general3A_27 : vector<2000x64xf32>
    %concatenate3A_49 = tpu.concatenate %mul3A_48, %exp3A_41 in 1 : vector<2000x64xf32>, vector<2000x64xf32> -> vector<2000x128xf32>
    %swap3A_50 = arith.constant 0 : index
    %swap3A_51 = arith.constant 0 : index
    %swap3A_52 = vector.load %arg8[%swap3A_50, %swap3A_51] : memref<2000x128xf32, #tpu.memory_space<vmem>>, vector<2000x128xf32>
    tpu.vector_store %arg8[%swap3A_50, %swap3A_51], %concatenate3A_49 {strides = array<i32>} : memref<2000x128xf32, #tpu.memory_space<vmem>>, vector<2000x128xf32>,
    return
  }
  func.func @transform_0(%arg0: i32) -> (i32, i32, i32) {
    %c0_i32 = arith.constant 0 : i32
    %c0_i32_0 = arith.constant 0 : i32
    %c0_i32_1 = arith.constant 0 : i32
    return %c0_i32, %arg0, %c0_i32_0 : i32, i32, i32
  }
  func.func @transform_1(%arg0: i32) -> (i32, i32) {
    %c0_i32 = arith.constant 0 : i32
    %c0_i32_0 = arith.constant 0 : i32
    %c0_i32_1 = arith.constant 0 : i32
    return %c0_i32, %c0_i32_0 : i32, i32
  }
  func.func @transform_2(%arg0: i32) -> (i32, i32) {
    %c0_i32 = arith.constant 0 : i32
    %c0_i32_0 = arith.constant 0 : i32
    %c0_i32_1 = arith.constant 0 : i32
    return %c0_i32, %c0_i32_0 : i32, i32
  }
  func.func @transform_3(%arg0: i32) -> (i32, i32) {
    %c0_i32 = arith.constant 0 : i32
    %c0_i32_0 = arith.constant 0 : i32
    %c0_i32_1 = arith.constant 0 : i32
    return %c0_i32, %c0_i32_0 : i32, i32
  }
  func.func @transform_4(%arg0: i32) -> (i32, i32) {
    %c0_i32 = arith.constant 0 : i32
    %c0_i32_0 = arith.constant 0 : i32
    %c0_i32_1 = arith.constant 0 : i32
    return %c0_i32, %c0_i32_0 : i32, i32
  }
  func.func @transform_5(%arg0: i32) -> (i32, i32) {
    %c0_i32 = arith.constant 0 : i32
    %c0_i32_0 = arith.constant 0 : i32
    return %arg0, %c0_i32 : i32, i32
  }
  func.func @transform_6(%arg0: i32) -> (i32, i32) {
    %c0_i32 = arith.constant 0 : i32
    %c0_i32_0 = arith.constant 0 : i32
    return %arg0, %c0_i32 : i32, i32
  }
  func.func @transform_7(%arg0: i32) -> (i32, i32) {
    %c0_i32 = arith.constant 0 : i32
    %c0_i32_0 = arith.constant 0 : i32
    return %arg0, %c0_i32 : i32, i32
  }
}

module attributes {stable_mosaic.version = 14 : i64} {
  func.func @_final_body(%arg0: i32, %arg1: memref<2x2000x128xf32, #tpu.memory_space<vmem>>, %arg2: memref<8x64xf32, #tpu.memory_space<vmem>>, %arg3: memref<2000x64xf32, #tpu.memory_space<vmem>>) attributes {dimension_semantics = [#tpu.dimension_semantics<arbitrary>], iteration_bounds = array<i64: 5>, scalar_prefetch = 0 : i64, scratch_operands = 0 : i64, tpu.core_type = #tpu.core_type<tc>, window_params = [{transform_indices = @transform_0, window_bounds = array<i64: 2, 2000, 128>}, {pipeline_mode = #tpu.pipeline_mode<synchronous>, transform_indices = @transform_1, window_bounds = array<i64: 8, 64>}, {transform_indices = @transform_2, window_bounds = array<i64: 2000, 64>}]} {
    %get3A = arith.constant 0 : index
    %get3A_0 = arith.constant 0 : index
    %get3A_1 = arith.constant 0 : index
    %get3A_2 = vector.load %arg1[%get3A, %get3A_0, %get3A_1] : memref<2x2000x128xf32, #tpu.memory_space<vmem>>, vector<1x2000x128xf32>
    %get3A_3 = vector.shape_cast %get3A_2 : vector<1x2000x128xf32> to vector<2000x128xf32>
    %get3A_4 = arith.constant 1 : index
    %get3A_5 = arith.constant 0 : index
    %get3A_6 = arith.constant 0 : index
    %get3A_7 = vector.load %arg1[%get3A_4, %get3A_5, %get3A_6] : memref<2x2000x128xf32, #tpu.memory_space<vmem>>, vector<1x2000x128xf32>
    %get3A_8 = vector.shape_cast %get3A_7 : vector<1x2000x128xf32> to vector<2000x128xf32>
    %add3A = arith.addf %get3A_3, %get3A_8 : vector<2000x128xf32>
    %slice3A = vector.extract_strided_slice %add3A {offsets = [0, 0], sizes = [2000, 64], strides = [1, 1]} : vector<2000x128xf32> to vector<2000x64xf32>
    %slice3A_9 = vector.extract_strided_slice %add3A {offsets = [0, 64], sizes = [2000, 64], strides = [1, 1]} : vector<2000x128xf32> to vector<2000x64xf32>
    %add3A_10 = arith.constant 1.000000e-16 : f32
    %add3A_11 = vector.broadcast %add3A_10 : f32 to vector<2000x64xf32>
    %add3A_12 = arith.addf %slice3A_9, %add3A_11 : vector<2000x64xf32>
    %div3A = arith.divf %slice3A, %add3A_12 : vector<2000x64xf32>
    %get3A_13 = arith.constant 0 : index
    %get3A_14 = arith.constant 0 : index
    %get3A_15 = vector.load %arg2[%get3A_13, %get3A_14] : memref<8x64xf32, #tpu.memory_space<vmem>>, vector<1x64xf32>
    %add3A_16 = vector.broadcast %get3A_15 : vector<1x64xf32> to vector<2000x64xf32>
    %add3A_17 = arith.addf %div3A, %add3A_16 : vector<2000x64xf32>
    %swap3A = arith.constant 0 : index
    %swap3A_18 = arith.constant 0 : index
    %swap3A_19 = vector.load %arg3[%swap3A, %swap3A_18] : memref<2000x64xf32, #tpu.memory_space<vmem>>, vector<2000x64xf32>
    tpu.vector_store %arg3[%swap3A, %swap3A_18], %add3A_17 {strides = array<i32>} : memref<2000x64xf32, #tpu.memory_space<vmem>>, vector<2000x64xf32>,
    return
  }
  func.func @transform_0(%arg0: i32) -> (i32, i32, i32) {
    %c0_i32 = arith.constant 0 : i32
    %c0_i32_0 = arith.constant 0 : i32
    %c0_i32_1 = arith.constant 0 : i32
    return %c0_i32, %arg0, %c0_i32_0 : i32, i32, i32
  }
  func.func @transform_1(%arg0: i32) -> (i32, i32) {
    %c0_i32 = arith.constant 0 : i32
    %c0_i32_0 = arith.constant 0 : i32
    %c0_i32_1 = arith.constant 0 : i32
    return %c0_i32, %c0_i32_0 : i32, i32
  }
  func.func @transform_2(%arg0: i32) -> (i32, i32) {
    %c0_i32 = arith.constant 0 : i32
    %c0_i32_0 = arith.constant 0 : i32
    return %arg0, %c0_i32 : i32, i32
  }
}

</mosaic_0001>

<sc_bundles>
// kernel: kernel.10.cloned.1.call-start
scs
__scs_entry_jumppad:
0x0: {  	(pc) =	sbr.rel $0x88, $3  }
0x1: {  	(tag) =	ssettag $0x0;
	lr =	simm.s32 $0x1  }
0x2: {  	[smem:$0x3F97] =	sst lr;
	_ =	strace $0xD0000000  }
0x3: {  	_ = 	snop  }
0x4: {  	_ = 	snop  }
0x5: {  	_ = 	snop  }
0x6: {  	_ = 	snop  }
0x7: {  	_ = 	snop  }
__scs_overlays_trampoline_lowered:
0x8: {  	[smem:$0x3FA6] =	sst s0  }
0x9: {  	[smem:$0x3FA7] =	sst s1  }
0xa: {  	[smem:$0x3FA8] =	sst s2  }
0xb: {  	[smem:$0x3FA9] =	sst s3  }
0xc: {  	[smem:$0x3FAA] =	sst s4  }
0xd: {  	[smem:$0x3FAB] =	sst s5  }
0xe: {  	[smem:$0x3FAC] =	sst s6  }
0xf: {  	[smem:$0x3FAD] =	sst s7  }
0x10: {  	[smem:$0x3FAE] =	sst s8  }
0x11: {  	[smem:$0x3FAF] =	sst s9;
	s0 =	simm.s32 @!p0 $0x0  }
0x12: {  	s1 =	sld [smem:$0x3F95];
	s0 =	simm.s32 @p0 $0x1  }
0x13: {  	[smem:$0x3FB0] =	sst s0;
	s0 =	simm.s32 @!p1 $0x0  }
0x14: {  	s2 =	sld [smem:$0x3F94];
	s0 =	simm.s32 @p1 $0x1  }
0x15: {  	[smem:$0x3FB1] =	sst s0;
	s0 =	simm.s32 @!p2 $0x0  }
0x16: {  	s3 =	sld [smem:$0x3FDB];
	s0 =	simm.s32 @p2 $0x1  }
0x17: {  	s4 =	simm.s32 $0x1BF5;
	[smem:$0x3FB3] =	sst s0  }
0x18: {  	s0 =	sld [smem:$0x3F96];
	_ =	swait.ge [sflag:s4], $0x0  }
0x19: {  	s7 =	sld [smem:$0x3F97]  }
0x1a: {  	s8 =	sadd.s32 $0xFFFFE003, lr  }
0x1b: {  	s9 =	sadd.s32 $0xFFFFFEF7, lr;
	s5 =	simm.s32 $0xFFFFFFFF;
	p2 =	slt.u32 s8, $0xFFFFF086  }
0x1c: {  	p1 =	slt.u32 s9, $0xF7A;
	s5 =	simm.s32 @!p2 $0x0  }
0x1d: {  	s5 =	simm.s32 @p1 $0x1;
	p0 =	seq.s32 s7, s2  }
0x1e: {  	s7 =	smul.u32 @!p0 $0xF7A, s2;
	p2 =	seq.s32 @!p0 s5, $0x0  }
0x1f: {  	s9 =	smul.u32 $0xF7A, s1;
	s8 =	simm.s32 @!p0 $0x1BF5;
	p2 =	por !p2, p0  }
0x20: {  	[sflag:s8] =	ssyncset.s32 @!p0 $0xFFFFF086;
	s6 =	sadd.s32 @!p0 s3, s7;
	s7 =	simm.s32 @!p0 $0x108  }
0x21: {  	s3 =	sadd.s32 s3, s9;
	s6 =	sadd.s32 @!p0 $0x88, s6;
	s7 =	simm.s32 @p2 $0x1082  }
0x22: {  	[simem:s7], [sflag:s8] =	dma.local @!p0 [hbm:s6], $0xF7A  }
0x23: {  	s9 =	sor.u32 $0xD0000000, s2;
	s6 =	simm.s32 $0x108;
	_ =	swait.ge @!p0 [sflag:s8], $0x0  }
0x24: {  	s3 =	sadd.s32 $0x88, s3;
	s6 =	simm.s32 @!p1 $0x1082;
	[sflag:s4] =	ssyncset.s32 $0xFFFFF086  }
0x25: {  	[simem:s6], [sflag:s4] =	dma.local [hbm:s3], $0xF7A  }
0x26: {  	[smem:$0x3F97] =	sst s1;
	(tag) =	ssettag s2;
	_ =	strace s9  }
0x27: {  	s1 =	sld [smem:$0x3FA7]  }
0x28: {  	s2 =	sld [smem:$0x3FA8]  }
0x29: {  	s4 =	sld [smem:$0x3FAA]  }
0x2a: {  	p0 =	seq.s32 s5, $0x0;
	s5 =	sld [smem:$0x3FAB]  }
0x2b: {  	s6 =	sld [smem:$0x3FAC]  }
0x2c: {  	s7 =	sld [smem:$0x3FAD]  }
0x2d: {  	s3 =	simm.s32 $0x108;
	s8 =	sld [smem:$0x3FAE]  }
0x2e: {  	s3 =	simm.s32 @!p0 $0x1082;
	s9 =	sld [smem:$0x3FAF]  }
0x2f: {  	lr =	sadd.s32 s0, s3;
	s0 =	sld [smem:$0x3FA6]  }
0x30: {  	s3 =	sld [smem:$0x3FA9]  }
0x31: {  	[smem:$0x3FB2] =	sst s10  }
0x32: {  	s10 =	sld [smem:$0x3FB0];
	_ =	sdelay $0x3  }
0x33: {  	p0 =	seq.s32 s10, $0x1;
	s10 =	sld [smem:$0x3FB2];
	_ =	sdelay $0x3  }
0x34: {  	[smem:$0x3FB2] =	sst s10  }
0x35: {  	s10 =	sld [smem:$0x3FB1];
	_ =	sdelay $0x3  }
0x36: {  	p1 =	seq.s32 s10, $0x1;
	s10 =	sld [smem:$0x3FB2];
	_ =	sdelay $0x3  }
0x37: {  	[smem:$0x3FB2] =	sst s10  }
0x38: {  	s10 =	sld [smem:$0x3FB3]  }
0x39: {  	_ = 	snop;
	(pc) =	sbr.ind lr, $3  }
0x3a: {  	_ = 	snop  }
0x3b: {  	_ = 	snop  }
0x3c: {  	p2 =	seq.s32 s10, $0x1;
	s10 =	sld [smem:$0x3FB2]  }
0x3d: {  	_ =	shalt  }
0x3e: {  	_ =	shalt  }
0x3f: {  	_ =	shalt  }
0x40: {  	_ =	shalt  }
0x41: {  	_ =	shalt  }
0x42: {  	_ =	shalt  }
0x43: {  	_ =	shalt  }
0x44: {  	_ =	shalt  }
0x45: {  	_ =	shalt  }
0x46: {  	_ =	shalt  }
0x47: {  	_ =	shalt  }
0x48: {  	_ =	shalt  }
0x49: {  	_ =	shalt  }
0x4a: {  	_ =	shalt  }
0x4b: {  	_ =	shalt  }
0x4c: {  	_ =	shalt  }
0x4d: {  	_ =	shalt  }
0x4e: {  	_ =	shalt  }
0x4f: {  	_ =	shalt  }
0x50: {  	_ =	shalt  }
0x51: {  	_ =	shalt  }
0x52: {  	_ =	shalt  }
0x53: {  	_ =	shalt  }
0x54: {  	_ =	shalt  }
0x55: {  	_ =	shalt  }
0x56: {  	_ =	shalt  }
0x57: {  	_ =	shalt  }
0x58: {  	_ =	shalt  }
0x59: {  	_ =	shalt  }
0x5a: {  	_ =	shalt  }
0x5b: {  	_ =	shalt  }
0x5c: {  	_ =	shalt  }
0x5d: {  	_ =	shalt  }
0x5e: {  	_ =	shalt  }
0x5f: {  	_ =	shalt  }
0x60: {  	_ =	shalt  }
0x61: {  	_ =	shalt  }
0x62: {  	_ =	shalt  }
0x63: {  	_ =	shalt  }
0x64: {  	_ =	shalt  }
0x65: {  	_ =	shalt  }
0x66: {  	_ =	shalt  }
0x67: {  	_ =	shalt  }
0x68: {  	_ =	shalt  }
0x69: {  	_ =	shalt  }
0x6a: {  	_ =	shalt  }
0x6b: {  	_ =	shalt  }
0x6c: {  	_ =	shalt  }
0x6d: {  	_ =	shalt  }
0x6e: {  	_ =	shalt  }
0x6f: {  	_ =	shalt  }
0x70: {  	_ =	shalt  }
0x71: {  	_ =	shalt  }
0x72: {  	_ =	shalt  }
0x73: {  	_ =	shalt  }
0x74: {  	_ =	shalt  }
0x75: {  	_ =	shalt  }
0x76: {  	_ =	shalt  }
0x77: {  	_ =	shalt  }
0x78: {  	_ =	shalt  }
0x79: {  	_ =	shalt  }
0x7a: {  	_ =	shalt  }
0x7b: {  	_ =	shalt  }
0x7c: {  	_ =	shalt  }
0x7d: {  	_ =	shalt  }
0x7e: {  	_ =	shalt  }
0x7f: {  	_ =	shalt  }
0x80: {  	_ =	shalt  }
0x81: {  	_ =	shalt  }
0x82: {  	_ =	shalt  }
0x83: {  	_ =	shalt  }
0x84: {  	_ =	shalt  }
0x85: {  	_ =	shalt  }
0x86: {  	_ =	shalt  }
0x87: {  	_ =	shalt  }
.Lfunc_end0:
.L_simem_size_0:
called_computation.1_lowered:
.L_overlay_start_0:
0x88: {  	s2 =	sld [smem:$0x3FD9]  }
0x89: {  	s3 =	sld [smem:$0x3FFE];
	_ =	sdelay $0x1  }
0x8a: {  	s1 =	srdreg.scid  }
0x8b: {  	s0 =	sand.u32 $0x1, s1  }
0x8c: {  	s16 =	sshll.u32 s0, $0xA;
	s2 =	sadd.s32 s3, s2  }
0x8d: {  	s2 =	sadd.s32 s2, s16  }
0x8e: {  	[smem:$0x3FBE] =	sst s2  }
0x8f: {  	_ = 	snop  }
0x90: {  	(tm) =	ssettm $0x1  }
0x91: {  	s17 =	sld [smem:$0x3FFB];
	_ =	sdelay $0x3  }
0x92: {  	_ =	strace s17  }
0x93: {  	s2 =	sld [smem:$0x3FFC];
	_ =	sdelay $0x3  }
0x94: {  	_ =	strace s2  }
0x95: {  	s2 =	sld [smem:$0x3FFD];
	_ =	sdelay $0x3  }
0x96: {  	_ =	strace s2  }
0x97: {  	_ =	strace $0x8FFFFFFF  }
0x98: {  	s18 =	sld [smem:$0x3FDB];
	_ =	sdelay $0x1  }
0x99: {  	s19 =	simm.s32 $_scs_section_size  }
0x9a: {  	s4 =	simm.s32 $_size__tile_overlayer_lowered;
	s5 =	simm.s32 $_tile_overlayer_lowered  }
0x9b: {  	s22 =	simm.s32 $0x1BFF;
	s21 =	sshll.u32 s5, $0x1;
	s2 =	sadd.s32 s19, s18  }
0x9c: {  	s6 =	simm.s32 $0x0;
	s20 =	sshll.u32 s4, $0x1;
	s4 =	sadd.s32 s21, s2  }
0x9d: {  	[timem:s6], [sflag:s22] =	dma.local [hbm:s4], s20  }
0x9e: {  	_ =	swait.ge [sflag:s22], s20  }
0x9f: {  	s3 =	ssub.s32 $0x0, s20;
	[sflag:s22] =	ssyncset.done $0x0  }
0xa0: {  	[sflag:s22] =	ssyncadd.s32 s3;
	_ =	sdelay $0x1  }
0xa1: {  	s23 =	simm.s32 $0x1B8B  }
0xa2: {  	_ =	swait.ge [sflag:s23], $0x1  }
0xa3: {  	[sflag:s23] =	ssyncset.done $0x0  }
0xa4: {  	s25 =	simm.s32 $0x1B8E;
	s24 =	sld [smem:$0x3FFE];
	[sflag:s23] =	ssyncadd.s32 $0xFFFFFFFF  }
0xa5: {  	s26 =	simm.s32 $execute0_lowered;
	[smem:$0x3FD2] =	sst s25  }
0xa6: {  	s4 =	sshll.u32 s26, $0x1;
	_ =	strace $0x80000049;
	[dreg:$0x1] =	wrdreg $0xFFFFFFFF  }
0xa7: {  	s28 =	simm.s32 $_size_execute0_lowered;
	s2 =	sadd.s32 s2, s4;
	[dreg:$0x0] =	wrdreg $0x0  }
0xa8: {  	s4 =	sshll.u32 s28, $0x1;
	[dreg:$0x2] =	wrdreg s2  }
0xa9: {  	[dreg:$0x3] =	wrdreg s4  }
0xaa: {  	[dreg:$0x4] =	wrdreg $0xC0  }
0xab: {  	_ =	task [dreg:s6], $0x5FFFF  }
0xac: {  	[dreg:$0x1] =	wrdreg $0xFFFFFFFF  }
0xad: {  	[dreg:$0x0] =	wrdreg $0x60  }
0xae: {  	[dreg:$0x2] =	wrdreg s24  }
0xaf: {  	[dreg:$0x3] =	wrdreg $0xB0000  }
0xb0: {  	[dreg:$0x4] =	wrdreg $0x9  }
0xb1: {  	_ =	task.clear_ibuf [dreg:s6], $0x5FFFF;
	_ =	strace $0x90000049  }
0xb2: {  	s29 =	simm.s32 $0x9;
	_ =	strace $0x8000004B  }
0xb3: {  	_ =	swait.ge [sflag:s29], $0x1  }
0xb4: {  	[sflag:s29] =	ssyncadd.s32 $0xFFFFFFFF  }
0xb5: {  	_ =	strace $0x9000004B  }
0xb6: {  	_ =	sfence  }
0xb7: {  	s30 =	sld [smem:$0x0];
	_ =	sdelay $0x2  }
0xb8: {  	s31 =	sshll.u32 s1, $0xD;
	s1 =	sshrl.u32 s1, $0x2  }
0xb9: {  	s3 =	sand.u32 $0x4000, s31;
	s1 =	sadd.s32 s1, s30  }
0xba: {  	s0 =	sor.u32 s3, s0;
	s1 =	sshll.u32 s1, $0x11  }
0xbb: {  	s0 =	sor.u32 s1, s0  }
0xbc: {  	s0 =	sadd.s32 $0x8F2B, s0  }
0xbd: {  	[sflag:s0] =	ssyncadd.remote.s32 $0x1  }
0xbe: {  	_ =	sfence.sel $0xFFFF  }
0xbf: {  	[dreg:$0x0] =	wrdreg $0xFFFFFFFF;
	(pc) =	sbr.abs _section_cstart, $3  }
0xc0: {  	[dreg:$0x1] =	wrdreg $0xFFFFFFFF  }
0xc1: {  	_ =	task.clear_ibuf [dreg:s6], $0x2FFFF;
	_ =	strace $0x9FFFFFFF  }
0xc2: {  	(tm) =	ssettm $0x7FFFFFFF  }
0xc3: {  	_ =	shalt  }
tec
execute0_lowered:
.L_overlay_start_1:
0x0: {  	(tag) =	ssettag $0x1  }
0x1: {  	s0 =	rddreg [dreg:$0x0]  }
0x2: {  	s1 =	rddreg [dreg:$0x1];
	s3 =	simm.s32 $0x0;
	s2 =	srdreg.scid  }
0x3: {  	s12 =	stileid.u32;
	s15 =	simm.s32 $0x7;
	s16 =	simm.s32 $0x6000  }
0x4: {  	s17 =	simm.s32 $0x9C00;
	s18 =	simm.s32 $0x3;
	s19 =	simm.s32 $0x6  }
0x5: {  	s20 =	simm.s32 $0x1C00;
	s28 =	simm.s32 $0x8800;
	s29 =	simm.s32 $0x1  }
0x6: {  	s30 =	simm.s32 $0x2;
	s31 =	simm.s32 $0x4;
	[smem:$0x7FF] =	sst s3  }
0x7: {  	s2 =	sand.u32 $0x1, s2;
	s4 =	sadd.s32 $0x2000, s0;
	s9 =	smul.u32 $0x14000, s12  }
0x8: {  	s5 =	sadd.s32 $0x25000, s0;
	s6 =	sadd.s32 $0x48000, s0;
	s7 =	sadd.s32 $0x6F200, s0  }
0x9: {  	s8 =	sadd.s32 $0x96400, s0;
	s11 =	smul.u32 $0x50000, s12;
	s23 =	sshll.u32 s12, $0x1  }
0xa: {  	s25 =	sshll.u32 s12, $0x6;
	s21 =	smul.u32 $0x140000, s2;
	_ =	strace $0x8000004A  }
0xb: {  	s22 =	ssub.s32 $0x2, s2;
	s2 =	sor.u32 s2, s23;
	s12 =	sor.u32 $0x1C07, s25  }
0xc: {  	s23 =	simm.s32 $0x4C00;
	s25 =	simm.s32 $0x7400;
	s10 =	sshrl.u32 s22, $0x1  }
0xd: {  	s24 =	sshrl.u32 s11, $0x2;
	s11 =	smul.u32 $0x8C00, s2;
	[dreg:$0x4] =	wrdreg s12  }
0xe: {  	s3 =	sadd.s32 s9, s21;
	s9 =	ssub.s32 s22, s10;
	s10 =	sadd.s32 s24, s1  }
0xf: {  	s21 =	simm.s32 $0x28;
	s22 =	simm.s32 $0x3800;
	s26 =	smax.u32 s9, $0x1  }
0x10: {  	s3 =	sshrl.u32 s3, $0x3;
	s9 =	sshrl.u32 s10, $0x3;
	[dreg:$0x6] =	wrdreg s26  }
0x11: {  	s0 =	sadd.s32 s3, s0;
	s3 =	sadd.s32 s8, s3;
	[dreg:$0x7] =	wrdreg s9  }
0x12: {  	s10 =	simm.s32 $0x0;
	[dreg:$0x3] =	wrdreg s3;
	s0 =	sadd.s32 $0xE6400, s0  }
0x13: {  	s3 =	simm.s32 $0x3480;
	[dreg:$0x5] =	wrdreg s0;
	s0 =	simm.s32 $0x5  }
.LBB2_1:
0x14: {  	[dreg:$0x8] =	wrdreg s10  }
0x15: {  	s2 =	rddreg [dreg:$0x3]  }
0x16: {  	[spmem:s9], [sflag:s12] =	dma.local [hbm:s2], $0x2800  }
0x17: {  	_ =	swait.ge [sflag:s15], $0x2800  }
0x18: {  	[sflag:s15] =	ssyncset.done $0x0  }
0x19: {  	[sflag:s15] =	ssyncadd.s32 $0xFFFFD800  }
0x1a: {  	s26 =	simm.s32 $0x0;
	[bflag:$0x0] =	sbarrier.arrive $0xFFFF  }
0x1b: {  	[tilespmem:s16], [sflag:$0x3] =	stream.linear.gather [hbm4b:s8+s26], $0x1400, $0x38;
	[tilespmem:$0x1F000] =	vst v63  }
0x1c: {  	s12 =	simm.s32 $0x0  }
0x1d: {  	[tilespmem:s17], [sflag:$0x6] =	stream.linear.gather [hbm4b:s8+s26], $0x1400, $0x38;
	[tilespmem:$0x1F000] =	vst v63  }
.LBB2_2:
0x1e: {  	_ =	swait.ge [sflag:s18], $0x1400  }
0x1f: {  	s2 =	smul.u32 $0x1C00, s12;
	[sflag:s18] =	ssyncset.done $0x0  }
0x20: {  	[sflag:s18] =	ssyncadd.s32 $0xFFFFEC00  }
0x21: {  	s2 =	sadd.s32 s11, s2;
	_ =	swait.ge [sflag:s19], $0x1400  }
0x22: {  	s2 =	sshrl.u32 s2, $0x3;
	[sflag:s19] =	ssyncset.done $0x0  }
0x23: {  	s13 =	simm.s32 $0x0;
	s9 =	sadd.s32 s4, s2;
	[sflag:s19] =	ssyncadd.s32 $0xFFFFEC00  }
0x24: {  	[tilespmem:s13], [sflag:$0x7] =	stream.linear.gather [hbm4b:s9+s13], $0x1900, $0x38;
	[tilespmem:$0x1F000] =	vst v63  }
0x25: {  	_ =	swait.ge [sflag:s15], $0x1900  }
0x26: {  	[sflag:s15] =	ssyncset.done $0x0  }
0x27: {  	s2 =	sadd.s32 s5, s2;
	[sflag:s15] =	ssyncadd.s32 $0xFFFFE700  }
0x28: {  	[tilespmem:s20], [sflag:$0x7] =	stream.linear.gather [hbm4b:s2+s13], $0x1900, $0x38;
	[tilespmem:$0x1F000] =	vst v63  }
0x29: {  	_ =	swait.ge [sflag:s15], $0x1900  }
0x2a: {  	[sflag:s15] =	ssyncset.done $0x0  }
0x2b: {  	[sflag:s15] =	ssyncadd.s32 $0xFFFFE700  }
0x2c: {  	[tilespmem:s16], [sflag:$0x3] =	stream.linear.gather [hbm4b:s8+s13], $0x1400, $0x38;
	[tilespmem:$0x1F000] =	vst v63  }
0x2d: {  	_ = 	snop  }
0x2e: {  	[tilespmem:s17], [sflag:$0x6] =	stream.linear.gather [hbm4b:s8+s13], $0x1400, $0x38;
	[tilespmem:$0x1F000] =	vst v63  }
0x2f: {  	_ = 	snop  }
0x30: {  	[tilespmem:s22], [sflag:$0x1] =	stream.indirect.gather [hbm4b:s6+s21], $0x80, s13, s21, $0xb8;
	[tilespmem:$0x1F000] =	vst v63  }
0x31: {  	_ = 	snop  }
0x32: {  	[tilespmem:s23], [sflag:$0x2] =	stream.indirect.gather [hbm4b:s7+s21], $0x80, s20, s21, $0xb8;
	[tilespmem:$0x1F000] =	vst v63  }
0x33: {  	s24 =	simm.s32 $0x80  }
0x34: {  	[tilespmem:s25], [sflag:$0x4] =	stream.indirect.gather [hbm4b:s6+s21], $0x80, s24, s21, $0xb8;
	[tilespmem:$0x1F000] =	vst v63  }
0x35: {  	s26 =	simm.s32 $0x1C80  }
0x36: {  	[tilespmem:s28], [sflag:$0x5] =	stream.indirect.gather [hbm4b:s7+s21], $0x80, s26, s21, $0xb8;
	[tilespmem:$0x1F000] =	vst v63  }
.LBB2_3:
0x37: {  	_ =	swait.ge [sflag:s29], $0x1400  }
0x38: {  	[sflag:s29] =	ssyncset.done $0x0  }
0x39: {  	[sflag:s29] =	ssyncadd.s32 $0xFFFFEC00  }
0x3a: {  	_ =	swait.ge [sflag:s30], $0x1400  }
0x3b: {  	[sflag:s30] =	ssyncset.done $0x0  }
0x3c: {  	[sflag:s30] =	ssyncadd.s32 $0xFFFFEC00  }
0x3d: {  	_ =	swait.ge [sflag:s18], $0x1400  }
0x3e: {  	[sflag:s18] =	ssyncset.done $0x0  }
0x3f: {  	s9 =	simm.s32 $0x0;
	[sflag:s18] =	ssyncadd.s32 $0xFFFFEC00  }
0x40: {  	v0 =	vld [tilespmem:s9+$0x3870]  }
0x41: {  	v1 =	vld [tilespmem:s9+$0x4C30];
	_ =	sdelay $0x2  }
0x42: {  	v2 =	vld [tilespmem:s9+$0x3840]  }
0x43: {  	v4 =	vld [tilespmem:s9+$0x4C00]  }
0x44: {  	v5 =	vld [tilespmem:s9+$0x3850];
	v0 =	vadd.f32 v1, v0  }
0x45: {  	v6 =	vld [tilespmem:s9+$0x4C10]  }
0x46: {  	v9 =	vmul.f32 $2.000000030e-01, v0  }
0x47: {  	v7 =	vld [tilespmem:s9+$0x3860]  }
0x48: {  	s10 =	simm.s32 $0x80;
	v8 =	vld [tilespmem:s9+$0x4C20];
	v9 =	vmax.f32 v0, v9  }
0x49: {  	v10 =	vld [tilespmem:s10+$0x3870];
	v2 =	vadd.f32 v4, v2;
	v9 =	vmul.f32 $1.442695020e+00, v9  }
0x4a: {  	v4 =	vld [tilespmem:s10+$0x4C30];
	v5 =	vadd.f32 v6, v5  }
0x4b: {  	v3 =	vld [tilespmem:s9+$0x3800];
	v11 =	vmul.f32 $2.000000030e-01, v2;
	(erf) = vpow2.f32 v9  }
0x4c: {  	v12 =	vld [tilespmem:s10+$0x4C00];
	v6 =	vmul.f32 $2.000000030e-01, v5  }
0x4d: {  	v13 =	vld [tilespmem:s10+$0x3850];
	v8 =	vadd.f32 v8, v7;
	v2 =	vmax.f32 v2, v11  }
0x4e: {  	v11 =	vld [tilespmem:s10+$0x4C10];
	v5 =	vmax.f32 v5, v6;
	v2 =	vmul.f32 $1.442695020e+00, v2  }
0x4f: {  	v15 =	vmul.f32 $2.000000030e-01, v8;
	v10 =	vadd.f32 v4, v10;
	v4 =	vmul.f32 $1.442695020e+00, v5;
	v9 =	vld [tilespmem:s10+$0x3840]  }
0x50: {  	v14 =	vld [tilespmem:s9+$0x3830];
	(erf) = vpow2.f32 v2  }
0x51: {  	v1 =	vld [tilespmem:s9+$0x3810];
	v2 =	vmax.f32 v8, v15;
	(erf) = vpow2.f32 v4  }
0x52: {  	v7 =	vld [tilespmem:s10+$0x4C20];
	v15 =	vmul.f32 $1.442695020e+00, v2  }
0x53: {  	v0 =	vld [tilespmem:s9+$0x3820];
	v8 =	vmul.f32 $2.000000030e-01, v10  }
0x54: {  	v6 =	vld [tilespmem:s10+$0x3860];
	v12 =	vadd.f32 v12, v9;
	v9 =	vadd.f32 v11, v13;
	v11 =	vpop (erf);
	(erf) = vpow2.f32 v15  }
0x55: {  	v5 =	vld [tilespmem:s10+$0x3800]  }
0x56: {  	v4 =	vld [tilespmem:s10+$0x3810];
	v8 =	vmax.f32 v10, v8;
	v16 =	vmul.f32 $2.000000030e-01, v12  }
0x57: {  	s24 =	simm.s32 $0x100;
	v2 =	vld [tilespmem:s10+$0x3820];
	v10 =	vmul.f32 $1.442695020e+00, v8;
	[tilespmem:s9+$0x6070] =	vst v11;
	v13 =	vmul.f32 v11, v14  }
0x58: {  	s14 =	simm.s32 $0x600;
	v12 =	vmax.f32 v12, v16;
	v11 =	vmul.f32 $2.000000030e-01, v9;
	v8 =	vld [tilespmem:s24+$0x3870]  }
.LBB2_4:
0x59: {  	p0 =	sne.s32 s14, $0x4E00;
	v14 =	vld [tilespmem:s24+$0x4C30];
	v12 =	vmul.f32 $1.442695020e+00, v12;
	v6 =	vadd.f32 v7, v6;
	(erf) = vpow2.f32 v10;
	[tilespmem:s9+$0x6030] =	vst v13;
	v7 =	vpop (erf)  }
0x5a: {  	v10 =	vld [tilespmem:s24+$0x3840];
	v9 =	vmax.f32 v9, v11;
	v11 =	vmul.f32 v7, v3;
	[tilespmem:s9+$0x6040] =	vst v7;
	v7 =	vpop (erf);
	v3 =	vmov v5  }
0x5b: {  	v5 =	vld [tilespmem:s24+$0x4C00];
	v16 =	vmul.f32 $1.442695020e+00, v9;
	v13 =	vmul.f32 $2.000000030e-01, v6;
	[tilespmem:s9+$0x6050] =	vst v7  }
0x5c: {  	v7 =	vmul.f32 v7, v1;
	v1 =	vmov v4;
	v15 =	vld [tilespmem:s24+$0x3850];
	(erf) = vpow2.f32 v12;
	[tilespmem:s9+$0x6000] =	vst v11  }
0x5d: {  	v4 =	vld [tilespmem:s24+$0x4C10];
	v6 =	vmax.f32 v6, v13;
	(erf) = vpow2.f32 v16;
	v9 =	vpop (erf)  }
0x5e: {  	v8 =	vadd.f32 v14, v8;
	v11 =	vmul.f32 $1.442695020e+00, v6;
	v12 =	vld [tilespmem:s10+$0x3830];
	[tilespmem:s9+$0x6010] =	vst v7;
	v13 =	vmul.f32 v9, v0;
	v0 =	vmovc v2  }
0x5f: {  	v6 =	vld [tilespmem:s24+$0x3860];
	[tilespmem:s9+$0x6060] =	vst v9  }
.Ltmp0:
0x60: {  	v14 =	vadd.f32 v5, v10;
	v7 =	vld [tilespmem:s24+$0x4C20];
	v2 =	vmul.f32 $2.000000030e-01, v8;
	(erf) = vpow2.f32 v11;
	[tilespmem:s9+$0x6020] =	vst v13;
	s9 =	smov.u32 s10;
	s10 =	smov.u32 s24;
	(pc) =	sbr.rel @p0 .LBB2_4-.Ltmp0, $4  }
0x61: {  	v5 =	vld [tilespmem:s10+$0x3800]  }
0x62: {  	v11 =	vmul.f32 $2.000000030e-01, v14;
	v9 =	vadd.f32 v4, v15;
	v4 =	vld [tilespmem:s10+$0x3810];
	v8 =	vmax.f32 v8, v2;
	v15 =	vpop (erf)  }
0x63: {  	s24 =	sshra.s32 s14, $0x2;
	v2 =	vld [tilespmem:s10+$0x3820];
	v10 =	vmul.f32 $1.442695020e+00, v8;
	v13 =	vmul.f32 v15, v12;
	[tilespmem:s9+$0x6070] =	vst v15  }
0x64: {  	s14 =	sadd.s32 $0x200, s14;
	v8 =	vld [tilespmem:s24+$0x3870];
	v12 =	vmax.f32 v14, v11;
	v11 =	vmul.f32 $2.000000030e-01, v9  }
0x65: {  	v14 =	vld [tilespmem:s24+$0x4C30];
	[tilespmem:s9+$0x6030] =	vst v13;
	v13 =	vpop (erf)  }
0x66: {  	v15 =	vld [tilespmem:s24+$0x3840];
	[tilespmem:s9+$0x6040] =	vst v13;
	v16 =	vpop (erf);
	v3 =	vmul.f32 v13, v3  }
0x67: {  	(erf) = vpow2.f32 v10;
	v10 =	vmul.f32 $1.442695020e+00, v12;
	v17 =	vld [tilespmem:s24+$0x4C00];
	[tilespmem:s9+$0x6050] =	vst v16  }
0x68: {  	v6 =	vadd.f32 v7, v6;
	v1 =	vmul.f32 v16, v1;
	v13 =	vld [tilespmem:s24+$0x3850];
	[tilespmem:s9+$0x6000] =	vst v3  }
0x69: {  	v7 =	vmax.f32 v9, v11;
	v3 =	vld [tilespmem:s24+$0x4C10]  }
0x6a: {  	v7 =	vmul.f32 $1.442695020e+00, v7;
	v9 =	vld [tilespmem:s10+$0x3830];
	[tilespmem:s9+$0x6010] =	vst v1;
	v1 =	vmul.f32 $2.000000030e-01, v6  }
0x6b: {  	(erf) = vpow2.f32 v10;
	v10 =	vpop (erf)  }
0x6c: {  	(erf) = vpow2.f32 v7;
	v11 =	vld [tilespmem:s24+$0x3860];
	v7 =	vadd.f32 v14, v8;
	[tilespmem:s9+$0x6060] =	vst v10;
	v1 =	vmax.f32 v6, v1  }
0x6d: {  	v6 =	vld [tilespmem:s24+$0x4C20];
	v1 =	vmul.f32 $1.442695020e+00, v1  }
0x6e: {  	v0 =	vmul.f32 v10, v0;
	v8 =	vmul.f32 $2.000000030e-01, v7;
	v10 =	vadd.f32 v17, v15  }
0x6f: {  	(erf) = vpow2.f32 v1  }
0x70: {  	v1 =	vadd.f32 v3, v13;
	v3 =	vmax.f32 v7, v8;
	v7 =	vmul.f32 $2.000000030e-01, v10;
	v12 =	vpop (erf)  }
0x71: {  	[tilespmem:s9+$0x6020] =	vst v0;
	v3 =	vmul.f32 $1.442695020e+00, v3;
	v9 =	vmul.f32 v12, v9  }
0x72: {  	v0 =	vld [tilespmem:s24+$0x3800];
	v14 =	vmul.f32 $2.000000030e-01, v1;
	v6 =	vadd.f32 v6, v11;
	v7 =	vmax.f32 v10, v7  }
0x73: {  	v8 =	vld [tilespmem:s24+$0x3810];
	(erf) = vpow2.f32 v3  }
0x74: {  	v13 =	vld [tilespmem:s24+$0x3820];
	v3 =	vmul.f32 $1.442695020e+00, v7;
	[tilespmem:s10+$0x6030] =	vst v9;
	v1 =	vmax.f32 v1, v14;
	v9 =	vmul.f32 $2.000000030e-01, v6  }
0x75: {  	v7 =	vpop (erf);
	v1 =	vmul.f32 $1.442695020e+00, v1  }
0x76: {  	[tilespmem:s10+$0x6070] =	vst v12;
	(erf) = vpow2.f32 v3;
	v5 =	vmul.f32 v7, v5;
	v3 =	vmax.f32 v6, v9  }
0x77: {  	[tilespmem:s10+$0x6040] =	vst v7;
	v7 =	vpop (erf);
	(erf) = vpow2.f32 v1;
	v1 =	vmul.f32 $1.442695020e+00, v3  }
0x78: {  	[tilespmem:s10+$0x6050] =	vst v7  }
0x79: {  	[tilespmem:s10+$0x6000] =	vst v5  }
0x7a: {  	v4 =	vmul.f32 v7, v4;
	v3 =	vld [tilespmem:s24+$0x3830]  }
0x7b: {  	(erf) = vpow2.f32 v1;
	v1 =	vpop (erf)  }
0x7c: {  	[tilespmem:s10+$0x6010] =	vst v4;
	v2 =	vmul.f32 v1, v2  }
0x7d: {  	[tilespmem:s10+$0x6060] =	vst v1  }
0x7e: {  	v1 =	vpop (erf);
	[tilespmem:s10+$0x6020] =	vst v2  }
0x7f: {  	v2 =	vmul.f32 v1, v3;
	[tilespmem:s24+$0x6070] =	vst v1;
	v1 =	vpop (erf)  }
0x80: {  	v0 =	vmul.f32 v1, v0  }
0x81: {  	[tilespmem:s24+$0x6030] =	vst v2  }
0x82: {  	[tilespmem:s24+$0x6040] =	vst v1;
	v1 =	vpop (erf)  }
0x83: {  	[tilespmem:s24+$0x6050] =	vst v1;
	v1 =	vmul.f32 v1, v8  }
0x84: {  	[tilespmem:s24+$0x6000] =	vst v0;
	v0 =	vpop (erf)  }
0x85: {  	s10 =	sshll.u32 s13, $0x8;
	[tilespmem:s24+$0x6010] =	vst v1;
	v1 =	vmul.f32 v0, v13  }
0x86: {  	s14 =	sand.u32 $0x3FFFFF00, s10;
	[tilespmem:s24+$0x6060] =	vst v0  }
0x87: {  	s2 =	sadd.s32 $0x1C00, s14;
	[tilespmem:s24+$0x6020] =	vst v1  }
0x88: {  	[spmem:s1] =	stream.indirect.scatter.add.f32 [tilespmem:s16], [sflag:$0x3], $0x80, s2, s21, $0xb8;
	[tilespmem:$0x1F000] =	vst v63  }
0x89: {  	s24 =	sadd.s32 $0x100, s10  }
0x8a: {  	[tilespmem:s22], [sflag:$0x1] =	stream.indirect.gather [hbm4b:s6+s21], $0x80, s24, s21, $0xb8;
	[tilespmem:$0x1F000] =	vst v63  }
0x8b: {  	s26 =	sadd.s32 $0x1D00, s10  }
0x8c: {  	[tilespmem:s23], [sflag:$0x2] =	stream.indirect.gather [hbm4b:s7+s21], $0x80, s26, s21, $0xb8;
	[tilespmem:$0x1F000] =	vst v63  }
0x8d: {  	_ =	swait.ge [sflag:s31], $0x1400  }
0x8e: {  	[sflag:s31] =	ssyncset.done $0x0  }
0x8f: {  	[sflag:s31] =	ssyncadd.s32 $0xFFFFEC00  }
0x90: {  	_ =	swait.ge [sflag:s0], $0x1400  }
0x91: {  	[sflag:s0] =	ssyncset.done $0x0  }
0x92: {  	[sflag:s0] =	ssyncadd.s32 $0xFFFFEC00  }
0x93: {  	_ =	swait.ge [sflag:s19], $0x1400  }
0x94: {  	[sflag:s19] =	ssyncset.done $0x0  }
0x95: {  	s24 =	simm.s32 $0x0;
	[sflag:s19] =	ssyncadd.s32 $0xFFFFEC00  }
0x96: {  	v0 =	vld [tilespmem:s24+$0x7470]  }
0x97: {  	v1 =	vld [tilespmem:s24+$0x8830];
	_ =	sdelay $0x2  }
0x98: {  	v2 =	vld [tilespmem:s24+$0x7440]  }
0x99: {  	v4 =	vld [tilespmem:s24+$0x8800]  }
0x9a: {  	v5 =	vld [tilespmem:s24+$0x7450];
	v0 =	vadd.f32 v1, v0  }
0x9b: {  	v6 =	vld [tilespmem:s24+$0x8810]  }
0x9c: {  	v9 =	vmul.f32 $2.000000030e-01, v0  }
0x9d: {  	v7 =	vld [tilespmem:s24+$0x7460]  }
0x9e: {  	s9 =	simm.s32 $0x80;
	v8 =	vld [tilespmem:s24+$0x8820];
	v9 =	vmax.f32 v0, v9  }
0x9f: {  	v10 =	vld [tilespmem:s9+$0x7470];
	v2 =	vadd.f32 v4, v2;
	v9 =	vmul.f32 $1.442695020e+00, v9  }
0xa0: {  	v4 =	vld [tilespmem:s9+$0x8830];
	v5 =	vadd.f32 v6, v5  }
0xa1: {  	v3 =	vld [tilespmem:s24+$0x7400];
	v11 =	vmul.f32 $2.000000030e-01, v2;
	(erf) = vpow2.f32 v9  }
0xa2: {  	v12 =	vld [tilespmem:s9+$0x8800];
	v6 =	vmul.f32 $2.000000030e-01, v5  }
0xa3: {  	v13 =	vld [tilespmem:s9+$0x7450];
	v8 =	vadd.f32 v8, v7;
	v2 =	vmax.f32 v2, v11  }
0xa4: {  	v11 =	vld [tilespmem:s9+$0x8810];
	v5 =	vmax.f32 v5, v6;
	v2 =	vmul.f32 $1.442695020e+00, v2  }
0xa5: {  	v15 =	vmul.f32 $2.000000030e-01, v8;
	v10 =	vadd.f32 v4, v10;
	v4 =	vmul.f32 $1.442695020e+00, v5;
	v9 =	vld [tilespmem:s9+$0x7440]  }
0xa6: {  	v14 =	vld [tilespmem:s24+$0x7430];
	(erf) = vpow2.f32 v2  }
0xa7: {  	v1 =	vld [tilespmem:s24+$0x7410];
	v2 =	vmax.f32 v8, v15;
	(erf) = vpow2.f32 v4  }
0xa8: {  	v7 =	vld [tilespmem:s9+$0x8820];
	v15 =	vmul.f32 $1.442695020e+00, v2  }
0xa9: {  	v0 =	vld [tilespmem:s24+$0x7420];
	v8 =	vmul.f32 $2.000000030e-01, v10  }
0xaa: {  	v6 =	vld [tilespmem:s9+$0x7460];
	v12 =	vadd.f32 v12, v9;
	v9 =	vadd.f32 v11, v13;
	v11 =	vpop (erf);
	(erf) = vpow2.f32 v15  }
0xab: {  	v5 =	vld [tilespmem:s9+$0x7400]  }
0xac: {  	v4 =	vld [tilespmem:s9+$0x7410];
	v8 =	vmax.f32 v10, v8;
	v63 =	vmul.f32 $2.000000030e-01, v12  }
0xad: {  	s26 =	simm.s32 $0x100;
	v2 =	vld [tilespmem:s9+$0x7420];
	v10 =	vmul.f32 $1.442695020e+00, v8;
	[tilespmem:s24+$0x9C70] =	vst v11;
	v13 =	vmul.f32 v11, v14  }
0xae: {  	s2 =	simm.s32 $0x600;
	v12 =	vmax.f32 v12, v63;
	v11 =	vmul.f32 $2.000000030e-01, v9;
	v8 =	vld [tilespmem:s26+$0x7470]  }
.LBB2_6:
0xaf: {  	p0 =	sne.s32 s2, $0x4E00;
	v14 =	vld [tilespmem:s26+$0x8830];
	v12 =	vmul.f32 $1.442695020e+00, v12;
	v6 =	vadd.f32 v7, v6;
	(erf) = vpow2.f32 v10;
	[tilespmem:s24+$0x9C30] =	vst v13;
	v7 =	vpop (erf)  }
0xb0: {  	v10 =	vld [tilespmem:s26+$0x7440];
	v9 =	vmax.f32 v9, v11;
	v11 =	vmul.f32 v7, v3;
	[tilespmem:s24+$0x9C40] =	vst v7;
	v7 =	vpop (erf);
	v3 =	vmov v5  }
0xb1: {  	v5 =	vld [tilespmem:s26+$0x8800];
	v16 =	vmul.f32 $1.442695020e+00, v9;
	v13 =	vmul.f32 $2.000000030e-01, v6;
	[tilespmem:s24+$0x9C50] =	vst v7  }
0xb2: {  	v7 =	vmul.f32 v7, v1;
	v1 =	vmov v4;
	v15 =	vld [tilespmem:s26+$0x7450];
	(erf) = vpow2.f32 v12;
	[tilespmem:s24+$0x9C00] =	vst v11  }
0xb3: {  	v4 =	vld [tilespmem:s26+$0x8810];
	v6 =	vmax.f32 v6, v13;
	(erf) = vpow2.f32 v16;
	v9 =	vpop (erf)  }
0xb4: {  	v8 =	vadd.f32 v14, v8;
	v11 =	vmul.f32 $1.442695020e+00, v6;
	v12 =	vld [tilespmem:s9+$0x7430];
	[tilespmem:s24+$0x9C10] =	vst v7;
	v13 =	vmul.f32 v9, v0;
	v0 =	vmovc v2  }
0xb5: {  	v6 =	vld [tilespmem:s26+$0x7460];
	[tilespmem:s24+$0x9C60] =	vst v9  }
.Ltmp1:
0xb6: {  	v14 =	vadd.f32 v5, v10;
	v7 =	vld [tilespmem:s26+$0x8820];
	v2 =	vmul.f32 $2.000000030e-01, v8;
	(erf) = vpow2.f32 v11;
	[tilespmem:s24+$0x9C20] =	vst v13;
	s24 =	smov.u32 s9;
	s9 =	smov.u32 s26;
	(pc) =	sbr.rel @p0 .LBB2_6-.Ltmp1, $4  }
0xb7: {  	v5 =	vld [tilespmem:s9+$0x7400]  }
0xb8: {  	v11 =	vmul.f32 $2.000000030e-01, v14;
	v9 =	vadd.f32 v4, v15;
	v4 =	vld [tilespmem:s9+$0x7410];
	v8 =	vmax.f32 v8, v2;
	v15 =	vpop (erf)  }
0xb9: {  	s26 =	sshra.s32 s2, $0x2;
	v2 =	vld [tilespmem:s9+$0x7420];
	v10 =	vmul.f32 $1.442695020e+00, v8;
	v13 =	vmul.f32 v15, v12;
	[tilespmem:s24+$0x9C70] =	vst v15  }
0xba: {  	s2 =	sadd.s32 $0x200, s2;
	v8 =	vld [tilespmem:s26+$0x7470];
	v12 =	vmax.f32 v14, v11;
	v11 =	vmul.f32 $2.000000030e-01, v9  }
0xbb: {  	v14 =	vld [tilespmem:s26+$0x8830];
	[tilespmem:s24+$0x9C30] =	vst v13;
	v32 =	vpop (erf)  }
0xbc: {  	v15 =	vld [tilespmem:s26+$0x7440];
	[tilespmem:s24+$0x9C40] =	vst v32;
	v16 =	vpop (erf);
	v3 =	vmul.f32 v32, v3  }
0xbd: {  	(erf) = vpow2.f32 v10;
	v34 =	vmul.f32 $1.442695020e+00, v12;
	v17 =	vld [tilespmem:s26+$0x8800];
	[tilespmem:s24+$0x9C50] =	vst v16  }
0xbe: {  	v6 =	vadd.f32 v7, v6;
	v35 =	vmax.f32 v9, v11;
	v1 =	vmul.f32 v16, v1;
	v33 =	vld [tilespmem:s26+$0x7450];
	[tilespmem:s24+$0x9C00] =	vst v3  }
0xbf: {  	v7 =	vmul.f32 $1.442695020e+00, v35;
	v3 =	vld [tilespmem:s26+$0x8810]  }
0xc0: {  	v37 =	vmul.f32 $2.000000030e-01, v6;
	(erf) = vpow2.f32 v34;
	v36 =	vld [tilespmem:s9+$0x7430];
	[tilespmem:s24+$0x9C10] =	vst v1;
	v38 =	vpop (erf)  }
0xc1: {  	(erf) = vpow2.f32 v7;
	v39 =	vld [tilespmem:s26+$0x7460];
	v40 =	vadd.f32 v14, v8;
	[tilespmem:s24+$0x9C60] =	vst v38  }
0xc2: {  	v1 =	vmax.f32 v6, v37;
	v0 =	vmul.f32 v38, v0;
	v41 =	vld [tilespmem:s26+$0x8820]  }
0xc3: {  	v1 =	vmul.f32 $1.442695020e+00, v1;
	v8 =	vmul.f32 $2.000000030e-01, v40  }
0xc4: {  	v42 =	vadd.f32 v17, v15  }
0xc5: {  	[tilespmem:s24+$0x9C20] =	vst v0;
	(erf) = vpow2.f32 v1;
	v43 =	vadd.f32 v3, v33;
	v44 =	vmax.f32 v40, v8  }
0xc6: {  	v0 =	vld [tilespmem:s26+$0x7400];
	v45 =	vmul.f32 $2.000000030e-01, v42;
	v47 =	vpop (erf);
	v3 =	vmul.f32 $1.442695020e+00, v44  }
0xc7: {  	v46 =	vld [tilespmem:s26+$0x7410];
	v9 =	vmul.f32 v47, v36;
	v49 =	vmul.f32 $2.000000030e-01, v43;
	v6 =	vadd.f32 v41, v39  }
0xc8: {  	v48 =	vld [tilespmem:s26+$0x7420];
	[tilespmem:s9+$0x9C70] =	vst v47;
	v7 =	vmax.f32 v42, v45;
	(erf) = vpow2.f32 v3  }
0xc9: {  	v51 =	vpop (erf);
	v50 =	vmul.f32 $1.442695020e+00, v7;
	[tilespmem:s9+$0x9C30] =	vst v9;
	v1 =	vmax.f32 v43, v49;
	v52 =	vmul.f32 $2.000000030e-01, v6  }
0xca: {  	v5 =	vmul.f32 v51, v5;
	[tilespmem:s9+$0x9C40] =	vst v51;
	v53 =	vpop (erf);
	v1 =	vmul.f32 $1.442695020e+00, v1  }
0xcb: {  	[tilespmem:s9+$0x9C50] =	vst v53;
	(erf) = vpow2.f32 v50;
	v54 =	vmax.f32 v6, v52  }
0xcc: {  	[tilespmem:s9+$0x9C00] =	vst v5;
	(erf) = vpow2.f32 v1;
	v55 =	vmul.f32 $1.442695020e+00, v54  }
0xcd: {  	v56 =	vld [tilespmem:s26+$0x7430]  }
0xce: {  	v4 =	vmul.f32 v53, v4;
	(erf) = vpow2.f32 v55  }
0xcf: {  	v57 =	vpop (erf)  }
0xd0: {  	[tilespmem:s9+$0x9C10] =	vst v4;
	v2 =	vmul.f32 v57, v2  }
0xd1: {  	[tilespmem:s9+$0x9C60] =	vst v57;
	v58 =	vpop (erf)  }
0xd2: {  	[tilespmem:s9+$0x9C20] =	vst v2;
	v59 =	vmul.f32 v58, v56  }
0xd3: {  	[tilespmem:s26+$0x9C70] =	vst v58  }
0xd4: {  	v60 =	vpop (erf);
	[tilespmem:s26+$0x9C30] =	vst v59  }
0xd5: {  	v0 =	vmul.f32 v60, v0;
	[tilespmem:s26+$0x9C40] =	vst v60;
	v61 =	vpop (erf)  }
0xd6: {  	[tilespmem:s26+$0x9C50] =	vst v61;
	v1 =	vmul.f32 v61, v46  }
0xd7: {  	[tilespmem:s26+$0x9C00] =	vst v0;
	v62 =	vpop (erf)  }
0xd8: {  	[tilespmem:s26+$0x9C10] =	vst v1;
	v63 =	vmul.f32 v62, v48  }
0xd9: {  	s13 =	sadd.s32 $0x1, s13;
	[tilespmem:s26+$0x9C60] =	vst v62  }
0xda: {  	s2 =	sadd.s32 $0x1C80, s14;
	p0 =	sne.s32 s13, $0x18;
	[tilespmem:s26+$0x9C20] =	vst v63  }
0xdb: {  	[spmem:s1] =	stream.indirect.scatter.add.f32 [tilespmem:s17], [sflag:$0x6], $0x80, s2, s21, $0xb8;
	[tilespmem:$0x1F000] =	vst v63  }
.Ltmp2:
0xdc: {  	_ = 	snop;
	(pc) =	sbr.rel @p0 .LBB2_3-.Ltmp2, $4  }
0xdd: {  	s24 =	sadd.s32 $0x180, s10  }
0xde: {  	[tilespmem:s25], [sflag:$0x4] =	stream.indirect.gather [hbm4b:s6+s21], $0x80, s24, s21, $0xb8;
	[tilespmem:$0x1F000] =	vst v63  }
0xdf: {  	s26 =	sadd.s32 $0x1D80, s10  }
0xe0: {  	[tilespmem:s28], [sflag:$0x5] =	stream.indirect.gather [hbm4b:s7+s21], $0x80, s26, s21, $0xb8;
	[tilespmem:$0x1F000] =	vst v63  }
0xe1: {  	_ =	swait.ge [sflag:s29], $0x1400  }
0xe2: {  	[sflag:s29] =	ssyncset.done $0x0  }
0xe3: {  	[sflag:s29] =	ssyncadd.s32 $0xFFFFEC00  }
0xe4: {  	_ =	swait.ge [sflag:s30], $0x1400  }
0xe5: {  	[sflag:s30] =	ssyncset.done $0x0  }
0xe6: {  	[sflag:s30] =	ssyncadd.s32 $0xFFFFEC00  }
0xe7: {  	_ =	swait.ge [sflag:s18], $0x1400  }
0xe8: {  	[sflag:s18] =	ssyncset.done $0x0  }
0xe9: {  	s10 =	simm.s32 $0x0;
	[sflag:s18] =	ssyncadd.s32 $0xFFFFEC00  }
0xea: {  	v0 =	vld [tilespmem:s10+$0x3870]  }
0xeb: {  	v1 =	vld [tilespmem:s10+$0x4C30];
	_ =	sdelay $0x2  }
0xec: {  	v2 =	vld [tilespmem:s10+$0x3840]  }
0xed: {  	v4 =	vld [tilespmem:s10+$0x4C00]  }
0xee: {  	v5 =	vld [tilespmem:s10+$0x3850];
	v0 =	vadd.f32 v1, v0  }
0xef: {  	v6 =	vld [tilespmem:s10+$0x4C10]  }
0xf0: {  	v9 =	vmul.f32 $2.000000030e-01, v0  }
0xf1: {  	v7 =	vld [tilespmem:s10+$0x3860]  }
0xf2: {  	s9 =	simm.s32 $0x80;
	v8 =	vld [tilespmem:s10+$0x4C20];
	v9 =	vmax.f32 v0, v9  }
0xf3: {  	v10 =	vld [tilespmem:s9+$0x3870];
	v2 =	vadd.f32 v4, v2;
	v9 =	vmul.f32 $1.442695020e+00, v9  }
0xf4: {  	v4 =	vld [tilespmem:s9+$0x4C30];
	v5 =	vadd.f32 v6, v5  }
0xf5: {  	v3 =	vld [tilespmem:s10+$0x3800];
	v11 =	vmul.f32 $2.000000030e-01, v2;
	(erf) = vpow2.f32 v9  }
0xf6: {  	v12 =	vld [tilespmem:s9+$0x4C00];
	v6 =	vmul.f32 $2.000000030e-01, v5  }
0xf7: {  	v13 =	vld [tilespmem:s9+$0x3850];
	v8 =	vadd.f32 v8, v7;
	v2 =	vmax.f32 v2, v11  }
0xf8: {  	v11 =	vld [tilespmem:s9+$0x4C10];
	v5 =	vmax.f32 v5, v6;
	v2 =	vmul.f32 $1.442695020e+00, v2  }
0xf9: {  	v15 =	vmul.f32 $2.000000030e-01, v8;
	v10 =	vadd.f32 v4, v10;
	v4 =	vmul.f32 $1.442695020e+00, v5;
	v9 =	vld [tilespmem:s9+$0x3840]  }
0xfa: {  	v14 =	vld [tilespmem:s10+$0x3830];
	(erf) = vpow2.f32 v2  }
0xfb: {  	v1 =	vld [tilespmem:s10+$0x3810];
	v2 =	vmax.f32 v8, v15;
	(erf) = vpow2.f32 v4  }
0xfc: {  	v7 =	vld [tilespmem:s9+$0x4C20];
	v15 =	vmul.f32 $1.442695020e+00, v2  }
0xfd: {  	v0 =	vld [tilespmem:s10+$0x3820];
	v8 =	vmul.f32 $2.000000030e-01, v10  }
0xfe: {  	v6 =	vld [tilespmem:s9+$0x3860];
	v12 =	vadd.f32 v12, v9;
	v9 =	vadd.f32 v11, v13;
	v11 =	vpop (erf);
	(erf) = vpow2.f32 v15  }
0xff: {  	v5 =	vld [tilespmem:s9+$0x3800]  }
0x100: {  	v4 =	vld [tilespmem:s9+$0x3810];
	v8 =	vmax.f32 v10, v8;
	v16 =	vmul.f32 $2.000000030e-01, v12  }
0x101: {  	s13 =	simm.s32 $0x100;
	v2 =	vld [tilespmem:s9+$0x3820];
	v10 =	vmul.f32 $1.442695020e+00, v8;
	[tilespmem:s10+$0x6070] =	vst v11;
	v13 =	vmul.f32 v11, v14  }
0x102: {  	s2 =	simm.s32 $0x600;
	v12 =	vmax.f32 v12, v16;
	v11 =	vmul.f32 $2.000000030e-01, v9;
	v8 =	vld [tilespmem:s13+$0x3870]  }
.LBB2_9:
0x103: {  	p0 =	sne.s32 s2, $0x4E00;
	v14 =	vld [tilespmem:s13+$0x4C30];
	v12 =	vmul.f32 $1.442695020e+00, v12;
	v6 =	vadd.f32 v7, v6;
	(erf) = vpow2.f32 v10;
	[tilespmem:s10+$0x6030] =	vst v13;
	v7 =	vpop (erf)  }
0x104: {  	v10 =	vld [tilespmem:s13+$0x3840];
	v9 =	vmax.f32 v9, v11;
	v11 =	vmul.f32 v7, v3;
	[tilespmem:s10+$0x6040] =	vst v7;
	v7 =	vpop (erf);
	v3 =	vmov v5  }
0x105: {  	v5 =	vld [tilespmem:s13+$0x4C00];
	v16 =	vmul.f32 $1.442695020e+00, v9;
	v13 =	vmul.f32 $2.000000030e-01, v6;
	[tilespmem:s10+$0x6050] =	vst v7  }
0x106: {  	v7 =	vmul.f32 v7, v1;
	v1 =	vmov v4;
	v15 =	vld [tilespmem:s13+$0x3850];
	(erf) = vpow2.f32 v12;
	[tilespmem:s10+$0x6000] =	vst v11  }
0x107: {  	v4 =	vld [tilespmem:s13+$0x4C10];
	v6 =	vmax.f32 v6, v13;
	(erf) = vpow2.f32 v16;
	v9 =	vpop (erf)  }
0x108: {  	v8 =	vadd.f32 v14, v8;
	v11 =	vmul.f32 $1.442695020e+00, v6;
	v12 =	vld [tilespmem:s9+$0x3830];
	[tilespmem:s10+$0x6010] =	vst v7;
	v13 =	vmul.f32 v9, v0;
	v0 =	vmovc v2  }
0x109: {  	v6 =	vld [tilespmem:s13+$0x3860];
	[tilespmem:s10+$0x6060] =	vst v9  }
.Ltmp3:
0x10a: {  	v14 =	vadd.f32 v5, v10;
	v7 =	vld [tilespmem:s13+$0x4C20];
	v2 =	vmul.f32 $2.000000030e-01, v8;
	(erf) = vpow2.f32 v11;
	[tilespmem:s10+$0x6020] =	vst v13;
	s10 =	smov.u32 s9;
	s9 =	smov.u32 s13;
	(pc) =	sbr.rel @p0 .LBB2_9-.Ltmp3, $4  }
0x10b: {  	v5 =	vld [tilespmem:s9+$0x3800]  }
0x10c: {  	v11 =	vmul.f32 $2.000000030e-01, v14;
	v9 =	vadd.f32 v4, v15;
	v4 =	vld [tilespmem:s9+$0x3810];
	v8 =	vmax.f32 v8, v2;
	v15 =	vpop (erf)  }
0x10d: {  	s13 =	sshra.s32 s2, $0x2;
	v2 =	vld [tilespmem:s9+$0x3820];
	v10 =	vmul.f32 $1.442695020e+00, v8;
	v13 =	vmul.f32 v15, v12;
	[tilespmem:s10+$0x6070] =	vst v15  }
0x10e: {  	s2 =	sadd.s32 $0x200, s2;
	v8 =	vld [tilespmem:s13+$0x3870];
	v12 =	vmax.f32 v14, v11;
	v11 =	vmul.f32 $2.000000030e-01, v9  }
0x10f: {  	v14 =	vld [tilespmem:s13+$0x4C30];
	[tilespmem:s10+$0x6030] =	vst v13;
	v13 =	vpop (erf)  }
0x110: {  	v15 =	vld [tilespmem:s13+$0x3840];
	[tilespmem:s10+$0x6040] =	vst v13;
	v16 =	vpop (erf);
	v3 =	vmul.f32 v13, v3  }
0x111: {  	(erf) = vpow2.f32 v10;
	v10 =	vmul.f32 $1.442695020e+00, v12;
	v17 =	vld [tilespmem:s13+$0x4C00];
	[tilespmem:s10+$0x6050] =	vst v16  }
0x112: {  	v6 =	vadd.f32 v7, v6;
	v1 =	vmul.f32 v16, v1;
	v13 =	vld [tilespmem:s13+$0x3850];
	[tilespmem:s10+$0x6000] =	vst v3  }
0x113: {  	v7 =	vmax.f32 v9, v11;
	v3 =	vld [tilespmem:s13+$0x4C10]  }
0x114: {  	v7 =	vmul.f32 $1.442695020e+00, v7;
	v9 =	vld [tilespmem:s9+$0x3830];
	[tilespmem:s10+$0x6010] =	vst v1;
	v1 =	vmul.f32 $2.000000030e-01, v6  }
0x115: {  	(erf) = vpow2.f32 v10;
	v10 =	vpop (erf)  }
0x116: {  	(erf) = vpow2.f32 v7;
	v11 =	vld [tilespmem:s13+$0x3860];
	v7 =	vadd.f32 v14, v8;
	[tilespmem:s10+$0x6060] =	vst v10;
	v1 =	vmax.f32 v6, v1  }
0x117: {  	v6 =	vld [tilespmem:s13+$0x4C20];
	v1 =	vmul.f32 $1.442695020e+00, v1  }
0x118: {  	v0 =	vmul.f32 v10, v0;
	v8 =	vmul.f32 $2.000000030e-01, v7;
	v10 =	vadd.f32 v17, v15  }
0x119: {  	(erf) = vpow2.f32 v1  }
0x11a: {  	v1 =	vadd.f32 v3, v13;
	v3 =	vmax.f32 v7, v8;
	v7 =	vmul.f32 $2.000000030e-01, v10;
	v12 =	vpop (erf)  }
0x11b: {  	[tilespmem:s10+$0x6020] =	vst v0;
	v3 =	vmul.f32 $1.442695020e+00, v3;
	v9 =	vmul.f32 v12, v9  }
0x11c: {  	v0 =	vld [tilespmem:s13+$0x3800];
	v14 =	vmul.f32 $2.000000030e-01, v1;
	v6 =	vadd.f32 v6, v11;
	v7 =	vmax.f32 v10, v7  }
0x11d: {  	v8 =	vld [tilespmem:s13+$0x3810];
	(erf) = vpow2.f32 v3  }
0x11e: {  	v13 =	vld [tilespmem:s13+$0x3820];
	v3 =	vmul.f32 $1.442695020e+00, v7;
	[tilespmem:s9+$0x6030] =	vst v9;
	v1 =	vmax.f32 v1, v14;
	v9 =	vmul.f32 $2.000000030e-01, v6  }
0x11f: {  	v7 =	vpop (erf);
	v1 =	vmul.f32 $1.442695020e+00, v1  }
0x120: {  	[tilespmem:s9+$0x6070] =	vst v12;
	(erf) = vpow2.f32 v3;
	v5 =	vmul.f32 v7, v5;
	v3 =	vmax.f32 v6, v9  }
0x121: {  	[tilespmem:s9+$0x6040] =	vst v7;
	v7 =	vpop (erf);
	(erf) = vpow2.f32 v1;
	v1 =	vmul.f32 $1.442695020e+00, v3  }
0x122: {  	[tilespmem:s9+$0x6050] =	vst v7  }
0x123: {  	[tilespmem:s9+$0x6000] =	vst v5  }
0x124: {  	v4 =	vmul.f32 v7, v4;
	v3 =	vld [tilespmem:s13+$0x3830]  }
0x125: {  	(erf) = vpow2.f32 v1;
	v1 =	vpop (erf)  }
0x126: {  	[tilespmem:s9+$0x6010] =	vst v4;
	v2 =	vmul.f32 v1, v2  }
0x127: {  	[tilespmem:s9+$0x6060] =	vst v1  }
0x128: {  	v1 =	vpop (erf);
	[tilespmem:s9+$0x6020] =	vst v2  }
0x129: {  	v2 =	vmul.f32 v1, v3;
	[tilespmem:s13+$0x6070] =	vst v1;
	v1 =	vpop (erf)  }
0x12a: {  	v0 =	vmul.f32 v1, v0  }
0x12b: {  	[tilespmem:s13+$0x6030] =	vst v2  }
0x12c: {  	[tilespmem:s13+$0x6040] =	vst v1;
	v1 =	vpop (erf)  }
0x12d: {  	[tilespmem:s13+$0x6050] =	vst v1;
	v1 =	vmul.f32 v1, v8  }
0x12e: {  	[tilespmem:s13+$0x6000] =	vst v0;
	v0 =	vpop (erf)  }
0x12f: {  	[tilespmem:s13+$0x6010] =	vst v1;
	v1 =	vmul.f32 v0, v13  }
0x130: {  	[tilespmem:s13+$0x6060] =	vst v0  }
0x131: {  	s2 =	simm.s32 $0x3400;
	[tilespmem:s13+$0x6020] =	vst v1  }
0x132: {  	[spmem:s1] =	stream.indirect.scatter.add.f32 [tilespmem:s16], [sflag:$0x3], $0x80, s2, s21, $0xb8;
	[tilespmem:$0x1F000] =	vst v63  }
0x133: {  	_ =	swait.ge [sflag:s31], $0x1400  }
0x134: {  	[sflag:s31] =	ssyncset.done $0x0  }
0x135: {  	[sflag:s31] =	ssyncadd.s32 $0xFFFFEC00  }
0x136: {  	_ =	swait.ge [sflag:s0], $0x1400  }
0x137: {  	[sflag:s0] =	ssyncset.done $0x0  }
0x138: {  	[sflag:s0] =	ssyncadd.s32 $0xFFFFEC00  }
0x139: {  	_ =	swait.ge [sflag:s19], $0x1400  }
0x13a: {  	[sflag:s19] =	ssyncset.done $0x0  }
0x13b: {  	s10 =	simm.s32 $0x0;
	[sflag:s19] =	ssyncadd.s32 $0xFFFFEC00  }
0x13c: {  	v0 =	vld [tilespmem:s10+$0x7470]  }
0x13d: {  	v1 =	vld [tilespmem:s10+$0x8830];
	_ =	sdelay $0x2  }
0x13e: {  	v2 =	vld [tilespmem:s10+$0x7440]  }
0x13f: {  	v4 =	vld [tilespmem:s10+$0x8800]  }
0x140: {  	v5 =	vld [tilespmem:s10+$0x7450];
	v0 =	vadd.f32 v1, v0  }
0x141: {  	v6 =	vld [tilespmem:s10+$0x8810]  }
0x142: {  	v9 =	vmul.f32 $2.000000030e-01, v0  }
0x143: {  	v7 =	vld [tilespmem:s10+$0x7460]  }
0x144: {  	s9 =	simm.s32 $0x80;
	v8 =	vld [tilespmem:s10+$0x8820];
	v9 =	vmax.f32 v0, v9  }
0x145: {  	v10 =	vld [tilespmem:s9+$0x7470];
	v2 =	vadd.f32 v4, v2;
	v9 =	vmul.f32 $1.442695020e+00, v9  }
0x146: {  	v4 =	vld [tilespmem:s9+$0x8830];
	v5 =	vadd.f32 v6, v5  }
0x147: {  	v3 =	vld [tilespmem:s10+$0x7400];
	v11 =	vmul.f32 $2.000000030e-01, v2;
	(erf) = vpow2.f32 v9  }
0x148: {  	v12 =	vld [tilespmem:s9+$0x8800];
	v6 =	vmul.f32 $2.000000030e-01, v5  }
0x149: {  	v13 =	vld [tilespmem:s9+$0x7450];
	v8 =	vadd.f32 v8, v7;
	v2 =	vmax.f32 v2, v11  }
0x14a: {  	v11 =	vld [tilespmem:s9+$0x8810];
	v5 =	vmax.f32 v5, v6;
	v2 =	vmul.f32 $1.442695020e+00, v2  }
0x14b: {  	v15 =	vmul.f32 $2.000000030e-01, v8;
	v10 =	vadd.f32 v4, v10;
	v4 =	vmul.f32 $1.442695020e+00, v5;
	v9 =	vld [tilespmem:s9+$0x7440]  }
0x14c: {  	v14 =	vld [tilespmem:s10+$0x7430];
	(erf) = vpow2.f32 v2  }
0x14d: {  	v1 =	vld [tilespmem:s10+$0x7410];
	v2 =	vmax.f32 v8, v15;
	(erf) = vpow2.f32 v4  }
0x14e: {  	v7 =	vld [tilespmem:s9+$0x8820];
	v15 =	vmul.f32 $1.442695020e+00, v2  }
0x14f: {  	v0 =	vld [tilespmem:s10+$0x7420];
	v8 =	vmul.f32 $2.000000030e-01, v10  }
0x150: {  	v6 =	vld [tilespmem:s9+$0x7460];
	v12 =	vadd.f32 v12, v9;
	v9 =	vadd.f32 v11, v13;
	v11 =	vpop (erf);
	(erf) = vpow2.f32 v15  }
0x151: {  	v5 =	vld [tilespmem:s9+$0x7400]  }
0x152: {  	v4 =	vld [tilespmem:s9+$0x7410];
	v8 =	vmax.f32 v10, v8;
	v63 =	vmul.f32 $2.000000030e-01, v12  }
0x153: {  	s13 =	simm.s32 $0x100;
	v2 =	vld [tilespmem:s9+$0x7420];
	v10 =	vmul.f32 $1.442695020e+00, v8;
	[tilespmem:s10+$0x9C70] =	vst v11;
	v13 =	vmul.f32 v11, v14  }
0x154: {  	s2 =	simm.s32 $0x600;
	v12 =	vmax.f32 v12, v63;
	v11 =	vmul.f32 $2.000000030e-01, v9;
	v8 =	vld [tilespmem:s13+$0x7470]  }
.LBB2_11:
0x155: {  	p0 =	sne.s32 s2, $0x4E00;
	v14 =	vld [tilespmem:s13+$0x8830];
	v12 =	vmul.f32 $1.442695020e+00, v12;
	v6 =	vadd.f32 v7, v6;
	(erf) = vpow2.f32 v10;
	[tilespmem:s10+$0x9C30] =	vst v13;
	v7 =	vpop (erf)  }
0x156: {  	v10 =	vld [tilespmem:s13+$0x7440];
	v9 =	vmax.f32 v9, v11;
	v11 =	vmul.f32 v7, v3;
	[tilespmem:s10+$0x9C40] =	vst v7;
	v7 =	vpop (erf);
	v3 =	vmov v5  }
0x157: {  	v5 =	vld [tilespmem:s13+$0x8800];
	v16 =	vmul.f32 $1.442695020e+00, v9;
	v13 =	vmul.f32 $2.000000030e-01, v6;
	[tilespmem:s10+$0x9C50] =	vst v7  }
0x158: {  	v7 =	vmul.f32 v7, v1;
	v1 =	vmov v4;
	v15 =	vld [tilespmem:s13+$0x7450];
	(erf) = vpow2.f32 v12;
	[tilespmem:s10+$0x9C00] =	vst v11  }
0x159: {  	v4 =	vld [tilespmem:s13+$0x8810];
	v6 =	vmax.f32 v6, v13;
	(erf) = vpow2.f32 v16;
	v9 =	vpop (erf)  }
0x15a: {  	v8 =	vadd.f32 v14, v8;
	v11 =	vmul.f32 $1.442695020e+00, v6;
	v12 =	vld [tilespmem:s9+$0x7430];
	[tilespmem:s10+$0x9C10] =	vst v7;
	v13 =	vmul.f32 v9, v0;
	v0 =	vmovc v2  }
0x15b: {  	v6 =	vld [tilespmem:s13+$0x7460];
	[tilespmem:s10+$0x9C60] =	vst v9  }
.Ltmp4:
0x15c: {  	v14 =	vadd.f32 v5, v10;
	v7 =	vld [tilespmem:s13+$0x8820];
	v2 =	vmul.f32 $2.000000030e-01, v8;
	(erf) = vpow2.f32 v11;
	[tilespmem:s10+$0x9C20] =	vst v13;
	s10 =	smov.u32 s9;
	s9 =	smov.u32 s13;
	(pc) =	sbr.rel @p0 .LBB2_11-.Ltmp4, $4  }
0x15d: {  	v5 =	vld [tilespmem:s9+$0x7400]  }
0x15e: {  	v11 =	vmul.f32 $2.000000030e-01, v14;
	v9 =	vadd.f32 v4, v15;
	v4 =	vld [tilespmem:s9+$0x7410];
	v8 =	vmax.f32 v8, v2;
	v15 =	vpop (erf)  }
0x15f: {  	s13 =	sshra.s32 s2, $0x2;
	v2 =	vld [tilespmem:s9+$0x7420];
	v10 =	vmul.f32 $1.442695020e+00, v8;
	v13 =	vmul.f32 v15, v12;
	[tilespmem:s10+$0x9C70] =	vst v15  }
0x160: {  	s2 =	sadd.s32 $0x200, s2;
	v8 =	vld [tilespmem:s13+$0x7470];
	v12 =	vmax.f32 v14, v11;
	v11 =	vmul.f32 $2.000000030e-01, v9  }
0x161: {  	v14 =	vld [tilespmem:s13+$0x8830];
	[tilespmem:s10+$0x9C30] =	vst v13;
	v32 =	vpop (erf)  }
0x162: {  	v15 =	vld [tilespmem:s13+$0x7440];
	[tilespmem:s10+$0x9C40] =	vst v32;
	v16 =	vpop (erf);
	v3 =	vmul.f32 v32, v3  }
0x163: {  	(erf) = vpow2.f32 v10;
	v34 =	vmul.f32 $1.442695020e+00, v12;
	v17 =	vld [tilespmem:s13+$0x8800];
	[tilespmem:s10+$0x9C50] =	vst v16  }
0x164: {  	v6 =	vadd.f32 v7, v6;
	v35 =	vmax.f32 v9, v11;
	v1 =	vmul.f32 v16, v1;
	v33 =	vld [tilespmem:s13+$0x7450];
	[tilespmem:s10+$0x9C00] =	vst v3  }
0x165: {  	v7 =	vmul.f32 $1.442695020e+00, v35;
	v3 =	vld [tilespmem:s13+$0x8810]  }
0x166: {  	v37 =	vmul.f32 $2.000000030e-01, v6;
	(erf) = vpow2.f32 v34;
	v36 =	vld [tilespmem:s9+$0x7430];
	[tilespmem:s10+$0x9C10] =	vst v1;
	v38 =	vpop (erf)  }
0x167: {  	(erf) = vpow2.f32 v7;
	v39 =	vld [tilespmem:s13+$0x7460];
	v40 =	vadd.f32 v14, v8;
	[tilespmem:s10+$0x9C60] =	vst v38  }
0x168: {  	v1 =	vmax.f32 v6, v37;
	v0 =	vmul.f32 v38, v0;
	v41 =	vld [tilespmem:s13+$0x8820]  }
0x169: {  	v1 =	vmul.f32 $1.442695020e+00, v1;
	v8 =	vmul.f32 $2.000000030e-01, v40  }
0x16a: {  	v42 =	vadd.f32 v17, v15  }
0x16b: {  	[tilespmem:s10+$0x9C20] =	vst v0;
	(erf) = vpow2.f32 v1;
	v43 =	vadd.f32 v3, v33;
	v44 =	vmax.f32 v40, v8  }
0x16c: {  	v0 =	vld [tilespmem:s13+$0x7400];
	v45 =	vmul.f32 $2.000000030e-01, v42;
	v47 =	vpop (erf);
	v3 =	vmul.f32 $1.442695020e+00, v44  }
0x16d: {  	v46 =	vld [tilespmem:s13+$0x7410];
	v9 =	vmul.f32 v47, v36;
	v49 =	vmul.f32 $2.000000030e-01, v43;
	v6 =	vadd.f32 v41, v39  }
0x16e: {  	v48 =	vld [tilespmem:s13+$0x7420];
	[tilespmem:s9+$0x9C70] =	vst v47;
	v7 =	vmax.f32 v42, v45;
	(erf) = vpow2.f32 v3  }
0x16f: {  	v51 =	vpop (erf);
	v50 =	vmul.f32 $1.442695020e+00, v7;
	[tilespmem:s9+$0x9C30] =	vst v9;
	v1 =	vmax.f32 v43, v49;
	v52 =	vmul.f32 $2.000000030e-01, v6  }
0x170: {  	v5 =	vmul.f32 v51, v5;
	[tilespmem:s9+$0x9C40] =	vst v51;
	v53 =	vpop (erf);
	v1 =	vmul.f32 $1.442695020e+00, v1  }
0x171: {  	[tilespmem:s9+$0x9C50] =	vst v53;
	(erf) = vpow2.f32 v50;
	v54 =	vmax.f32 v6, v52  }
0x172: {  	[tilespmem:s9+$0x9C00] =	vst v5;
	(erf) = vpow2.f32 v1;
	v55 =	vmul.f32 $1.442695020e+00, v54  }
0x173: {  	v56 =	vld [tilespmem:s13+$0x7430]  }
0x174: {  	v4 =	vmul.f32 v53, v4;
	(erf) = vpow2.f32 v55  }
0x175: {  	v57 =	vpop (erf)  }
0x176: {  	[tilespmem:s9+$0x9C10] =	vst v4;
	v2 =	vmul.f32 v57, v2  }
0x177: {  	[tilespmem:s9+$0x9C60] =	vst v57;
	v58 =	vpop (erf)  }
0x178: {  	[tilespmem:s9+$0x9C20] =	vst v2;
	v59 =	vmul.f32 v58, v56  }
0x179: {  	[tilespmem:s13+$0x9C70] =	vst v58  }
0x17a: {  	v60 =	vpop (erf);
	[tilespmem:s13+$0x9C30] =	vst v59  }
0x17b: {  	s12 =	sadd.s32 $0x1, s12;
	v0 =	vmul.f32 v60, v0;
	[tilespmem:s13+$0x9C40] =	vst v60;
	v61 =	vpop (erf)  }
0x17c: {  	p0 =	sne.s32 s12, $0x5;
	[tilespmem:s13+$0x9C50] =	vst v61;
	v1 =	vmul.f32 v61, v46  }
.Ltmp5:
0x17d: {  	[tilespmem:s13+$0x9C00] =	vst v0;
	v62 =	vpop (erf);
	(pc) =	sbr.rel @p0 .LBB2_2-.Ltmp5, $4  }
0x17e: {  	[tilespmem:s13+$0x9C10] =	vst v1;
	v63 =	vmul.f32 v62, v48  }
0x17f: {  	[tilespmem:s13+$0x9C60] =	vst v62  }
0x180: {  	[tilespmem:s13+$0x9C20] =	vst v63  }
0x181: {  	[spmem:s1] =	stream.indirect.scatter.add.f32 [tilespmem:s17], [sflag:$0x6], $0x80, s3, s21, $0xb8;
	[tilespmem:$0x1F000] =	vst v63  }
0x182: {  	_ =	swait.ge [sflag:s18], $0x1400  }
0x183: {  	[sflag:s18] =	ssyncset.done $0x0  }
0x184: {  	[sflag:s18] =	ssyncadd.s32 $0xFFFFEC00  }
0x185: {  	_ =	swait.ge [sflag:s19], $0x1400  }
0x186: {  	[sflag:s19] =	ssyncset.done $0x0  }
0x187: {  	[sflag:s19] =	ssyncadd.s32 $0xFFFFEC00  }
0x188: {  	[bflag:$0x0] =	sbarrier.arrive $0xFFFF  }
0x189: {  	s12 =	rddreg [dreg:$0x4]  }
0x18a: {  	s2 =	rddreg [dreg:$0x5]  }
0x18b: {  	s9 =	rddreg [dreg:$0x7]  }
0x18c: {  	[hbm:s2], [sflag:s12] =	dma.local [spmem:s9], $0x2800  }
0x18d: {  	_ =	swait.ge [sflag:s15], $0x2800  }
0x18e: {  	s10 =	rddreg [dreg:$0x8]  }
0x18f: {  	s26 =	rddreg [dreg:$0x6];
	s10 =	sadd.s32 $0x1, s10  }
0x190: {  	p0 =	sne.s32 s10, s26  }
.Ltmp6:
0x191: {  	_ = 	snop;
	(pc) =	sbr.rel @p0 .LBB2_1-.Ltmp6, $3  }
0x192: {  	_ =	sdelay $0x1  }
0x193: {  	[sflag:s15] =	ssyncset.done $0x0  }
0x194: {  	[sflag:s15] =	ssyncadd.s32 $0xFFFFD800  }
0x195: {  	_ =	sfence.sel $0x180000  }
0x196: {  	[bflag:$0x0] =	sbarrier.arrive $0xFFFF  }
0x197: {  	_ =	strace $0x9000004A  }
0x198: {  	s0 =	stileid.u32;
	[bflag:$0x2] =	sbarrier.arrive $0xFFFF  }
0x199: {  	p0 =	sne.s32 s0, $0x0;
	s0 =	rddreg [dreg:$0x2]  }
0x19a: {  	s0 =	sadd.s32 @!p0 $0x100000, s0  }
0x19b: {  	[sflag:s0] =	ssyncadd.tile.s32 @!p0 $0x1;
	_ =	shalt  }
.Lfunc_end2:
_tile_overlayer_lowered:
.L_overlay_start_2:
0x19c: {  	(tag) =	ssettag $0x2  }
0x19d: {  	s0 =	rddreg [dreg:$0x0];
	s2 =	stileid.u32  }
0x19e: {  	s1 =	rddreg [dreg:$0x1];
	p0 =	sne.s32 s2, $0x0  }
0x19f: {  	s3 =	rddreg [dreg:$0x2];
	[bflag:$0x3] =	sbarrier.arrive $0xFFFF;
	s2 =	simm.s32 @!p0 $0x1C07  }
0x1a0: {  	[timem:s3], [sflag:s2] =	dma.local @!p0 [hbm:s0], s1  }
0x1a1: {  	s0 =	simm.s32 @!p0 $0x7  }
0x1a2: {  	_ =	swait.ge @!p0 [sflag:s0], s1  }
0x1a3: {  	s1 =	ssub.s32 @!p0 $0x0, s1;
	[sflag:s0] =	ssyncset.done @!p0 $0x0  }
0x1a4: {  	[sflag:s0] =	ssyncadd.s32 @!p0 s1  }
0x1a5: {  	[bflag:$0x3] =	sbarrier.arrive $0xFFFF  }
0x1a6: {  	_ =	shalt  }

// kernel: kernel.7.cloned.1.call-start
scs
__scs_entry_jumppad:
0x0: {  	(pc) =	sbr.rel $0x88, $3  }
0x1: {  	(tag) =	ssettag $0x0;
	lr =	simm.s32 $0x1  }
0x2: {  	[smem:$0x3F97] =	sst lr;
	_ =	strace $0xD0000000  }
0x3: {  	_ = 	snop  }
0x4: {  	_ = 	snop  }
0x5: {  	_ = 	snop  }
0x6: {  	_ = 	snop  }
0x7: {  	_ = 	snop  }
__scs_overlays_trampoline_lowered:
0x8: {  	[smem:$0x3FA6] =	sst s0  }
0x9: {  	[smem:$0x3FA7] =	sst s1  }
0xa: {  	[smem:$0x3FA8] =	sst s2  }
0xb: {  	[smem:$0x3FA9] =	sst s3  }
0xc: {  	[smem:$0x3FAA] =	sst s4  }
0xd: {  	[smem:$0x3FAB] =	sst s5  }
0xe: {  	[smem:$0x3FAC] =	sst s6  }
0xf: {  	[smem:$0x3FAD] =	sst s7  }
0x10: {  	[smem:$0x3FAE] =	sst s8  }
0x11: {  	[smem:$0x3FAF] =	sst s9;
	s0 =	simm.s32 @!p0 $0x0  }
0x12: {  	s1 =	sld [smem:$0x3F95];
	s0 =	simm.s32 @p0 $0x1  }
0x13: {  	[smem:$0x3FB0] =	sst s0;
	s0 =	simm.s32 @!p1 $0x0  }
0x14: {  	s2 =	sld [smem:$0x3F94];
	s0 =	simm.s32 @p1 $0x1  }
0x15: {  	[smem:$0x3FB1] =	sst s0;
	s0 =	simm.s32 @!p2 $0x0  }
0x16: {  	s3 =	sld [smem:$0x3FDB];
	s0 =	simm.s32 @p2 $0x1  }
0x17: {  	s4 =	simm.s32 $0x1BF5;
	[smem:$0x3FB3] =	sst s0  }
0x18: {  	s0 =	sld [smem:$0x3F96];
	_ =	swait.ge [sflag:s4], $0x0  }
0x19: {  	s7 =	sld [smem:$0x3F97]  }
0x1a: {  	s8 =	sadd.s32 $0xFFFFE003, lr  }
0x1b: {  	s9 =	sadd.s32 $0xFFFFFEF7, lr;
	s5 =	simm.s32 $0xFFFFFFFF;
	p2 =	slt.u32 s8, $0xFFFFF086  }
0x1c: {  	p1 =	slt.u32 s9, $0xF7A;
	s5 =	simm.s32 @!p2 $0x0  }
0x1d: {  	s5 =	simm.s32 @p1 $0x1;
	p0 =	seq.s32 s7, s2  }
0x1e: {  	s7 =	smul.u32 @!p0 $0xF7A, s2;
	p2 =	seq.s32 @!p0 s5, $0x0  }
0x1f: {  	s9 =	smul.u32 $0xF7A, s1;
	s8 =	simm.s32 @!p0 $0x1BF5;
	p2 =	por !p2, p0  }
0x20: {  	[sflag:s8] =	ssyncset.s32 @!p0 $0xFFFFF086;
	s6 =	sadd.s32 @!p0 s3, s7;
	s7 =	simm.s32 @!p0 $0x108  }
0x21: {  	s3 =	sadd.s32 s3, s9;
	s6 =	sadd.s32 @!p0 $0x88, s6;
	s7 =	simm.s32 @p2 $0x1082  }
0x22: {  	[simem:s7], [sflag:s8] =	dma.local @!p0 [hbm:s6], $0xF7A  }
0x23: {  	s9 =	sor.u32 $0xD0000000, s2;
	s6 =	simm.s32 $0x108;
	_ =	swait.ge @!p0 [sflag:s8], $0x0  }
0x24: {  	s3 =	sadd.s32 $0x88, s3;
	s6 =	simm.s32 @!p1 $0x1082;
	[sflag:s4] =	ssyncset.s32 $0xFFFFF086  }
0x25: {  	[simem:s6], [sflag:s4] =	dma.local [hbm:s3], $0xF7A  }
0x26: {  	[smem:$0x3F97] =	sst s1;
	(tag) =	ssettag s2;
	_ =	strace s9  }
0x27: {  	s1 =	sld [smem:$0x3FA7]  }
0x28: {  	s2 =	sld [smem:$0x3FA8]  }
0x29: {  	s4 =	sld [smem:$0x3FAA]  }
0x2a: {  	p0 =	seq.s32 s5, $0x0;
	s5 =	sld [smem:$0x3FAB]  }
0x2b: {  	s6 =	sld [smem:$0x3FAC]  }
0x2c: {  	s7 =	sld [smem:$0x3FAD]  }
0x2d: {  	s3 =	simm.s32 $0x108;
	s8 =	sld [smem:$0x3FAE]  }
0x2e: {  	s3 =	simm.s32 @!p0 $0x1082;
	s9 =	sld [smem:$0x3FAF]  }
0x2f: {  	lr =	sadd.s32 s0, s3;
	s0 =	sld [smem:$0x3FA6]  }
0x30: {  	s3 =	sld [smem:$0x3FA9]  }
0x31: {  	[smem:$0x3FB2] =	sst s10  }
0x32: {  	s10 =	sld [smem:$0x3FB0];
	_ =	sdelay $0x3  }
0x33: {  	p0 =	seq.s32 s10, $0x1;
	s10 =	sld [smem:$0x3FB2];
	_ =	sdelay $0x3  }
0x34: {  	[smem:$0x3FB2] =	sst s10  }
0x35: {  	s10 =	sld [smem:$0x3FB1];
	_ =	sdelay $0x3  }
0x36: {  	p1 =	seq.s32 s10, $0x1;
	s10 =	sld [smem:$0x3FB2];
	_ =	sdelay $0x3  }
0x37: {  	[smem:$0x3FB2] =	sst s10  }
0x38: {  	s10 =	sld [smem:$0x3FB3]  }
0x39: {  	_ = 	snop;
	(pc) =	sbr.ind lr, $3  }
0x3a: {  	_ = 	snop  }
0x3b: {  	_ = 	snop  }
0x3c: {  	p2 =	seq.s32 s10, $0x1;
	s10 =	sld [smem:$0x3FB2]  }
0x3d: {  	_ =	shalt  }
0x3e: {  	_ =	shalt  }
0x3f: {  	_ =	shalt  }
0x40: {  	_ =	shalt  }
0x41: {  	_ =	shalt  }
0x42: {  	_ =	shalt  }
0x43: {  	_ =	shalt  }
0x44: {  	_ =	shalt  }
0x45: {  	_ =	shalt  }
0x46: {  	_ =	shalt  }
0x47: {  	_ =	shalt  }
0x48: {  	_ =	shalt  }
0x49: {  	_ =	shalt  }
0x4a: {  	_ =	shalt  }
0x4b: {  	_ =	shalt  }
0x4c: {  	_ =	shalt  }
0x4d: {  	_ =	shalt  }
0x4e: {  	_ =	shalt  }
0x4f: {  	_ =	shalt  }
0x50: {  	_ =	shalt  }
0x51: {  	_ =	shalt  }
0x52: {  	_ =	shalt  }
0x53: {  	_ =	shalt  }
0x54: {  	_ =	shalt  }
0x55: {  	_ =	shalt  }
0x56: {  	_ =	shalt  }
0x57: {  	_ =	shalt  }
0x58: {  	_ =	shalt  }
0x59: {  	_ =	shalt  }
0x5a: {  	_ =	shalt  }
0x5b: {  	_ =	shalt  }
0x5c: {  	_ =	shalt  }
0x5d: {  	_ =	shalt  }
0x5e: {  	_ =	shalt  }
0x5f: {  	_ =	shalt  }
0x60: {  	_ =	shalt  }
0x61: {  	_ =	shalt  }
0x62: {  	_ =	shalt  }
0x63: {  	_ =	shalt  }
0x64: {  	_ =	shalt  }
0x65: {  	_ =	shalt  }
0x66: {  	_ =	shalt  }
0x67: {  	_ =	shalt  }
0x68: {  	_ =	shalt  }
0x69: {  	_ =	shalt  }
0x6a: {  	_ =	shalt  }
0x6b: {  	_ =	shalt  }
0x6c: {  	_ =	shalt  }
0x6d: {  	_ =	shalt  }
0x6e: {  	_ =	shalt  }
0x6f: {  	_ =	shalt  }
0x70: {  	_ =	shalt  }
0x71: {  	_ =	shalt  }
0x72: {  	_ =	shalt  }
0x73: {  	_ =	shalt  }
0x74: {  	_ =	shalt  }
0x75: {  	_ =	shalt  }
0x76: {  	_ =	shalt  }
0x77: {  	_ =	shalt  }
0x78: {  	_ =	shalt  }
0x79: {  	_ =	shalt  }
0x7a: {  	_ =	shalt  }
0x7b: {  	_ =	shalt  }
0x7c: {  	_ =	shalt  }
0x7d: {  	_ =	shalt  }
0x7e: {  	_ =	shalt  }
0x7f: {  	_ =	shalt  }
0x80: {  	_ =	shalt  }
0x81: {  	_ =	shalt  }
0x82: {  	_ =	shalt  }
0x83: {  	_ =	shalt  }
0x84: {  	_ =	shalt  }
0x85: {  	_ =	shalt  }
0x86: {  	_ =	shalt  }
0x87: {  	_ =	shalt  }
.Lfunc_end0:
.L_simem_size_0:
called_computation_lowered:
.L_overlay_start_0:
0x88: {  	s2 =	sld [smem:$0x3FD9]  }
0x89: {  	s3 =	sld [smem:$0x3FFE];
	_ =	sdelay $0x1  }
0x8a: {  	s1 =	srdreg.scid  }
0x8b: {  	s0 =	sand.u32 $0x1, s1  }
0x8c: {  	s16 =	sshll.u32 s0, $0xA;
	s2 =	sadd.s32 s3, s2  }
0x8d: {  	s2 =	sadd.s32 s2, s16  }
0x8e: {  	[smem:$0x3FBE] =	sst s2  }
0x8f: {  	_ = 	snop  }
0x90: {  	(tm) =	ssettm $0x1  }
0x91: {  	s17 =	sld [smem:$0x3FFB];
	_ =	sdelay $0x3  }
0x92: {  	_ =	strace s17  }
0x93: {  	s2 =	sld [smem:$0x3FFC];
	_ =	sdelay $0x3  }
0x94: {  	_ =	strace s2  }
0x95: {  	s2 =	sld [smem:$0x3FFD];
	_ =	sdelay $0x3  }
0x96: {  	_ =	strace s2  }
0x97: {  	_ =	strace $0x8FFFFFFF  }
0x98: {  	s18 =	sld [smem:$0x3FDB];
	_ =	sdelay $0x1  }
0x99: {  	s19 =	simm.s32 $_scs_section_size  }
0x9a: {  	s4 =	simm.s32 $_size__tile_overlayer_lowered;
	s5 =	simm.s32 $_tile_overlayer_lowered  }
0x9b: {  	s22 =	simm.s32 $0x1BFF;
	s21 =	sshll.u32 s5, $0x1;
	s2 =	sadd.s32 s19, s18  }
0x9c: {  	s6 =	simm.s32 $0x0;
	s20 =	sshll.u32 s4, $0x1;
	s4 =	sadd.s32 s21, s2  }
0x9d: {  	[timem:s6], [sflag:s22] =	dma.local [hbm:s4], s20  }
0x9e: {  	_ =	swait.ge [sflag:s22], s20  }
0x9f: {  	s3 =	ssub.s32 $0x0, s20;
	[sflag:s22] =	ssyncset.done $0x0  }
0xa0: {  	[sflag:s22] =	ssyncadd.s32 s3;
	_ =	sdelay $0x1  }
0xa1: {  	s23 =	simm.s32 $0x1B8B  }
0xa2: {  	_ =	swait.ge [sflag:s23], $0x1  }
0xa3: {  	[sflag:s23] =	ssyncset.done $0x0  }
0xa4: {  	s25 =	simm.s32 $0x1B8E;
	s24 =	sld [smem:$0x3FFE];
	[sflag:s23] =	ssyncadd.s32 $0xFFFFFFFF  }
0xa5: {  	s26 =	simm.s32 $execute0_lowered;
	[smem:$0x3FD2] =	sst s25  }
0xa6: {  	s4 =	sshll.u32 s26, $0x1;
	_ =	strace $0x80000046;
	[dreg:$0x1] =	wrdreg $0xFFFFFFFF  }
0xa7: {  	s28 =	simm.s32 $_size_execute0_lowered;
	s2 =	sadd.s32 s2, s4;
	[dreg:$0x0] =	wrdreg $0x0  }
0xa8: {  	s4 =	sshll.u32 s28, $0x1;
	[dreg:$0x2] =	wrdreg s2  }
0xa9: {  	[dreg:$0x3] =	wrdreg s4  }
0xaa: {  	[dreg:$0x4] =	wrdreg $0xC0  }
0xab: {  	_ =	task [dreg:s6], $0x5FFFF  }
0xac: {  	[dreg:$0x1] =	wrdreg $0xFFFFFFFF  }
0xad: {  	[dreg:$0x0] =	wrdreg $0x60  }
0xae: {  	[dreg:$0x2] =	wrdreg s24  }
0xaf: {  	[dreg:$0x3] =	wrdreg $0xB0000  }
0xb0: {  	[dreg:$0x4] =	wrdreg $0x9  }
0xb1: {  	_ =	task.clear_ibuf [dreg:s6], $0x5FFFF;
	_ =	strace $0x90000046  }
0xb2: {  	s29 =	simm.s32 $0x9;
	_ =	strace $0x80000048  }
0xb3: {  	_ =	swait.ge [sflag:s29], $0x1  }
0xb4: {  	[sflag:s29] =	ssyncadd.s32 $0xFFFFFFFF  }
0xb5: {  	_ =	strace $0x90000048  }
0xb6: {  	_ =	sfence  }
0xb7: {  	s30 =	sld [smem:$0x0];
	_ =	sdelay $0x2  }
0xb8: {  	s31 =	sshll.u32 s1, $0xD;
	s1 =	sshrl.u32 s1, $0x2  }
0xb9: {  	s3 =	sand.u32 $0x4000, s31;
	s1 =	sadd.s32 s1, s30  }
0xba: {  	s0 =	sor.u32 s3, s0;
	s1 =	sshll.u32 s1, $0x11  }
0xbb: {  	s0 =	sor.u32 s1, s0  }
0xbc: {  	s0 =	sadd.s32 $0x8F2B, s0  }
0xbd: {  	[sflag:s0] =	ssyncadd.remote.s32 $0x1  }
0xbe: {  	_ =	sfence.sel $0xFFFF  }
0xbf: {  	[dreg:$0x0] =	wrdreg $0xFFFFFFFF;
	(pc) =	sbr.abs _section_cstart, $3  }
0xc0: {  	[dreg:$0x1] =	wrdreg $0xFFFFFFFF  }
0xc1: {  	_ =	task.clear_ibuf [dreg:s6], $0x2FFFF;
	_ =	strace $0x9FFFFFFF  }
0xc2: {  	(tm) =	ssettm $0x7FFFFFFF  }
0xc3: {  	_ =	shalt  }
tec
execute0_lowered:
.L_overlay_start_1:
0x0: {  	(tag) =	ssettag $0x1  }
0x1: {  	s0 =	rddreg [dreg:$0x0]  }
0x2: {  	s1 =	rddreg [dreg:$0x1];
	s3 =	simm.s32 $0x0;
	s2 =	srdreg.scid  }
0x3: {  	s12 =	stileid.u32;
	s15 =	simm.s32 $0x7;
	s16 =	simm.s32 $0x6000  }
0x4: {  	s17 =	simm.s32 $0x9C00;
	s18 =	simm.s32 $0x3;
	s19 =	simm.s32 $0x6  }
0x5: {  	s20 =	simm.s32 $0x1C00;
	s28 =	simm.s32 $0x8800;
	s29 =	simm.s32 $0x1  }
0x6: {  	s30 =	simm.s32 $0x2;
	s31 =	simm.s32 $0x4;
	[smem:$0x7FF] =	sst s3  }
0x7: {  	s2 =	sand.u32 $0x1, s2;
	s4 =	sadd.s32 $0x2000, s0;
	s9 =	smul.u32 $0x14000, s12  }
0x8: {  	s5 =	sadd.s32 $0x25000, s0;
	s6 =	sadd.s32 $0x48000, s0;
	s7 =	sadd.s32 $0x6F200, s0  }
0x9: {  	s8 =	sadd.s32 $0x96400, s0;
	s11 =	smul.u32 $0x50000, s12;
	s23 =	sshll.u32 s12, $0x1  }
0xa: {  	s25 =	sshll.u32 s12, $0x6;
	s21 =	smul.u32 $0x140000, s2;
	_ =	strace $0x80000047  }
0xb: {  	s22 =	ssub.s32 $0x2, s2;
	s2 =	sor.u32 s2, s23;
	s12 =	sor.u32 $0x1C07, s25  }
0xc: {  	s23 =	simm.s32 $0x4C00;
	s25 =	simm.s32 $0x7400;
	s10 =	sshrl.u32 s22, $0x1  }
0xd: {  	s24 =	sshrl.u32 s11, $0x2;
	s11 =	smul.u32 $0x8C00, s2;
	[dreg:$0x4] =	wrdreg s12  }
0xe: {  	s3 =	sadd.s32 s9, s21;
	s9 =	ssub.s32 s22, s10;
	s10 =	sadd.s32 s24, s1  }
0xf: {  	s21 =	simm.s32 $0x28;
	s22 =	simm.s32 $0x3800;
	s26 =	smax.u32 s9, $0x1  }
0x10: {  	s3 =	sshrl.u32 s3, $0x3;
	s9 =	sshrl.u32 s10, $0x3;
	[dreg:$0x6] =	wrdreg s26  }
0x11: {  	s0 =	sadd.s32 s3, s0;
	s3 =	sadd.s32 s8, s3;
	[dreg:$0x7] =	wrdreg s9  }
0x12: {  	s10 =	simm.s32 $0x0;
	[dreg:$0x3] =	wrdreg s3;
	s0 =	sadd.s32 $0xE6400, s0  }
0x13: {  	s3 =	simm.s32 $0x3480;
	[dreg:$0x5] =	wrdreg s0;
	s0 =	simm.s32 $0x5  }
.LBB2_1:
0x14: {  	[dreg:$0x8] =	wrdreg s10  }
0x15: {  	s2 =	rddreg [dreg:$0x3]  }
0x16: {  	[spmem:s9], [sflag:s12] =	dma.local [hbm:s2], $0x2800  }
0x17: {  	_ =	swait.ge [sflag:s15], $0x2800  }
0x18: {  	[sflag:s15] =	ssyncset.done $0x0  }
0x19: {  	[sflag:s15] =	ssyncadd.s32 $0xFFFFD800  }
0x1a: {  	s26 =	simm.s32 $0x0;
	[bflag:$0x0] =	sbarrier.arrive $0xFFFF  }
0x1b: {  	[tilespmem:s16], [sflag:$0x3] =	stream.linear.gather [hbm4b:s8+s26], $0x1400, $0x38;
	[tilespmem:$0x1F000] =	vst v63  }
0x1c: {  	s12 =	simm.s32 $0x0  }
0x1d: {  	[tilespmem:s17], [sflag:$0x6] =	stream.linear.gather [hbm4b:s8+s26], $0x1400, $0x38;
	[tilespmem:$0x1F000] =	vst v63  }
.LBB2_2:
0x1e: {  	_ =	swait.ge [sflag:s18], $0x1400  }
0x1f: {  	s2 =	smul.u32 $0x1C00, s12;
	[sflag:s18] =	ssyncset.done $0x0  }
0x20: {  	[sflag:s18] =	ssyncadd.s32 $0xFFFFEC00  }
0x21: {  	s2 =	sadd.s32 s11, s2;
	_ =	swait.ge [sflag:s19], $0x1400  }
0x22: {  	s2 =	sshrl.u32 s2, $0x3;
	[sflag:s19] =	ssyncset.done $0x0  }
0x23: {  	s13 =	simm.s32 $0x0;
	s9 =	sadd.s32 s4, s2;
	[sflag:s19] =	ssyncadd.s32 $0xFFFFEC00  }
0x24: {  	[tilespmem:s13], [sflag:$0x7] =	stream.linear.gather [hbm4b:s9+s13], $0x1900, $0x38;
	[tilespmem:$0x1F000] =	vst v63  }
0x25: {  	_ =	swait.ge [sflag:s15], $0x1900  }
0x26: {  	[sflag:s15] =	ssyncset.done $0x0  }
0x27: {  	s2 =	sadd.s32 s5, s2;
	[sflag:s15] =	ssyncadd.s32 $0xFFFFE700  }
0x28: {  	[tilespmem:s20], [sflag:$0x7] =	stream.linear.gather [hbm4b:s2+s13], $0x1900, $0x38;
	[tilespmem:$0x1F000] =	vst v63  }
0x29: {  	_ =	swait.ge [sflag:s15], $0x1900  }
0x2a: {  	[sflag:s15] =	ssyncset.done $0x0  }
0x2b: {  	[sflag:s15] =	ssyncadd.s32 $0xFFFFE700  }
0x2c: {  	[tilespmem:s16], [sflag:$0x3] =	stream.linear.gather [hbm4b:s8+s13], $0x1400, $0x38;
	[tilespmem:$0x1F000] =	vst v63  }
0x2d: {  	_ = 	snop  }
0x2e: {  	[tilespmem:s17], [sflag:$0x6] =	stream.linear.gather [hbm4b:s8+s13], $0x1400, $0x38;
	[tilespmem:$0x1F000] =	vst v63  }
0x2f: {  	_ = 	snop  }
0x30: {  	[tilespmem:s22], [sflag:$0x1] =	stream.indirect.gather [hbm4b:s6+s21], $0x80, s13, s21, $0xb8;
	[tilespmem:$0x1F000] =	vst v63  }
0x31: {  	_ = 	snop  }
0x32: {  	[tilespmem:s23], [sflag:$0x2] =	stream.indirect.gather [hbm4b:s7+s21], $0x80, s20, s21, $0xb8;
	[tilespmem:$0x1F000] =	vst v63  }
0x33: {  	s24 =	simm.s32 $0x80  }
0x34: {  	[tilespmem:s25], [sflag:$0x4] =	stream.indirect.gather [hbm4b:s6+s21], $0x80, s24, s21, $0xb8;
	[tilespmem:$0x1F000] =	vst v63  }
0x35: {  	s26 =	simm.s32 $0x1C80  }
0x36: {  	[tilespmem:s28], [sflag:$0x5] =	stream.indirect.gather [hbm4b:s7+s21], $0x80, s26, s21, $0xb8;
	[tilespmem:$0x1F000] =	vst v63  }
.LBB2_3:
0x37: {  	_ =	swait.ge [sflag:s29], $0x1400  }
0x38: {  	[sflag:s29] =	ssyncset.done $0x0  }
0x39: {  	[sflag:s29] =	ssyncadd.s32 $0xFFFFEC00  }
0x3a: {  	_ =	swait.ge [sflag:s30], $0x1400  }
0x3b: {  	[sflag:s30] =	ssyncset.done $0x0  }
0x3c: {  	[sflag:s30] =	ssyncadd.s32 $0xFFFFEC00  }
0x3d: {  	_ =	swait.ge [sflag:s18], $0x1400  }
0x3e: {  	[sflag:s18] =	ssyncset.done $0x0  }
0x3f: {  	s9 =	simm.s32 $0x0;
	[sflag:s18] =	ssyncadd.s32 $0xFFFFEC00  }
0x40: {  	v0 =	vld [tilespmem:s9+$0x3870]  }
0x41: {  	v1 =	vld [tilespmem:s9+$0x4C30];
	_ =	sdelay $0x2  }
0x42: {  	v2 =	vld [tilespmem:s9+$0x3840]  }
0x43: {  	v4 =	vld [tilespmem:s9+$0x4C00]  }
0x44: {  	v5 =	vld [tilespmem:s9+$0x3850];
	v0 =	vadd.f32 v1, v0  }
0x45: {  	v6 =	vld [tilespmem:s9+$0x4C10]  }
0x46: {  	v9 =	vmul.f32 $2.000000030e-01, v0  }
0x47: {  	v7 =	vld [tilespmem:s9+$0x3860]  }
0x48: {  	s10 =	simm.s32 $0x80;
	v8 =	vld [tilespmem:s9+$0x4C20];
	v9 =	vmax.f32 v0, v9  }
0x49: {  	v10 =	vld [tilespmem:s10+$0x3870];
	v2 =	vadd.f32 v4, v2;
	v9 =	vmul.f32 $1.442695020e+00, v9  }
0x4a: {  	v4 =	vld [tilespmem:s10+$0x4C30];
	v5 =	vadd.f32 v6, v5  }
0x4b: {  	v3 =	vld [tilespmem:s9+$0x3800];
	v11 =	vmul.f32 $2.000000030e-01, v2;
	(erf) = vpow2.f32 v9  }
0x4c: {  	v12 =	vld [tilespmem:s10+$0x4C00];
	v6 =	vmul.f32 $2.000000030e-01, v5  }
0x4d: {  	v13 =	vld [tilespmem:s10+$0x3850];
	v8 =	vadd.f32 v8, v7;
	v2 =	vmax.f32 v2, v11  }
0x4e: {  	v11 =	vld [tilespmem:s10+$0x4C10];
	v5 =	vmax.f32 v5, v6;
	v2 =	vmul.f32 $1.442695020e+00, v2  }
0x4f: {  	v15 =	vmul.f32 $2.000000030e-01, v8;
	v10 =	vadd.f32 v4, v10;
	v4 =	vmul.f32 $1.442695020e+00, v5;
	v9 =	vld [tilespmem:s10+$0x3840]  }
0x50: {  	v14 =	vld [tilespmem:s9+$0x3830];
	(erf) = vpow2.f32 v2  }
0x51: {  	v1 =	vld [tilespmem:s9+$0x3810];
	v2 =	vmax.f32 v8, v15;
	(erf) = vpow2.f32 v4  }
0x52: {  	v7 =	vld [tilespmem:s10+$0x4C20];
	v15 =	vmul.f32 $1.442695020e+00, v2  }
0x53: {  	v0 =	vld [tilespmem:s9+$0x3820];
	v8 =	vmul.f32 $2.000000030e-01, v10  }
0x54: {  	v6 =	vld [tilespmem:s10+$0x3860];
	v12 =	vadd.f32 v12, v9;
	v9 =	vadd.f32 v11, v13;
	v11 =	vpop (erf);
	(erf) = vpow2.f32 v15  }
0x55: {  	v5 =	vld [tilespmem:s10+$0x3800]  }
0x56: {  	v4 =	vld [tilespmem:s10+$0x3810];
	v8 =	vmax.f32 v10, v8;
	v16 =	vmul.f32 $2.000000030e-01, v12  }
0x57: {  	s24 =	simm.s32 $0x100;
	v2 =	vld [tilespmem:s10+$0x3820];
	v10 =	vmul.f32 $1.442695020e+00, v8;
	[tilespmem:s9+$0x6070] =	vst v11;
	v13 =	vmul.f32 v11, v14  }
0x58: {  	s14 =	simm.s32 $0x600;
	v12 =	vmax.f32 v12, v16;
	v11 =	vmul.f32 $2.000000030e-01, v9;
	v8 =	vld [tilespmem:s24+$0x3870]  }
.LBB2_4:
0x59: {  	p0 =	sne.s32 s14, $0x4E00;
	v14 =	vld [tilespmem:s24+$0x4C30];
	v12 =	vmul.f32 $1.442695020e+00, v12;
	v6 =	vadd.f32 v7, v6;
	(erf) = vpow2.f32 v10;
	[tilespmem:s9+$0x6030] =	vst v13;
	v7 =	vpop (erf)  }
0x5a: {  	v10 =	vld [tilespmem:s24+$0x3840];
	v9 =	vmax.f32 v9, v11;
	v11 =	vmul.f32 v7, v3;
	[tilespmem:s9+$0x6040] =	vst v7;
	v7 =	vpop (erf);
	v3 =	vmov v5  }
0x5b: {  	v5 =	vld [tilespmem:s24+$0x4C00];
	v16 =	vmul.f32 $1.442695020e+00, v9;
	v13 =	vmul.f32 $2.000000030e-01, v6;
	[tilespmem:s9+$0x6050] =	vst v7  }
0x5c: {  	v7 =	vmul.f32 v7, v1;
	v1 =	vmov v4;
	v15 =	vld [tilespmem:s24+$0x3850];
	(erf) = vpow2.f32 v12;
	[tilespmem:s9+$0x6000] =	vst v11  }
0x5d: {  	v4 =	vld [tilespmem:s24+$0x4C10];
	v6 =	vmax.f32 v6, v13;
	(erf) = vpow2.f32 v16;
	v9 =	vpop (erf)  }
0x5e: {  	v8 =	vadd.f32 v14, v8;
	v11 =	vmul.f32 $1.442695020e+00, v6;
	v12 =	vld [tilespmem:s10+$0x3830];
	[tilespmem:s9+$0x6010] =	vst v7;
	v13 =	vmul.f32 v9, v0;
	v0 =	vmovc v2  }
0x5f: {  	v6 =	vld [tilespmem:s24+$0x3860];
	[tilespmem:s9+$0x6060] =	vst v9  }
.Ltmp0:
0x60: {  	v14 =	vadd.f32 v5, v10;
	v7 =	vld [tilespmem:s24+$0x4C20];
	v2 =	vmul.f32 $2.000000030e-01, v8;
	(erf) = vpow2.f32 v11;
	[tilespmem:s9+$0x6020] =	vst v13;
	s9 =	smov.u32 s10;
	s10 =	smov.u32 s24;
	(pc) =	sbr.rel @p0 .LBB2_4-.Ltmp0, $4  }
0x61: {  	v5 =	vld [tilespmem:s10+$0x3800]  }
0x62: {  	v11 =	vmul.f32 $2.000000030e-01, v14;
	v9 =	vadd.f32 v4, v15;
	v4 =	vld [tilespmem:s10+$0x3810];
	v8 =	vmax.f32 v8, v2;
	v15 =	vpop (erf)  }
0x63: {  	s24 =	sshra.s32 s14, $0x2;
	v2 =	vld [tilespmem:s10+$0x3820];
	v10 =	vmul.f32 $1.442695020e+00, v8;
	v13 =	vmul.f32 v15, v12;
	[tilespmem:s9+$0x6070] =	vst v15  }
0x64: {  	s14 =	sadd.s32 $0x200, s14;
	v8 =	vld [tilespmem:s24+$0x3870];
	v12 =	vmax.f32 v14, v11;
	v11 =	vmul.f32 $2.000000030e-01, v9  }
0x65: {  	v14 =	vld [tilespmem:s24+$0x4C30];
	[tilespmem:s9+$0x6030] =	vst v13;
	v13 =	vpop (erf)  }
0x66: {  	v15 =	vld [tilespmem:s24+$0x3840];
	[tilespmem:s9+$0x6040] =	vst v13;
	v16 =	vpop (erf);
	v3 =	vmul.f32 v13, v3  }
0x67: {  	(erf) = vpow2.f32 v10;
	v10 =	vmul.f32 $1.442695020e+00, v12;
	v17 =	vld [tilespmem:s24+$0x4C00];
	[tilespmem:s9+$0x6050] =	vst v16  }
0x68: {  	v6 =	vadd.f32 v7, v6;
	v1 =	vmul.f32 v16, v1;
	v13 =	vld [tilespmem:s24+$0x3850];
	[tilespmem:s9+$0x6000] =	vst v3  }
0x69: {  	v7 =	vmax.f32 v9, v11;
	v3 =	vld [tilespmem:s24+$0x4C10]  }
0x6a: {  	v7 =	vmul.f32 $1.442695020e+00, v7;
	v9 =	vld [tilespmem:s10+$0x3830];
	[tilespmem:s9+$0x6010] =	vst v1;
	v1 =	vmul.f32 $2.000000030e-01, v6  }
0x6b: {  	(erf) = vpow2.f32 v10;
	v10 =	vpop (erf)  }
0x6c: {  	(erf) = vpow2.f32 v7;
	v11 =	vld [tilespmem:s24+$0x3860];
	v7 =	vadd.f32 v14, v8;
	[tilespmem:s9+$0x6060] =	vst v10;
	v1 =	vmax.f32 v6, v1  }
0x6d: {  	v6 =	vld [tilespmem:s24+$0x4C20];
	v1 =	vmul.f32 $1.442695020e+00, v1  }
0x6e: {  	v0 =	vmul.f32 v10, v0;
	v8 =	vmul.f32 $2.000000030e-01, v7;
	v10 =	vadd.f32 v17, v15  }
0x6f: {  	(erf) = vpow2.f32 v1  }
0x70: {  	v1 =	vadd.f32 v3, v13;
	v3 =	vmax.f32 v7, v8;
	v7 =	vmul.f32 $2.000000030e-01, v10;
	v12 =	vpop (erf)  }
0x71: {  	[tilespmem:s9+$0x6020] =	vst v0;
	v3 =	vmul.f32 $1.442695020e+00, v3;
	v9 =	vmul.f32 v12, v9  }
0x72: {  	v0 =	vld [tilespmem:s24+$0x3800];
	v14 =	vmul.f32 $2.000000030e-01, v1;
	v6 =	vadd.f32 v6, v11;
	v7 =	vmax.f32 v10, v7  }
0x73: {  	v8 =	vld [tilespmem:s24+$0x3810];
	(erf) = vpow2.f32 v3  }
0x74: {  	v13 =	vld [tilespmem:s24+$0x3820];
	v3 =	vmul.f32 $1.442695020e+00, v7;
	[tilespmem:s10+$0x6030] =	vst v9;
	v1 =	vmax.f32 v1, v14;
	v9 =	vmul.f32 $2.000000030e-01, v6  }
0x75: {  	v7 =	vpop (erf);
	v1 =	vmul.f32 $1.442695020e+00, v1  }
0x76: {  	[tilespmem:s10+$0x6070] =	vst v12;
	(erf) = vpow2.f32 v3;
	v5 =	vmul.f32 v7, v5;
	v3 =	vmax.f32 v6, v9  }
0x77: {  	[tilespmem:s10+$0x6040] =	vst v7;
	v7 =	vpop (erf);
	(erf) = vpow2.f32 v1;
	v1 =	vmul.f32 $1.442695020e+00, v3  }
0x78: {  	[tilespmem:s10+$0x6050] =	vst v7  }
0x79: {  	[tilespmem:s10+$0x6000] =	vst v5  }
0x7a: {  	v4 =	vmul.f32 v7, v4;
	v3 =	vld [tilespmem:s24+$0x3830]  }
0x7b: {  	(erf) = vpow2.f32 v1;
	v1 =	vpop (erf)  }
0x7c: {  	[tilespmem:s10+$0x6010] =	vst v4;
	v2 =	vmul.f32 v1, v2  }
0x7d: {  	[tilespmem:s10+$0x6060] =	vst v1  }
0x7e: {  	v1 =	vpop (erf);
	[tilespmem:s10+$0x6020] =	vst v2  }
0x7f: {  	v2 =	vmul.f32 v1, v3;
	[tilespmem:s24+$0x6070] =	vst v1;
	v1 =	vpop (erf)  }
0x80: {  	v0 =	vmul.f32 v1, v0  }
0x81: {  	[tilespmem:s24+$0x6030] =	vst v2  }
0x82: {  	[tilespmem:s24+$0x6040] =	vst v1;
	v1 =	vpop (erf)  }
0x83: {  	[tilespmem:s24+$0x6050] =	vst v1;
	v1 =	vmul.f32 v1, v8  }
0x84: {  	[tilespmem:s24+$0x6000] =	vst v0;
	v0 =	vpop (erf)  }
0x85: {  	s10 =	sshll.u32 s13, $0x8;
	[tilespmem:s24+$0x6010] =	vst v1;
	v1 =	vmul.f32 v0, v13  }
0x86: {  	s14 =	sand.u32 $0x3FFFFF00, s10;
	[tilespmem:s24+$0x6060] =	vst v0  }
0x87: {  	s2 =	sadd.s32 $0x1C00, s14;
	[tilespmem:s24+$0x6020] =	vst v1  }
0x88: {  	[spmem:s1] =	stream.indirect.scatter.add.f32 [tilespmem:s16], [sflag:$0x3], $0x80, s2, s21, $0xb8;
	[tilespmem:$0x1F000] =	vst v63  }
0x89: {  	s24 =	sadd.s32 $0x100, s10  }
0x8a: {  	[tilespmem:s22], [sflag:$0x1] =	stream.indirect.gather [hbm4b:s6+s21], $0x80, s24, s21, $0xb8;
	[tilespmem:$0x1F000] =	vst v63  }
0x8b: {  	s26 =	sadd.s32 $0x1D00, s10  }
0x8c: {  	[tilespmem:s23], [sflag:$0x2] =	stream.indirect.gather [hbm4b:s7+s21], $0x80, s26, s21, $0xb8;
	[tilespmem:$0x1F000] =	vst v63  }
0x8d: {  	_ =	swait.ge [sflag:s31], $0x1400  }
0x8e: {  	[sflag:s31] =	ssyncset.done $0x0  }
0x8f: {  	[sflag:s31] =	ssyncadd.s32 $0xFFFFEC00  }
0x90: {  	_ =	swait.ge [sflag:s0], $0x1400  }
0x91: {  	[sflag:s0] =	ssyncset.done $0x0  }
0x92: {  	[sflag:s0] =	ssyncadd.s32 $0xFFFFEC00  }
0x93: {  	_ =	swait.ge [sflag:s19], $0x1400  }
0x94: {  	[sflag:s19] =	ssyncset.done $0x0  }
0x95: {  	s24 =	simm.s32 $0x0;
	[sflag:s19] =	ssyncadd.s32 $0xFFFFEC00  }
0x96: {  	v0 =	vld [tilespmem:s24+$0x7470]  }
0x97: {  	v1 =	vld [tilespmem:s24+$0x8830];
	_ =	sdelay $0x2  }
0x98: {  	v2 =	vld [tilespmem:s24+$0x7440]  }
0x99: {  	v4 =	vld [tilespmem:s24+$0x8800]  }
0x9a: {  	v5 =	vld [tilespmem:s24+$0x7450];
	v0 =	vadd.f32 v1, v0  }
0x9b: {  	v6 =	vld [tilespmem:s24+$0x8810]  }
0x9c: {  	v9 =	vmul.f32 $2.000000030e-01, v0  }
0x9d: {  	v7 =	vld [tilespmem:s24+$0x7460]  }
0x9e: {  	s9 =	simm.s32 $0x80;
	v8 =	vld [tilespmem:s24+$0x8820];
	v9 =	vmax.f32 v0, v9  }
0x9f: {  	v10 =	vld [tilespmem:s9+$0x7470];
	v2 =	vadd.f32 v4, v2;
	v9 =	vmul.f32 $1.442695020e+00, v9  }
0xa0: {  	v4 =	vld [tilespmem:s9+$0x8830];
	v5 =	vadd.f32 v6, v5  }
0xa1: {  	v3 =	vld [tilespmem:s24+$0x7400];
	v11 =	vmul.f32 $2.000000030e-01, v2;
	(erf) = vpow2.f32 v9  }
0xa2: {  	v12 =	vld [tilespmem:s9+$0x8800];
	v6 =	vmul.f32 $2.000000030e-01, v5  }
0xa3: {  	v13 =	vld [tilespmem:s9+$0x7450];
	v8 =	vadd.f32 v8, v7;
	v2 =	vmax.f32 v2, v11  }
0xa4: {  	v11 =	vld [tilespmem:s9+$0x8810];
	v5 =	vmax.f32 v5, v6;
	v2 =	vmul.f32 $1.442695020e+00, v2  }
0xa5: {  	v15 =	vmul.f32 $2.000000030e-01, v8;
	v10 =	vadd.f32 v4, v10;
	v4 =	vmul.f32 $1.442695020e+00, v5;
	v9 =	vld [tilespmem:s9+$0x7440]  }
0xa6: {  	v14 =	vld [tilespmem:s24+$0x7430];
	(erf) = vpow2.f32 v2  }
0xa7: {  	v1 =	vld [tilespmem:s24+$0x7410];
	v2 =	vmax.f32 v8, v15;
	(erf) = vpow2.f32 v4  }
0xa8: {  	v7 =	vld [tilespmem:s9+$0x8820];
	v15 =	vmul.f32 $1.442695020e+00, v2  }
0xa9: {  	v0 =	vld [tilespmem:s24+$0x7420];
	v8 =	vmul.f32 $2.000000030e-01, v10  }
0xaa: {  	v6 =	vld [tilespmem:s9+$0x7460];
	v12 =	vadd.f32 v12, v9;
	v9 =	vadd.f32 v11, v13;
	v11 =	vpop (erf);
	(erf) = vpow2.f32 v15  }
0xab: {  	v5 =	vld [tilespmem:s9+$0x7400]  }
0xac: {  	v4 =	vld [tilespmem:s9+$0x7410];
	v8 =	vmax.f32 v10, v8;
	v63 =	vmul.f32 $2.000000030e-01, v12  }
0xad: {  	s26 =	simm.s32 $0x100;
	v2 =	vld [tilespmem:s9+$0x7420];
	v10 =	vmul.f32 $1.442695020e+00, v8;
	[tilespmem:s24+$0x9C70] =	vst v11;
	v13 =	vmul.f32 v11, v14  }
0xae: {  	s2 =	simm.s32 $0x600;
	v12 =	vmax.f32 v12, v63;
	v11 =	vmul.f32 $2.000000030e-01, v9;
	v8 =	vld [tilespmem:s26+$0x7470]  }
.LBB2_6:
0xaf: {  	p0 =	sne.s32 s2, $0x4E00;
	v14 =	vld [tilespmem:s26+$0x8830];
	v12 =	vmul.f32 $1.442695020e+00, v12;
	v6 =	vadd.f32 v7, v6;
	(erf) = vpow2.f32 v10;
	[tilespmem:s24+$0x9C30] =	vst v13;
	v7 =	vpop (erf)  }
0xb0: {  	v10 =	vld [tilespmem:s26+$0x7440];
	v9 =	vmax.f32 v9, v11;
	v11 =	vmul.f32 v7, v3;
	[tilespmem:s24+$0x9C40] =	vst v7;
	v7 =	vpop (erf);
	v3 =	vmov v5  }
0xb1: {  	v5 =	vld [tilespmem:s26+$0x8800];
	v16 =	vmul.f32 $1.442695020e+00, v9;
	v13 =	vmul.f32 $2.000000030e-01, v6;
	[tilespmem:s24+$0x9C50] =	vst v7  }
0xb2: {  	v7 =	vmul.f32 v7, v1;
	v1 =	vmov v4;
	v15 =	vld [tilespmem:s26+$0x7450];
	(erf) = vpow2.f32 v12;
	[tilespmem:s24+$0x9C00] =	vst v11  }
0xb3: {  	v4 =	vld [tilespmem:s26+$0x8810];
	v6 =	vmax.f32 v6, v13;
	(erf) = vpow2.f32 v16;
	v9 =	vpop (erf)  }
0xb4: {  	v8 =	vadd.f32 v14, v8;
	v11 =	vmul.f32 $1.442695020e+00, v6;
	v12 =	vld [tilespmem:s9+$0x7430];
	[tilespmem:s24+$0x9C10] =	vst v7;
	v13 =	vmul.f32 v9, v0;
	v0 =	vmovc v2  }
0xb5: {  	v6 =	vld [tilespmem:s26+$0x7460];
	[tilespmem:s24+$0x9C60] =	vst v9  }
.Ltmp1:
0xb6: {  	v14 =	vadd.f32 v5, v10;
	v7 =	vld [tilespmem:s26+$0x8820];
	v2 =	vmul.f32 $2.000000030e-01, v8;
	(erf) = vpow2.f32 v11;
	[tilespmem:s24+$0x9C20] =	vst v13;
	s24 =	smov.u32 s9;
	s9 =	smov.u32 s26;
	(pc) =	sbr.rel @p0 .LBB2_6-.Ltmp1, $4  }
0xb7: {  	v5 =	vld [tilespmem:s9+$0x7400]  }
0xb8: {  	v11 =	vmul.f32 $2.000000030e-01, v14;
	v9 =	vadd.f32 v4, v15;
	v4 =	vld [tilespmem:s9+$0x7410];
	v8 =	vmax.f32 v8, v2;
	v15 =	vpop (erf)  }
0xb9: {  	s26 =	sshra.s32 s2, $0x2;
	v2 =	vld [tilespmem:s9+$0x7420];
	v10 =	vmul.f32 $1.442695020e+00, v8;
	v13 =	vmul.f32 v15, v12;
	[tilespmem:s24+$0x9C70] =	vst v15  }
0xba: {  	s2 =	sadd.s32 $0x200, s2;
	v8 =	vld [tilespmem:s26+$0x7470];
	v12 =	vmax.f32 v14, v11;
	v11 =	vmul.f32 $2.000000030e-01, v9  }
0xbb: {  	v14 =	vld [tilespmem:s26+$0x8830];
	[tilespmem:s24+$0x9C30] =	vst v13;
	v32 =	vpop (erf)  }
0xbc: {  	v15 =	vld [tilespmem:s26+$0x7440];
	[tilespmem:s24+$0x9C40] =	vst v32;
	v16 =	vpop (erf);
	v3 =	vmul.f32 v32, v3  }
0xbd: {  	(erf) = vpow2.f32 v10;
	v34 =	vmul.f32 $1.442695020e+00, v12;
	v17 =	vld [tilespmem:s26+$0x8800];
	[tilespmem:s24+$0x9C50] =	vst v16  }
0xbe: {  	v6 =	vadd.f32 v7, v6;
	v35 =	vmax.f32 v9, v11;
	v1 =	vmul.f32 v16, v1;
	v33 =	vld [tilespmem:s26+$0x7450];
	[tilespmem:s24+$0x9C00] =	vst v3  }
0xbf: {  	v7 =	vmul.f32 $1.442695020e+00, v35;
	v3 =	vld [tilespmem:s26+$0x8810]  }
0xc0: {  	v37 =	vmul.f32 $2.000000030e-01, v6;
	(erf) = vpow2.f32 v34;
	v36 =	vld [tilespmem:s9+$0x7430];
	[tilespmem:s24+$0x9C10] =	vst v1;
	v38 =	vpop (erf)  }
0xc1: {  	(erf) = vpow2.f32 v7;
	v39 =	vld [tilespmem:s26+$0x7460];
	v40 =	vadd.f32 v14, v8;
	[tilespmem:s24+$0x9C60] =	vst v38  }
0xc2: {  	v1 =	vmax.f32 v6, v37;
	v0 =	vmul.f32 v38, v0;
	v41 =	vld [tilespmem:s26+$0x8820]  }
0xc3: {  	v1 =	vmul.f32 $1.442695020e+00, v1;
	v8 =	vmul.f32 $2.000000030e-01, v40  }
0xc4: {  	v42 =	vadd.f32 v17, v15  }
0xc5: {  	[tilespmem:s24+$0x9C20] =	vst v0;
	(erf) = vpow2.f32 v1;
	v43 =	vadd.f32 v3, v33;
	v44 =	vmax.f32 v40, v8  }
0xc6: {  	v0 =	vld [tilespmem:s26+$0x7400];
	v45 =	vmul.f32 $2.000000030e-01, v42;
	v47 =	vpop (erf);
	v3 =	vmul.f32 $1.442695020e+00, v44  }
0xc7: {  	v46 =	vld [tilespmem:s26+$0x7410];
	v9 =	vmul.f32 v47, v36;
	v49 =	vmul.f32 $2.000000030e-01, v43;
	v6 =	vadd.f32 v41, v39  }
0xc8: {  	v48 =	vld [tilespmem:s26+$0x7420];
	[tilespmem:s9+$0x9C70] =	vst v47;
	v7 =	vmax.f32 v42, v45;
	(erf) = vpow2.f32 v3  }
0xc9: {  	v51 =	vpop (erf);
	v50 =	vmul.f32 $1.442695020e+00, v7;
	[tilespmem:s9+$0x9C30] =	vst v9;
	v1 =	vmax.f32 v43, v49;
	v52 =	vmul.f32 $2.000000030e-01, v6  }
0xca: {  	v5 =	vmul.f32 v51, v5;
	[tilespmem:s9+$0x9C40] =	vst v51;
	v53 =	vpop (erf);
	v1 =	vmul.f32 $1.442695020e+00, v1  }
0xcb: {  	[tilespmem:s9+$0x9C50] =	vst v53;
	(erf) = vpow2.f32 v50;
	v54 =	vmax.f32 v6, v52  }
0xcc: {  	[tilespmem:s9+$0x9C00] =	vst v5;
	(erf) = vpow2.f32 v1;
	v55 =	vmul.f32 $1.442695020e+00, v54  }
0xcd: {  	v56 =	vld [tilespmem:s26+$0x7430]  }
0xce: {  	v4 =	vmul.f32 v53, v4;
	(erf) = vpow2.f32 v55  }
0xcf: {  	v57 =	vpop (erf)  }
0xd0: {  	[tilespmem:s9+$0x9C10] =	vst v4;
	v2 =	vmul.f32 v57, v2  }
0xd1: {  	[tilespmem:s9+$0x9C60] =	vst v57;
	v58 =	vpop (erf)  }
0xd2: {  	[tilespmem:s9+$0x9C20] =	vst v2;
	v59 =	vmul.f32 v58, v56  }
0xd3: {  	[tilespmem:s26+$0x9C70] =	vst v58  }
0xd4: {  	v60 =	vpop (erf);
	[tilespmem:s26+$0x9C30] =	vst v59  }
0xd5: {  	v0 =	vmul.f32 v60, v0;
	[tilespmem:s26+$0x9C40] =	vst v60;
	v61 =	vpop (erf)  }
0xd6: {  	[tilespmem:s26+$0x9C50] =	vst v61;
	v1 =	vmul.f32 v61, v46  }
0xd7: {  	[tilespmem:s26+$0x9C00] =	vst v0;
	v62 =	vpop (erf)  }
0xd8: {  	[tilespmem:s26+$0x9C10] =	vst v1;
	v63 =	vmul.f32 v62, v48  }
0xd9: {  	s13 =	sadd.s32 $0x1, s13;
	[tilespmem:s26+$0x9C60] =	vst v62  }
0xda: {  	s2 =	sadd.s32 $0x1C80, s14;
	p0 =	sne.s32 s13, $0x18;
	[tilespmem:s26+$0x9C20] =	vst v63  }
0xdb: {  	[spmem:s1] =	stream.indirect.scatter.add.f32 [tilespmem:s17], [sflag:$0x6], $0x80, s2, s21, $0xb8;
	[tilespmem:$0x1F000] =	vst v63  }
.Ltmp2:
0xdc: {  	_ = 	snop;
	(pc) =	sbr.rel @p0 .LBB2_3-.Ltmp2, $4  }
0xdd: {  	s24 =	sadd.s32 $0x180, s10  }
0xde: {  	[tilespmem:s25], [sflag:$0x4] =	stream.indirect.gather [hbm4b:s6+s21], $0x80, s24, s21, $0xb8;
	[tilespmem:$0x1F000] =	vst v63  }
0xdf: {  	s26 =	sadd.s32 $0x1D80, s10  }
0xe0: {  	[tilespmem:s28], [sflag:$0x5] =	stream.indirect.gather [hbm4b:s7+s21], $0x80, s26, s21, $0xb8;
	[tilespmem:$0x1F000] =	vst v63  }
0xe1: {  	_ =	swait.ge [sflag:s29], $0x1400  }
0xe2: {  	[sflag:s29] =	ssyncset.done $0x0  }
0xe3: {  	[sflag:s29] =	ssyncadd.s32 $0xFFFFEC00  }
0xe4: {  	_ =	swait.ge [sflag:s30], $0x1400  }
0xe5: {  	[sflag:s30] =	ssyncset.done $0x0  }
0xe6: {  	[sflag:s30] =	ssyncadd.s32 $0xFFFFEC00  }
0xe7: {  	_ =	swait.ge [sflag:s18], $0x1400  }
0xe8: {  	[sflag:s18] =	ssyncset.done $0x0  }
0xe9: {  	s10 =	simm.s32 $0x0;
	[sflag:s18] =	ssyncadd.s32 $0xFFFFEC00  }
0xea: {  	v0 =	vld [tilespmem:s10+$0x3870]  }
0xeb: {  	v1 =	vld [tilespmem:s10+$0x4C30];
	_ =	sdelay $0x2  }
0xec: {  	v2 =	vld [tilespmem:s10+$0x3840]  }
0xed: {  	v4 =	vld [tilespmem:s10+$0x4C00]  }
0xee: {  	v5 =	vld [tilespmem:s10+$0x3850];
	v0 =	vadd.f32 v1, v0  }
0xef: {  	v6 =	vld [tilespmem:s10+$0x4C10]  }
0xf0: {  	v9 =	vmul.f32 $2.000000030e-01, v0  }
0xf1: {  	v7 =	vld [tilespmem:s10+$0x3860]  }
0xf2: {  	s9 =	simm.s32 $0x80;
	v8 =	vld [tilespmem:s10+$0x4C20];
	v9 =	vmax.f32 v0, v9  }
0xf3: {  	v10 =	vld [tilespmem:s9+$0x3870];
	v2 =	vadd.f32 v4, v2;
	v9 =	vmul.f32 $1.442695020e+00, v9  }
0xf4: {  	v4 =	vld [tilespmem:s9+$0x4C30];
	v5 =	vadd.f32 v6, v5  }
0xf5: {  	v3 =	vld [tilespmem:s10+$0x3800];
	v11 =	vmul.f32 $2.000000030e-01, v2;
	(erf) = vpow2.f32 v9  }
0xf6: {  	v12 =	vld [tilespmem:s9+$0x4C00];
	v6 =	vmul.f32 $2.000000030e-01, v5  }
0xf7: {  	v13 =	vld [tilespmem:s9+$0x3850];
	v8 =	vadd.f32 v8, v7;
	v2 =	vmax.f32 v2, v11  }
0xf8: {  	v11 =	vld [tilespmem:s9+$0x4C10];
	v5 =	vmax.f32 v5, v6;
	v2 =	vmul.f32 $1.442695020e+00, v2  }
0xf9: {  	v15 =	vmul.f32 $2.000000030e-01, v8;
	v10 =	vadd.f32 v4, v10;
	v4 =	vmul.f32 $1.442695020e+00, v5;
	v9 =	vld [tilespmem:s9+$0x3840]  }
0xfa: {  	v14 =	vld [tilespmem:s10+$0x3830];
	(erf) = vpow2.f32 v2  }
0xfb: {  	v1 =	vld [tilespmem:s10+$0x3810];
	v2 =	vmax.f32 v8, v15;
	(erf) = vpow2.f32 v4  }
0xfc: {  	v7 =	vld [tilespmem:s9+$0x4C20];
	v15 =	vmul.f32 $1.442695020e+00, v2  }
0xfd: {  	v0 =	vld [tilespmem:s10+$0x3820];
	v8 =	vmul.f32 $2.000000030e-01, v10  }
0xfe: {  	v6 =	vld [tilespmem:s9+$0x3860];
	v12 =	vadd.f32 v12, v9;
	v9 =	vadd.f32 v11, v13;
	v11 =	vpop (erf);
	(erf) = vpow2.f32 v15  }
0xff: {  	v5 =	vld [tilespmem:s9+$0x3800]  }
0x100: {  	v4 =	vld [tilespmem:s9+$0x3810];
	v8 =	vmax.f32 v10, v8;
	v16 =	vmul.f32 $2.000000030e-01, v12  }
0x101: {  	s13 =	simm.s32 $0x100;
	v2 =	vld [tilespmem:s9+$0x3820];
	v10 =	vmul.f32 $1.442695020e+00, v8;
	[tilespmem:s10+$0x6070] =	vst v11;
	v13 =	vmul.f32 v11, v14  }
0x102: {  	s2 =	simm.s32 $0x600;
	v12 =	vmax.f32 v12, v16;
	v11 =	vmul.f32 $2.000000030e-01, v9;
	v8 =	vld [tilespmem:s13+$0x3870]  }
.LBB2_9:
0x103: {  	p0 =	sne.s32 s2, $0x4E00;
	v14 =	vld [tilespmem:s13+$0x4C30];
	v12 =	vmul.f32 $1.442695020e+00, v12;
	v6 =	vadd.f32 v7, v6;
	(erf) = vpow2.f32 v10;
	[tilespmem:s10+$0x6030] =	vst v13;
	v7 =	vpop (erf)  }
0x104: {  	v10 =	vld [tilespmem:s13+$0x3840];
	v9 =	vmax.f32 v9, v11;
	v11 =	vmul.f32 v7, v3;
	[tilespmem:s10+$0x6040] =	vst v7;
	v7 =	vpop (erf);
	v3 =	vmov v5  }
0x105: {  	v5 =	vld [tilespmem:s13+$0x4C00];
	v16 =	vmul.f32 $1.442695020e+00, v9;
	v13 =	vmul.f32 $2.000000030e-01, v6;
	[tilespmem:s10+$0x6050] =	vst v7  }
0x106: {  	v7 =	vmul.f32 v7, v1;
	v1 =	vmov v4;
	v15 =	vld [tilespmem:s13+$0x3850];
	(erf) = vpow2.f32 v12;
	[tilespmem:s10+$0x6000] =	vst v11  }
0x107: {  	v4 =	vld [tilespmem:s13+$0x4C10];
	v6 =	vmax.f32 v6, v13;
	(erf) = vpow2.f32 v16;
	v9 =	vpop (erf)  }
0x108: {  	v8 =	vadd.f32 v14, v8;
	v11 =	vmul.f32 $1.442695020e+00, v6;
	v12 =	vld [tilespmem:s9+$0x3830];
	[tilespmem:s10+$0x6010] =	vst v7;
	v13 =	vmul.f32 v9, v0;
	v0 =	vmovc v2  }
0x109: {  	v6 =	vld [tilespmem:s13+$0x3860];
	[tilespmem:s10+$0x6060] =	vst v9  }
.Ltmp3:
0x10a: {  	v14 =	vadd.f32 v5, v10;
	v7 =	vld [tilespmem:s13+$0x4C20];
	v2 =	vmul.f32 $2.000000030e-01, v8;
	(erf) = vpow2.f32 v11;
	[tilespmem:s10+$0x6020] =	vst v13;
	s10 =	smov.u32 s9;
	s9 =	smov.u32 s13;
	(pc) =	sbr.rel @p0 .LBB2_9-.Ltmp3, $4  }
0x10b: {  	v5 =	vld [tilespmem:s9+$0x3800]  }
0x10c: {  	v11 =	vmul.f32 $2.000000030e-01, v14;
	v9 =	vadd.f32 v4, v15;
	v4 =	vld [tilespmem:s9+$0x3810];
	v8 =	vmax.f32 v8, v2;
	v15 =	vpop (erf)  }
0x10d: {  	s13 =	sshra.s32 s2, $0x2;
	v2 =	vld [tilespmem:s9+$0x3820];
	v10 =	vmul.f32 $1.442695020e+00, v8;
	v13 =	vmul.f32 v15, v12;
	[tilespmem:s10+$0x6070] =	vst v15  }
0x10e: {  	s2 =	sadd.s32 $0x200, s2;
	v8 =	vld [tilespmem:s13+$0x3870];
	v12 =	vmax.f32 v14, v11;
	v11 =	vmul.f32 $2.000000030e-01, v9  }
0x10f: {  	v14 =	vld [tilespmem:s13+$0x4C30];
	[tilespmem:s10+$0x6030] =	vst v13;
	v13 =	vpop (erf)  }
0x110: {  	v15 =	vld [tilespmem:s13+$0x3840];
	[tilespmem:s10+$0x6040] =	vst v13;
	v16 =	vpop (erf);
	v3 =	vmul.f32 v13, v3  }
0x111: {  	(erf) = vpow2.f32 v10;
	v10 =	vmul.f32 $1.442695020e+00, v12;
	v17 =	vld [tilespmem:s13+$0x4C00];
	[tilespmem:s10+$0x6050] =	vst v16  }
0x112: {  	v6 =	vadd.f32 v7, v6;
	v1 =	vmul.f32 v16, v1;
	v13 =	vld [tilespmem:s13+$0x3850];
	[tilespmem:s10+$0x6000] =	vst v3  }
0x113: {  	v7 =	vmax.f32 v9, v11;
	v3 =	vld [tilespmem:s13+$0x4C10]  }
0x114: {  	v7 =	vmul.f32 $1.442695020e+00, v7;
	v9 =	vld [tilespmem:s9+$0x3830];
	[tilespmem:s10+$0x6010] =	vst v1;
	v1 =	vmul.f32 $2.000000030e-01, v6  }
0x115: {  	(erf) = vpow2.f32 v10;
	v10 =	vpop (erf)  }
0x116: {  	(erf) = vpow2.f32 v7;
	v11 =	vld [tilespmem:s13+$0x3860];
	v7 =	vadd.f32 v14, v8;
	[tilespmem:s10+$0x6060] =	vst v10;
	v1 =	vmax.f32 v6, v1  }
0x117: {  	v6 =	vld [tilespmem:s13+$0x4C20];
	v1 =	vmul.f32 $1.442695020e+00, v1  }
0x118: {  	v0 =	vmul.f32 v10, v0;
	v8 =	vmul.f32 $2.000000030e-01, v7;
	v10 =	vadd.f32 v17, v15  }
0x119: {  	(erf) = vpow2.f32 v1  }
0x11a: {  	v1 =	vadd.f32 v3, v13;
	v3 =	vmax.f32 v7, v8;
	v7 =	vmul.f32 $2.000000030e-01, v10;
	v12 =	vpop (erf)  }
0x11b: {  	[tilespmem:s10+$0x6020] =	vst v0;
	v3 =	vmul.f32 $1.442695020e+00, v3;
	v9 =	vmul.f32 v12, v9  }
0x11c: {  	v0 =	vld [tilespmem:s13+$0x3800];
	v14 =	vmul.f32 $2.000000030e-01, v1;
	v6 =	vadd.f32 v6, v11;
	v7 =	vmax.f32 v10, v7  }
0x11d: {  	v8 =	vld [tilespmem:s13+$0x3810];
	(erf) = vpow2.f32 v3  }
0x11e: {  	v13 =	vld [tilespmem:s13+$0x3820];
	v3 =	vmul.f32 $1.442695020e+00, v7;
	[tilespmem:s9+$0x6030] =	vst v9;
	v1 =	vmax.f32 v1, v14;
	v9 =	vmul.f32 $2.000000030e-01, v6  }
0x11f: {  	v7 =	vpop (erf);
	v1 =	vmul.f32 $1.442695020e+00, v1  }
0x120: {  	[tilespmem:s9+$0x6070] =	vst v12;
	(erf) = vpow2.f32 v3;
	v5 =	vmul.f32 v7, v5;
	v3 =	vmax.f32 v6, v9  }
0x121: {  	[tilespmem:s9+$0x6040] =	vst v7;
	v7 =	vpop (erf);
	(erf) = vpow2.f32 v1;
	v1 =	vmul.f32 $1.442695020e+00, v3  }
0x122: {  	[tilespmem:s9+$0x6050] =	vst v7  }
0x123: {  	[tilespmem:s9+$0x6000] =	vst v5  }
0x124: {  	v4 =	vmul.f32 v7, v4;
	v3 =	vld [tilespmem:s13+$0x3830]  }
0x125: {  	(erf) = vpow2.f32 v1;
	v1 =	vpop (erf)  }
0x126: {  	[tilespmem:s9+$0x6010] =	vst v4;
	v2 =	vmul.f32 v1, v2  }
0x127: {  	[tilespmem:s9+$0x6060] =	vst v1  }
0x128: {  	v1 =	vpop (erf);
	[tilespmem:s9+$0x6020] =	vst v2  }
0x129: {  	v2 =	vmul.f32 v1, v3;
	[tilespmem:s13+$0x6070] =	vst v1;
	v1 =	vpop (erf)  }
0x12a: {  	v0 =	vmul.f32 v1, v0  }
0x12b: {  	[tilespmem:s13+$0x6030] =	vst v2  }
0x12c: {  	[tilespmem:s13+$0x6040] =	vst v1;
	v1 =	vpop (erf)  }
0x12d: {  	[tilespmem:s13+$0x6050] =	vst v1;
	v1 =	vmul.f32 v1, v8  }
0x12e: {  	[tilespmem:s13+$0x6000] =	vst v0;
	v0 =	vpop (erf)  }
0x12f: {  	[tilespmem:s13+$0x6010] =	vst v1;
	v1 =	vmul.f32 v0, v13  }
0x130: {  	[tilespmem:s13+$0x6060] =	vst v0  }
0x131: {  	s2 =	simm.s32 $0x3400;
	[tilespmem:s13+$0x6020] =	vst v1  }
0x132: {  	[spmem:s1] =	stream.indirect.scatter.add.f32 [tilespmem:s16], [sflag:$0x3], $0x80, s2, s21, $0xb8;
	[tilespmem:$0x1F000] =	vst v63  }
0x133: {  	_ =	swait.ge [sflag:s31], $0x1400  }
0x134: {  	[sflag:s31] =	ssyncset.done $0x0  }
0x135: {  	[sflag:s31] =	ssyncadd.s32 $0xFFFFEC00  }
0x136: {  	_ =	swait.ge [sflag:s0], $0x1400  }
0x137: {  	[sflag:s0] =	ssyncset.done $0x0  }
0x138: {  	[sflag:s0] =	ssyncadd.s32 $0xFFFFEC00  }
0x139: {  	_ =	swait.ge [sflag:s19], $0x1400  }
0x13a: {  	[sflag:s19] =	ssyncset.done $0x0  }
0x13b: {  	s10 =	simm.s32 $0x0;
	[sflag:s19] =	ssyncadd.s32 $0xFFFFEC00  }
0x13c: {  	v0 =	vld [tilespmem:s10+$0x7470]  }
0x13d: {  	v1 =	vld [tilespmem:s10+$0x8830];
	_ =	sdelay $0x2  }
0x13e: {  	v2 =	vld [tilespmem:s10+$0x7440]  }
0x13f: {  	v4 =	vld [tilespmem:s10+$0x8800]  }
0x140: {  	v5 =	vld [tilespmem:s10+$0x7450];
	v0 =	vadd.f32 v1, v0  }
0x141: {  	v6 =	vld [tilespmem:s10+$0x8810]  }
0x142: {  	v9 =	vmul.f32 $2.000000030e-01, v0  }
0x143: {  	v7 =	vld [tilespmem:s10+$0x7460]  }
0x144: {  	s9 =	simm.s32 $0x80;
	v8 =	vld [tilespmem:s10+$0x8820];
	v9 =	vmax.f32 v0, v9  }
0x145: {  	v10 =	vld [tilespmem:s9+$0x7470];
	v2 =	vadd.f32 v4, v2;
	v9 =	vmul.f32 $1.442695020e+00, v9  }
0x146: {  	v4 =	vld [tilespmem:s9+$0x8830];
	v5 =	vadd.f32 v6, v5  }
0x147: {  	v3 =	vld [tilespmem:s10+$0x7400];
	v11 =	vmul.f32 $2.000000030e-01, v2;
	(erf) = vpow2.f32 v9  }
0x148: {  	v12 =	vld [tilespmem:s9+$0x8800];
	v6 =	vmul.f32 $2.000000030e-01, v5  }
0x149: {  	v13 =	vld [tilespmem:s9+$0x7450];
	v8 =	vadd.f32 v8, v7;
	v2 =	vmax.f32 v2, v11  }
0x14a: {  	v11 =	vld [tilespmem:s9+$0x8810];
	v5 =	vmax.f32 v5, v6;
	v2 =	vmul.f32 $1.442695020e+00, v2  }
0x14b: {  	v15 =	vmul.f32 $2.000000030e-01, v8;
	v10 =	vadd.f32 v4, v10;
	v4 =	vmul.f32 $1.442695020e+00, v5;
	v9 =	vld [tilespmem:s9+$0x7440]  }
0x14c: {  	v14 =	vld [tilespmem:s10+$0x7430];
	(erf) = vpow2.f32 v2  }
0x14d: {  	v1 =	vld [tilespmem:s10+$0x7410];
	v2 =	vmax.f32 v8, v15;
	(erf) = vpow2.f32 v4  }
0x14e: {  	v7 =	vld [tilespmem:s9+$0x8820];
	v15 =	vmul.f32 $1.442695020e+00, v2  }
0x14f: {  	v0 =	vld [tilespmem:s10+$0x7420];
	v8 =	vmul.f32 $2.000000030e-01, v10  }
0x150: {  	v6 =	vld [tilespmem:s9+$0x7460];
	v12 =	vadd.f32 v12, v9;
	v9 =	vadd.f32 v11, v13;
	v11 =	vpop (erf);
	(erf) = vpow2.f32 v15  }
0x151: {  	v5 =	vld [tilespmem:s9+$0x7400]  }
0x152: {  	v4 =	vld [tilespmem:s9+$0x7410];
	v8 =	vmax.f32 v10, v8;
	v63 =	vmul.f32 $2.000000030e-01, v12  }
0x153: {  	s13 =	simm.s32 $0x100;
	v2 =	vld [tilespmem:s9+$0x7420];
	v10 =	vmul.f32 $1.442695020e+00, v8;
	[tilespmem:s10+$0x9C70] =	vst v11;
	v13 =	vmul.f32 v11, v14  }
0x154: {  	s2 =	simm.s32 $0x600;
	v12 =	vmax.f32 v12, v63;
	v11 =	vmul.f32 $2.000000030e-01, v9;
	v8 =	vld [tilespmem:s13+$0x7470]  }
.LBB2_11:
0x155: {  	p0 =	sne.s32 s2, $0x4E00;
	v14 =	vld [tilespmem:s13+$0x8830];
	v12 =	vmul.f32 $1.442695020e+00, v12;
	v6 =	vadd.f32 v7, v6;
	(erf) = vpow2.f32 v10;
	[tilespmem:s10+$0x9C30] =	vst v13;
	v7 =	vpop (erf)  }
0x156: {  	v10 =	vld [tilespmem:s13+$0x7440];
	v9 =	vmax.f32 v9, v11;
	v11 =	vmul.f32 v7, v3;
	[tilespmem:s10+$0x9C40] =	vst v7;
	v7 =	vpop (erf);
	v3 =	vmov v5  }
0x157: {  	v5 =	vld [tilespmem:s13+$0x8800];
	v16 =	vmul.f32 $1.442695020e+00, v9;
	v13 =	vmul.f32 $2.000000030e-01, v6;
	[tilespmem:s10+$0x9C50] =	vst v7  }
0x158: {  	v7 =	vmul.f32 v7, v1;
	v1 =	vmov v4;
	v15 =	vld [tilespmem:s13+$0x7450];
	(erf) = vpow2.f32 v12;
	[tilespmem:s10+$0x9C00] =	vst v11  }
0x159: {  	v4 =	vld [tilespmem:s13+$0x8810];
	v6 =	vmax.f32 v6, v13;
	(erf) = vpow2.f32 v16;
	v9 =	vpop (erf)  }
0x15a: {  	v8 =	vadd.f32 v14, v8;
	v11 =	vmul.f32 $1.442695020e+00, v6;
	v12 =	vld [tilespmem:s9+$0x7430];
	[tilespmem:s10+$0x9C10] =	vst v7;
	v13 =	vmul.f32 v9, v0;
	v0 =	vmovc v2  }
0x15b: {  	v6 =	vld [tilespmem:s13+$0x7460];
	[tilespmem:s10+$0x9C60] =	vst v9  }
.Ltmp4:
0x15c: {  	v14 =	vadd.f32 v5, v10;
	v7 =	vld [tilespmem:s13+$0x8820];
	v2 =	vmul.f32 $2.000000030e-01, v8;
	(erf) = vpow2.f32 v11;
	[tilespmem:s10+$0x9C20] =	vst v13;
	s10 =	smov.u32 s9;
	s9 =	smov.u32 s13;
	(pc) =	sbr.rel @p0 .LBB2_11-.Ltmp4, $4  }
0x15d: {  	v5 =	vld [tilespmem:s9+$0x7400]  }
0x15e: {  	v11 =	vmul.f32 $2.000000030e-01, v14;
	v9 =	vadd.f32 v4, v15;
	v4 =	vld [tilespmem:s9+$0x7410];
	v8 =	vmax.f32 v8, v2;
	v15 =	vpop (erf)  }
0x15f: {  	s13 =	sshra.s32 s2, $0x2;
	v2 =	vld [tilespmem:s9+$0x7420];
	v10 =	vmul.f32 $1.442695020e+00, v8;
	v13 =	vmul.f32 v15, v12;
	[tilespmem:s10+$0x9C70] =	vst v15  }
0x160: {  	s2 =	sadd.s32 $0x200, s2;
	v8 =	vld [tilespmem:s13+$0x7470];
	v12 =	vmax.f32 v14, v11;
	v11 =	vmul.f32 $2.000000030e-01, v9  }
0x161: {  	v14 =	vld [tilespmem:s13+$0x8830];
	[tilespmem:s10+$0x9C30] =	vst v13;
	v32 =	vpop (erf)  }
0x162: {  	v15 =	vld [tilespmem:s13+$0x7440];
	[tilespmem:s10+$0x9C40] =	vst v32;
	v16 =	vpop (erf);
	v3 =	vmul.f32 v32, v3  }
0x163: {  	(erf) = vpow2.f32 v10;
	v34 =	vmul.f32 $1.442695020e+00, v12;
	v17 =	vld [tilespmem:s13+$0x8800];
	[tilespmem:s10+$0x9C50] =	vst v16  }
0x164: {  	v6 =	vadd.f32 v7, v6;
	v35 =	vmax.f32 v9, v11;
	v1 =	vmul.f32 v16, v1;
	v33 =	vld [tilespmem:s13+$0x7450];
	[tilespmem:s10+$0x9C00] =	vst v3  }
0x165: {  	v7 =	vmul.f32 $1.442695020e+00, v35;
	v3 =	vld [tilespmem:s13+$0x8810]  }
0x166: {  	v37 =	vmul.f32 $2.000000030e-01, v6;
	(erf) = vpow2.f32 v34;
	v36 =	vld [tilespmem:s9+$0x7430];
	[tilespmem:s10+$0x9C10] =	vst v1;
	v38 =	vpop (erf)  }
0x167: {  	(erf) = vpow2.f32 v7;
	v39 =	vld [tilespmem:s13+$0x7460];
	v40 =	vadd.f32 v14, v8;
	[tilespmem:s10+$0x9C60] =	vst v38  }
0x168: {  	v1 =	vmax.f32 v6, v37;
	v0 =	vmul.f32 v38, v0;
	v41 =	vld [tilespmem:s13+$0x8820]  }
0x169: {  	v1 =	vmul.f32 $1.442695020e+00, v1;
	v8 =	vmul.f32 $2.000000030e-01, v40  }
0x16a: {  	v42 =	vadd.f32 v17, v15  }
0x16b: {  	[tilespmem:s10+$0x9C20] =	vst v0;
	(erf) = vpow2.f32 v1;
	v43 =	vadd.f32 v3, v33;
	v44 =	vmax.f32 v40, v8  }
0x16c: {  	v0 =	vld [tilespmem:s13+$0x7400];
	v45 =	vmul.f32 $2.000000030e-01, v42;
	v47 =	vpop (erf);
	v3 =	vmul.f32 $1.442695020e+00, v44  }
0x16d: {  	v46 =	vld [tilespmem:s13+$0x7410];
	v9 =	vmul.f32 v47, v36;
	v49 =	vmul.f32 $2.000000030e-01, v43;
	v6 =	vadd.f32 v41, v39  }
0x16e: {  	v48 =	vld [tilespmem:s13+$0x7420];
	[tilespmem:s9+$0x9C70] =	vst v47;
	v7 =	vmax.f32 v42, v45;
	(erf) = vpow2.f32 v3  }
0x16f: {  	v51 =	vpop (erf);
	v50 =	vmul.f32 $1.442695020e+00, v7;
	[tilespmem:s9+$0x9C30] =	vst v9;
	v1 =	vmax.f32 v43, v49;
	v52 =	vmul.f32 $2.000000030e-01, v6  }
0x170: {  	v5 =	vmul.f32 v51, v5;
	[tilespmem:s9+$0x9C40] =	vst v51;
	v53 =	vpop (erf);
	v1 =	vmul.f32 $1.442695020e+00, v1  }
0x171: {  	[tilespmem:s9+$0x9C50] =	vst v53;
	(erf) = vpow2.f32 v50;
	v54 =	vmax.f32 v6, v52  }
0x172: {  	[tilespmem:s9+$0x9C00] =	vst v5;
	(erf) = vpow2.f32 v1;
	v55 =	vmul.f32 $1.442695020e+00, v54  }
0x173: {  	v56 =	vld [tilespmem:s13+$0x7430]  }
0x174: {  	v4 =	vmul.f32 v53, v4;
	(erf) = vpow2.f32 v55  }
0x175: {  	v57 =	vpop (erf)  }
0x176: {  	[tilespmem:s9+$0x9C10] =	vst v4;
	v2 =	vmul.f32 v57, v2  }
0x177: {  	[tilespmem:s9+$0x9C60] =	vst v57;
	v58 =	vpop (erf)  }
0x178: {  	[tilespmem:s9+$0x9C20] =	vst v2;
	v59 =	vmul.f32 v58, v56  }
0x179: {  	[tilespmem:s13+$0x9C70] =	vst v58  }
0x17a: {  	v60 =	vpop (erf);
	[tilespmem:s13+$0x9C30] =	vst v59  }
0x17b: {  	s12 =	sadd.s32 $0x1, s12;
	v0 =	vmul.f32 v60, v0;
	[tilespmem:s13+$0x9C40] =	vst v60;
	v61 =	vpop (erf)  }
0x17c: {  	p0 =	sne.s32 s12, $0x5;
	[tilespmem:s13+$0x9C50] =	vst v61;
	v1 =	vmul.f32 v61, v46  }
.Ltmp5:
0x17d: {  	[tilespmem:s13+$0x9C00] =	vst v0;
	v62 =	vpop (erf);
	(pc) =	sbr.rel @p0 .LBB2_2-.Ltmp5, $4  }
0x17e: {  	[tilespmem:s13+$0x9C10] =	vst v1;
	v63 =	vmul.f32 v62, v48  }
0x17f: {  	[tilespmem:s13+$0x9C60] =	vst v62  }
0x180: {  	[tilespmem:s13+$0x9C20] =	vst v63  }
0x181: {  	[spmem:s1] =	stream.indirect.scatter.add.f32 [tilespmem:s17], [sflag:$0x6], $0x80, s3, s21, $0xb8;
	[tilespmem:$0x1F000] =	vst v63  }
0x182: {  	_ =	swait.ge [sflag:s18], $0x1400  }
0x183: {  	[sflag:s18] =	ssyncset.done $0x0  }
0x184: {  	[sflag:s18] =	ssyncadd.s32 $0xFFFFEC00  }
0x185: {  	_ =	swait.ge [sflag:s19], $0x1400  }
0x186: {  	[sflag:s19] =	ssyncset.done $0x0  }
0x187: {  	[sflag:s19] =	ssyncadd.s32 $0xFFFFEC00  }
0x188: {  	[bflag:$0x0] =	sbarrier.arrive $0xFFFF  }
0x189: {  	s12 =	rddreg [dreg:$0x4]  }
0x18a: {  	s2 =	rddreg [dreg:$0x5]  }
0x18b: {  	s9 =	rddreg [dreg:$0x7]  }
0x18c: {  	[hbm:s2], [sflag:s12] =	dma.local [spmem:s9], $0x2800  }
0x18d: {  	_ =	swait.ge [sflag:s15], $0x2800  }
0x18e: {  	s10 =	rddreg [dreg:$0x8]  }
0x18f: {  	s26 =	rddreg [dreg:$0x6];
	s10 =	sadd.s32 $0x1, s10  }
0x190: {  	p0 =	sne.s32 s10, s26  }
.Ltmp6:
0x191: {  	_ = 	snop;
	(pc) =	sbr.rel @p0 .LBB2_1-.Ltmp6, $3  }
0x192: {  	_ =	sdelay $0x1  }
0x193: {  	[sflag:s15] =	ssyncset.done $0x0  }
0x194: {  	[sflag:s15] =	ssyncadd.s32 $0xFFFFD800  }
0x195: {  	_ =	sfence.sel $0x180000  }
0x196: {  	[bflag:$0x0] =	sbarrier.arrive $0xFFFF  }
0x197: {  	_ =	strace $0x90000047  }
0x198: {  	s0 =	stileid.u32;
	[bflag:$0x2] =	sbarrier.arrive $0xFFFF  }
0x199: {  	p0 =	sne.s32 s0, $0x0;
	s0 =	rddreg [dreg:$0x2]  }
0x19a: {  	s0 =	sadd.s32 @!p0 $0x100000, s0  }
0x19b: {  	[sflag:s0] =	ssyncadd.tile.s32 @!p0 $0x1;
	_ =	shalt  }
.Lfunc_end2:
_tile_overlayer_lowered:
.L_overlay_start_2:
0x19c: {  	(tag) =	ssettag $0x2  }
0x19d: {  	s0 =	rddreg [dreg:$0x0];
	s2 =	stileid.u32  }
0x19e: {  	s1 =	rddreg [dreg:$0x1];
	p0 =	sne.s32 s2, $0x0  }
0x19f: {  	s3 =	rddreg [dreg:$0x2];
	[bflag:$0x3] =	sbarrier.arrive $0xFFFF;
	s2 =	simm.s32 @!p0 $0x1C07  }
0x1a0: {  	[timem:s3], [sflag:s2] =	dma.local @!p0 [hbm:s0], s1  }
0x1a1: {  	s0 =	simm.s32 @!p0 $0x7  }
0x1a2: {  	_ =	swait.ge @!p0 [sflag:s0], s1  }
0x1a3: {  	s1 =	ssub.s32 @!p0 $0x0, s1;
	[sflag:s0] =	ssyncset.done @!p0 $0x0  }
0x1a4: {  	[sflag:s0] =	ssyncadd.s32 @!p0 s1  }
0x1a5: {  	[bflag:$0x3] =	sbarrier.arrive $0xFFFF  }
0x1a6: {  	_ =	shalt  }

</sc_bundles>
